<compile_context>
chip_gen: v7x
topology: tpu7x:2x2x1
jax: 0.10.2.dev20260603
libtpu: 0.0.44.dev20260713+nightly
codegen_flags: <defaults>
</compile_context>

<pallas_src>
import functools

import jax
import jax.numpy as jnp
from jax import lax
from jax.experimental import pallas as pl
from jax.experimental.pallas import tpu as pltpu
from jax.experimental.pallas import tpu_sc as plsc

_NC = 2
_NS = 16
_NW = _NC * _NS
_CH = 128
_G = 16

_mesh = plsc.VectorSubcoreMesh(core_axis_name="c", subcore_axis_name="s")
_SPLIT0 = 0.8


def _sc_degree(dst2d, zeros16, ones16, *, npad, k, w):
    zrows = npad // _NS

    @functools.partial(
        pl.kernel,
        out_type=jax.ShapeDtypeStruct((_NC, npad, w), jnp.float32),
        mesh=_mesh,
        scratch_types=[
            pltpu.VMEM((k, _CH), jnp.int32),
            pltpu.VMEM((_CH, w), jnp.float32),
            pltpu.VMEM_SHARED((npad, w), jnp.float32),
        ],
    )
    def kern(dst_hbm, z_hbm, ones_hbm, out_hbm, idx_v, ones_v, acc_sh):
        c = lax.axis_index("c")
        s = lax.axis_index("s")
        wid = s * _NC + c
        pltpu.sync_copy(dst_hbm.at[pl.ds(wid * k, k)], idx_v)
        pltpu.sync_copy(ones_hbm, ones_v)
        pltpu.sync_copy(z_hbm.at[pl.ds(s * zrows, zrows)],
                        acc_sh.at[pl.ds(s * zrows, zrows)])
        plsc.subcore_barrier()

        @pl.loop(0, k)
        def _(j):
            pltpu.sync_copy(ones_v, acc_sh.at[idx_v.at[j]], add=True)

        plsc.subcore_barrier()
        pltpu.sync_copy(acc_sh.at[pl.ds(s * zrows, zrows)],
                        out_hbm.at[c, pl.ds(s * zrows, zrows)])

    return kern(dst2d, zeros16, ones16)


def _sc_msg(g, src2d, dst2d, zerosd, *, npad, k0, k1, d):
    zrows = npad // _NS

    @functools.partial(
        pl.kernel,
        out_type=jax.ShapeDtypeStruct((_NC, npad, d), jnp.float32),
        mesh=_mesh,
        scratch_types=[
            pltpu.VMEM((_G, _CH), jnp.int32),
            pltpu.VMEM((_G, _CH), jnp.int32),
            pltpu.VMEM((_CH, d), jnp.float32),
            pltpu.VMEM((_CH, d), jnp.float32),
            pltpu.VMEM_SHARED((npad, d), jnp.float32),
            pltpu.SemaphoreType.DMA,
            pltpu.SemaphoreType.DMA,
        ],
    )
    def kern(g_hbm, src_hbm, dst_hbm, z_hbm, out_hbm,
             si_v, di_v, rows0, rows1, acc_sh, sem0, sem1):
        c = lax.axis_index("c")
        s = lax.axis_index("s")
        kc = jnp.where(c == 0, k0, k1)
        row0 = jnp.where(c == 0, s * k0, _NS * k0 + s * k1)
        bufs = (rows0, rows1)
        sems = (sem0, sem1)
        pltpu.sync_copy(z_hbm.at[pl.ds(s * zrows, zrows)],
                        acc_sh.at[pl.ds(s * zrows, zrows)])
        plsc.subcore_barrier()

        @pl.loop(0, kc // _G)
        def _(grp):
            base = pl.multiple_of(row0 + grp * _G, 8)
            pltpu.sync_copy(src_hbm.at[pl.ds(base, _G)], si_v)
            pltpu.sync_copy(dst_hbm.at[pl.ds(base, _G)], di_v)

            pltpu.async_copy(g_hbm.at[si_v.at[0]], bufs[0], sems[0])
            pltpu.async_copy(g_hbm.at[si_v.at[1]], bufs[1], sems[1])

            @pl.loop(0, _G, step=2)
            def _(j0):
                for b in range(2):
                    j = j0 + b
                    nxt = jnp.minimum(j + 2, _G - 1)
                    pltpu.make_async_copy(
                        g_hbm.at[si_v.at[j]], bufs[b], sems[b]).wait()
                    pltpu.sync_copy(bufs[b], acc_sh.at[di_v.at[j]], add=True)
                    pltpu.async_copy(g_hbm.at[si_v.at[nxt]], bufs[b], sems[b])

            for b in range(2):
                pltpu.make_async_copy(
                    g_hbm.at[si_v.at[_G - 1]], bufs[b], sems[b]).wait()

        plsc.subcore_barrier()
        pltpu.sync_copy(acc_sh.at[pl.ds(s * zrows, zrows)],
                        out_hbm.at[c, pl.ds(s * zrows, zrows)])

    return kern(g, src2d, dst2d, zerosd)


def _tc_first(nodes, w1, degp, *, n, d):
    def body(x_ref, w_ref, degp_ref, g_ref):
        deg = degp_ref[0, :n, :1] + degp_ref[1, :n, :1] + 1.0
        dis = lax.rsqrt(deg)
        h = jnp.dot(x_ref[...], w_ref[...], preferred_element_type=jnp.float32)
        g_ref[...] = h * dis

    return pl.pallas_call(
        body,
        out_shape=jax.ShapeDtypeStruct((n, d), jnp.float32),
    )(nodes, w1, degp)


def _tc_mid(acc, g1, b1, degp, w2, *, n, d):
    def body(acc_ref, g_ref, b_ref, degp_ref, w_ref, g2_ref):
        deg = degp_ref[0, :n, :1] + degp_ref[1, :n, :1] + 1.0
        dis = lax.rsqrt(deg)
        tot = (acc_ref[0, :n] + acc_ref[1, :n] + g_ref[...]) * dis + b_ref[...]
        h = jnp.maximum(tot, 0.0)
        g2_ref[...] = jnp.dot(h, w_ref[...],
                              preferred_element_type=jnp.float32) * dis

    return pl.pallas_call(
        body,
        out_shape=jax.ShapeDtypeStruct((n, d), jnp.float32),
    )(acc, g1, b1, degp, w2)


def _tc_last(acc, g2, b2, degp, *, n, d):
    def body(acc_ref, g_ref, b_ref, degp_ref, out_ref):
        deg = degp_ref[0, :n, :1] + degp_ref[1, :n, :1] + 1.0
        dis = lax.rsqrt(deg)
        tot = (acc_ref[0, :n] + acc_ref[1, :n] + g_ref[...]) * dis + b_ref[...]
        out_ref[...] = jnp.maximum(tot, 0.0)

    return pl.pallas_call(
        body,
        out_shape=jax.ShapeDtypeStruct((n, d), jnp.float32),
    )(acc, g2, b2, degp)


def kernel(graphs, x, W1, b1, W2, b2):
    seq_len, bsz, d = x.shape
    n = seq_len * bsz
    e = graphs.shape[0] * graphs.shape[2]

    nodes = jnp.transpose(x, (1, 0, 2)).reshape(-1, d)
    offs = (jnp.arange(bsz, dtype=graphs.dtype) * seq_len)[:, None, None]
    ei = jnp.transpose(graphs + offs, (1, 0, 2)).reshape(2, -1)
    src = ei[0].astype(jnp.int32)
    dst = ei[1].astype(jnp.int32)

    ksum = -(-e // (_NS * _CH))
    ksum = -(-ksum // (2 * _G)) * (2 * _G)
    k0 = max(_G, int(round(ksum * _SPLIT0 / _G)) * _G)
    k1 = ksum - k0
    ep = _NS * ksum * _CH
    kdeg = ksum // 2
    npad = -(-(n + 1) // (_NS * 8)) * (_NS * 8)
    src2d = jnp.concatenate(
        [src, jnp.zeros((ep - e,), jnp.int32)]).reshape(_NS * ksum, _CH)
    dst2d = jnp.concatenate(
        [dst, jnp.full((ep - e,), n, jnp.int32)]).reshape(_NS * ksum, _CH)

    zeros16 = jnp.zeros((npad, d), jnp.float32)
    ones16 = jnp.ones((_CH, d), jnp.float32)
    zerosd = jnp.zeros((npad, d), jnp.float32)

    degp = _sc_degree(dst2d, zeros16, ones16, npad=npad, k=kdeg, w=d)
    g1 = _tc_first(nodes, W1, degp, n=n, d=d)
    acc1 = _sc_msg(g1, src2d, dst2d, zerosd, npad=npad, k0=k0, k1=k1, d=d)
    g2 = _tc_mid(acc1, g1, b1, degp, W2, n=n, d=d)
    acc2 = _sc_msg(g2, src2d, dst2d, zerosd, npad=npad, k0=k0, k1=k1, d=d)
    out = _tc_last(acc2, g2, b2, degp, n=n, d=d)
    return jnp.transpose(out.reshape(bsz, seq_len, d), (1, 0, 2))

# --- scband reference (transcript-rebuilt; emitter-appended) ---
"""Pipeline reference for scband-gcnlayer-64604898066676 (READ-ONLY COPY).

The authoritative reference and input builder live on the scoring server;
editing this copy changes nothing except your own understanding.
"""

import jax, jax.numpy as jnp
import numpy as np

SEQ_LEN = 2500
BSZ = 4
D_IN = 128
D_HID = 128
D_OUT = 128
E_PER = 80000


def _gcn_conv(x, src, dst, W, b, num_nodes):
    # PyG GCNConv: add self-loops, symmetric normalization D^-1/2 (A+I) D^-1/2 X W + b
    loop = jnp.arange(num_nodes, dtype=src.dtype)
    s = jnp.concatenate([src, loop])
    d = jnp.concatenate([dst, loop])
    h = x @ W
    deg = jnp.zeros((num_nodes,), dtype=h.dtype).at[d].add(1.0)
    deg_inv_sqrt = jnp.where(deg > 0, jax.lax.rsqrt(jnp.maximum(deg, 1e-12)), 0.0)
    norm = deg_inv_sqrt[s] * deg_inv_sqrt[d]
    msgs = h[s] * norm[:, None]
    out = jnp.zeros((num_nodes, h.shape[1]), dtype=h.dtype).at[d].add(msgs)
    return out + b


def setup_inputs(seed: int = 0) -> dict:
    key = jax.random.key(seed)
    k1, k2, k3, k4, k5, k6 = jax.random.split(key, 6)
    x = jax.random.normal(k1, (SEQ_LEN, BSZ, D_IN), dtype=jnp.float32)
    graphs = jax.random.randint(k2, (BSZ, 2, E_PER), 0, SEQ_LEN, dtype=jnp.int64 if jax.config.jax_enable_x64 else jnp.int32)
    glorot1 = (6.0 / (D_IN + D_HID)) ** 0.5
    glorot2 = (6.0 / (D_HID + D_OUT)) ** 0.5
    W1 = jax.random.uniform(k3, (D_IN, D_HID), dtype=jnp.float32, minval=-glorot1, maxval=glorot1)
    b1 = jnp.zeros((D_HID,), dtype=jnp.float32)
    W2 = jax.random.uniform(k4, (D_HID, D_OUT), dtype=jnp.float32, minval=-glorot2, maxval=glorot2)
    b2 = jnp.zeros((D_OUT,), dtype=jnp.float32)
    return {"graphs": graphs, "x": x, "W1": W1, "b1": b1, "W2": W2, "b2": b2}


def reference(graphs, x, W1, b1, W2, b2):
    seq_len, bsz, embed_dim = x.shape
    num_nodes = seq_len * bsz
    # Batch.from_data_list: concat node features batch-major, offset edge indices
    nodes = jnp.transpose(x, (1, 0, 2)).reshape(-1, embed_dim)
    offsets = (jnp.arange(bsz, dtype=graphs.dtype) * seq_len)[:, None, None]
    ei = jnp.transpose(graphs + offsets, (1, 0, 2)).reshape(2, -1)
    src, dst = ei[0], ei[1]
    h = _gcn_conv(nodes, src, dst, W1, b1, num_nodes)
    h = jax.nn.relu(h)
    # dropout p=0.0 (eval) -> no-op
    h = _gcn_conv(h, src, dst, W2, b2, num_nodes)
    h = jax.nn.relu(h)
    out = jnp.transpose(h.reshape(bsz, seq_len, embed_dim), (1, 0, 2))
    return out

if __name__ == "__main__":
    import jax
    _d = setup_inputs()
    print(jax.jit(kernel)(*tuple(_d.values())))

</pallas_src>

<mosaic_0001>
#map = affine_map<(d0, d1) -> (0, 0)>
#map1 = affine_map<(d0, d1) -> (0, 0, 0)>
module attributes {stable_mosaic.version = 14 : i64} {
  func.func @kern(%arg0: i32, %arg1: i32, %arg2: memref<2560x128xi32, #tpu.memory_space<hbm>>, %arg3: memref<10112x128xf32, #tpu.memory_space<hbm>>, %arg4: memref<128x128xf32, #tpu.memory_space<hbm>>, %arg5: memref<2x10112x128xf32, #tpu.memory_space<hbm>>, %arg6: memref<80x128xi32, #tpu.memory_space<vmem>>, %arg7: memref<128x128xf32, #tpu.memory_space<vmem>>, %arg8: memref<10112x128xf32, #tpu.memory_space<vmem_shared>>) attributes {dimension_semantics = [#tpu.dimension_semantics<core_parallel>, #tpu.dimension_semantics<subcore_parallel>], iteration_bounds = array<i64: 2, 16>, scalar_prefetch = 0 : i64, scratch_operands = 3 : i64, tpu.core_type = #tpu.core_type<sc_vector_subcore>, window_params = [{transform_indices = #map}, {transform_indices = #map}, {transform_indices = #map}, {transform_indices = #map1}]} {
    %mul3A = arith.constant 2 : i32
    %mul3A_0 = arith.muli %arg1, %mul3A : i32
    %add3A = arith.addi %mul3A_0, %arg0 : i32
    %mul3A_1 = arith.constant 80 : i32
    %mul3A_2 = arith.muli %add3A, %mul3A_1 : i32
    "tpu.region"() ({
      %run_scoped3A = tpu.sem_alloc : memref<!tpu.dma_semaphore, #tpu.memory_space<semaphore_mem>>
      %dma_start3A = arith.constant 0 : i32
      %dma_start3A_16 = tpu.memref_slice %arg2[%mul3A_2, %dma_start3A] : memref<2560x128xi32, #tpu.memory_space<hbm>> -> memref<80x128xi32, #tpu.memory_space<hbm>>
      %dma_start3A_17 = arith.constant 0 : i32
      %dma_start3A_18 = tpu.memref_slice %arg2[%mul3A_2, %dma_start3A_17] : memref<2560x128xi32, #tpu.memory_space<hbm>> -> memref<80x128xi32, #tpu.memory_space<hbm>>
      tpu.enqueue_dma source(%dma_start3A_18 : memref<80x128xi32, #tpu.memory_space<hbm>>) target(%arg6 : memref<80x128xi32, #tpu.memory_space<vmem>>) target_semaphore(%run_scoped3A : memref<!tpu.dma_semaphore, #tpu.memory_space<semaphore_mem>>)
      %dma_wait3A = arith.constant 0 : i32
      %dma_wait3A_19 = tpu.memref_slice %arg2[%mul3A_2, %dma_wait3A] : memref<2560x128xi32, #tpu.memory_space<hbm>> -> memref<80x128xi32, #tpu.memory_space<hbm>>
      %dma_wait3A_20 = arith.constant 0 : i32
      %dma_wait3A_21 = tpu.memref_slice %arg2[%mul3A_2, %dma_wait3A_20] : memref<2560x128xi32, #tpu.memory_space<hbm>> -> memref<80x128xi32, #tpu.memory_space<hbm>>
      tpu.wait_dma2 semaphore(%run_scoped3A : memref<!tpu.dma_semaphore, #tpu.memory_space<semaphore_mem>>) src(%dma_wait3A_21 : memref<80x128xi32, #tpu.memory_space<hbm>>) dst(%arg6 : memref<80x128xi32, #tpu.memory_space<vmem>>)
      tpu.yield
    }) : () -> ()
    "tpu.region"() ({
      %run_scoped3A = tpu.sem_alloc : memref<!tpu.dma_semaphore, #tpu.memory_space<semaphore_mem>>
      tpu.enqueue_dma source(%arg4 : memref<128x128xf32, #tpu.memory_space<hbm>>) target(%arg7 : memref<128x128xf32, #tpu.memory_space<vmem>>) target_semaphore(%run_scoped3A : memref<!tpu.dma_semaphore, #tpu.memory_space<semaphore_mem>>)
      tpu.wait_dma2 semaphore(%run_scoped3A : memref<!tpu.dma_semaphore, #tpu.memory_space<semaphore_mem>>) src(%arg4 : memref<128x128xf32, #tpu.memory_space<hbm>>) dst(%arg7 : memref<128x128xf32, #tpu.memory_space<vmem>>)
      tpu.yield
    }) : () -> ()
    %mul3A_3 = arith.constant 632 : i32
    %mul3A_4 = arith.muli %arg1, %mul3A_3 : i32
    %mul3A_5 = arith.constant 632 : i32
    %mul3A_6 = arith.muli %arg1, %mul3A_5 : i32
    "tpu.region"() ({
      %run_scoped3A = tpu.sem_alloc : memref<!tpu.dma_semaphore, #tpu.memory_space<semaphore_mem>>
      %dma_start3A = arith.constant 0 : i32
      %dma_start3A_16 = tpu.memref_slice %arg8[%mul3A_6, %dma_start3A] : memref<10112x128xf32, #tpu.memory_space<vmem_shared>> -> memref<632x128xf32, #tpu.memory_space<vmem_shared>>
      %dma_start3A_17 = arith.constant 0 : i32
      %dma_start3A_18 = tpu.memref_slice %arg3[%mul3A_4, %dma_start3A_17] : memref<10112x128xf32, #tpu.memory_space<hbm>> -> memref<632x128xf32, #tpu.memory_space<hbm>>
      tpu.enqueue_dma source(%dma_start3A_18 : memref<632x128xf32, #tpu.memory_space<hbm>>) target(%dma_start3A_16 : memref<632x128xf32, #tpu.memory_space<vmem_shared>>) target_semaphore(%run_scoped3A : memref<!tpu.dma_semaphore, #tpu.memory_space<semaphore_mem>>)
      %dma_wait3A = arith.constant 0 : i32
      %dma_wait3A_19 = tpu.memref_slice %arg8[%mul3A_6, %dma_wait3A] : memref<10112x128xf32, #tpu.memory_space<vmem_shared>> -> memref<632x128xf32, #tpu.memory_space<vmem_shared>>
      %dma_wait3A_20 = arith.constant 0 : i32
      %dma_wait3A_21 = tpu.memref_slice %arg3[%mul3A_4, %dma_wait3A_20] : memref<10112x128xf32, #tpu.memory_space<hbm>> -> memref<632x128xf32, #tpu.memory_space<hbm>>
      tpu.wait_dma2 semaphore(%run_scoped3A : memref<!tpu.dma_semaphore, #tpu.memory_space<semaphore_mem>>) src(%dma_wait3A_21 : memref<632x128xf32, #tpu.memory_space<hbm>>) dst(%dma_wait3A_19 : memref<632x128xf32, #tpu.memory_space<vmem_shared>>)
      tpu.yield
    }) : () -> ()
    %barrier3A = arith.constant 0 : index
    tpu.barrier barrier_id(%barrier3A)
    %scan3A = arith.constant 0 : i32
    %scan3A_7 = arith.constant 80 : i32
    %scan3A_8 = arith.addi %scan3A, %scan3A_7 : i32
    %scan3A_9 = arith.constant 1 : i32
    scf.for %scan3A_16 = %scan3A to %scan3A_8 step %scan3A_9  : i32 {
      %mul3A_17 = arith.constant 1 : i32
      %mul3A_18 = arith.muli %scan3A_16, %mul3A_17 : i32
      %add3A_19 = arith.constant 0 : i32
      %add3A_20 = arith.addi %add3A_19, %mul3A_18 : i32
      "tpu.region"() ({
        %run_scoped3A = tpu.sem_alloc : memref<!tpu.dma_semaphore, #tpu.memory_space<semaphore_mem>>
        %dma_start3A = arith.constant 0 : i32
        %dma_start3A_21 = tpu.memref_slice %arg6[%add3A_20, %dma_start3A] : memref<80x128xi32, #tpu.memory_space<vmem>> -> memref<1x128xi32, #tpu.memory_space<vmem>>
        %dma_start3A_22 = tpu.memref_squeeze %dma_start3A_21 : memref<1x128xi32, #tpu.memory_space<vmem>> -> memref<128xi32, #tpu.memory_space<vmem>>
        %dma_start3A_23 = arith.constant 0 : i32
        %dma_start3A_24 = arith.constant 0 : i32
        %dma_start3A_25 = tpu.memref_slice %arg8[%dma_start3A_23, %dma_start3A_24] : memref<10112x128xf32, #tpu.memory_space<vmem_shared>> -> memref<10112x128xf32, #tpu.memory_space<vmem_shared>>
        tpu.enqueue_indirect_dma source(%arg7 : memref<128x128xf32, #tpu.memory_space<vmem>>) target(%dma_start3A_25 : memref<10112x128xf32, #tpu.memory_space<vmem_shared>>) offsets(%dma_start3A_22 : memref<128xi32, #tpu.memory_space<vmem>>) semaphore(%run_scoped3A : memref<!tpu.dma_semaphore, #tpu.memory_space<semaphore_mem>>) {add = true}
        %dma_wait3A = arith.constant 0 : i32
        %dma_wait3A_26 = tpu.memref_slice %arg6[%add3A_20, %dma_wait3A] : memref<80x128xi32, #tpu.memory_space<vmem>> -> memref<1x128xi32, #tpu.memory_space<vmem>>
        %dma_wait3A_27 = tpu.memref_squeeze %dma_wait3A_26 : memref<1x128xi32, #tpu.memory_space<vmem>> -> memref<128xi32, #tpu.memory_space<vmem>>
        %dma_wait3A_28 = arith.constant 0 : i32
        %dma_wait3A_29 = arith.constant 0 : i32
        %dma_wait3A_30 = tpu.memref_slice %arg8[%dma_wait3A_28, %dma_wait3A_29] : memref<10112x128xf32, #tpu.memory_space<vmem_shared>> -> memref<10112x128xf32, #tpu.memory_space<vmem_shared>>
        tpu.wait_indirect_dma semaphore(%run_scoped3A : memref<!tpu.dma_semaphore, #tpu.memory_space<semaphore_mem>>) src(%arg7 : memref<128x128xf32, #tpu.memory_space<vmem>>) dst(%dma_wait3A_30 : memref<10112x128xf32, #tpu.memory_space<vmem_shared>>)
        tpu.yield
      }) : () -> ()
    }
    %scan3A_10 = arith.constant 80 : i32
    %barrier3A_11 = arith.constant 0 : index
    tpu.barrier barrier_id(%barrier3A_11)
    %mul3A_12 = arith.constant 632 : i32
    %mul3A_13 = arith.muli %arg1, %mul3A_12 : i32
    %mul3A_14 = arith.constant 632 : i32
    %mul3A_15 = arith.muli %arg1, %mul3A_14 : i32
    "tpu.region"() ({
      %run_scoped3A = tpu.sem_alloc : memref<!tpu.dma_semaphore, #tpu.memory_space<semaphore_mem>>
      %dma_start3A = arith.constant 0 : i32
      %dma_start3A_16 = tpu.memref_slice %arg5[%arg0, %mul3A_15, %dma_start3A] : memref<2x10112x128xf32, #tpu.memory_space<hbm>> -> memref<1x632x128xf32, #tpu.memory_space<hbm>>
      %dma_start3A_17 = tpu.memref_squeeze %dma_start3A_16 : memref<1x632x128xf32, #tpu.memory_space<hbm>> -> memref<632x128xf32, #tpu.memory_space<hbm>>
      %dma_start3A_18 = arith.constant 0 : i32
      %dma_start3A_19 = tpu.memref_slice %arg8[%mul3A_13, %dma_start3A_18] : memref<10112x128xf32, #tpu.memory_space<vmem_shared>> -> memref<632x128xf32, #tpu.memory_space<vmem_shared>>
      tpu.enqueue_dma source(%dma_start3A_19 : memref<632x128xf32, #tpu.memory_space<vmem_shared>>) target(%dma_start3A_17 : memref<632x128xf32, #tpu.memory_space<hbm>>) target_semaphore(%run_scoped3A : memref<!tpu.dma_semaphore, #tpu.memory_space<semaphore_mem>>)
      %dma_wait3A = arith.constant 0 : i32
      %dma_wait3A_20 = tpu.memref_slice %arg5[%arg0, %mul3A_15, %dma_wait3A] : memref<2x10112x128xf32, #tpu.memory_space<hbm>> -> memref<1x632x128xf32, #tpu.memory_space<hbm>>
      %dma_wait3A_21 = tpu.memref_squeeze %dma_wait3A_20 : memref<1x632x128xf32, #tpu.memory_space<hbm>> -> memref<632x128xf32, #tpu.memory_space<hbm>>
      %dma_wait3A_22 = arith.constant 0 : i32
      %dma_wait3A_23 = tpu.memref_slice %arg8[%mul3A_13, %dma_wait3A_22] : memref<10112x128xf32, #tpu.memory_space<vmem_shared>> -> memref<632x128xf32, #tpu.memory_space<vmem_shared>>
      tpu.wait_dma2 semaphore(%run_scoped3A : memref<!tpu.dma_semaphore, #tpu.memory_space<semaphore_mem>>) src(%dma_wait3A_23 : memref<632x128xf32, #tpu.memory_space<vmem_shared>>) dst(%dma_wait3A_21 : memref<632x128xf32, #tpu.memory_space<hbm>>)
      tpu.yield
    }) : () -> ()
    return
  }
}

#map = affine_map<(d0, d1) -> (0, 0)>
#map1 = affine_map<(d0, d1) -> (0, 0, 0)>
module attributes {stable_mosaic.version = 14 : i64} {
  func.func @kern(%arg0: i32, %arg1: i32, %arg2: memref<10000x128xf32, #tpu.memory_space<hbm>>, %arg3: memref<2560x128xi32, #tpu.memory_space<hbm>>, %arg4: memref<2560x128xi32, #tpu.memory_space<hbm>>, %arg5: memref<10112x128xf32, #tpu.memory_space<hbm>>, %arg6: memref<2x10112x128xf32, #tpu.memory_space<hbm>>, %arg7: memref<16x128xi32, #tpu.memory_space<vmem>>, %arg8: memref<16x128xi32, #tpu.memory_space<vmem>>, %arg9: memref<128x128xf32, #tpu.memory_space<vmem>>, %arg10: memref<128x128xf32, #tpu.memory_space<vmem>>, %arg11: memref<10112x128xf32, #tpu.memory_space<vmem_shared>>, %arg12: memref<!tpu.dma_semaphore, #tpu.memory_space<semaphore_mem>>, %arg13: memref<!tpu.dma_semaphore, #tpu.memory_space<semaphore_mem>>) attributes {dimension_semantics = [#tpu.dimension_semantics<core_parallel>, #tpu.dimension_semantics<subcore_parallel>], iteration_bounds = array<i64: 2, 16>, scalar_prefetch = 0 : i64, scratch_operands = 7 : i64, tpu.core_type = #tpu.core_type<sc_vector_subcore>, window_params = [{transform_indices = #map}, {transform_indices = #map}, {transform_indices = #map}, {transform_indices = #map}, {transform_indices = #map1}]} {
    %eq3A = arith.constant 0 : i32
    %eq3A_0 = arith.cmpi eq, %arg0, %eq3A : i32
    %jit3A = arith.constant 128 : i32
    %jit3A_1 = arith.constant 32 : i32
    %select_n3A = arith.select %eq3A_0, %jit3A, %jit3A_1 : i32
    %eq3A_2 = arith.constant 0 : i32
    %eq3A_3 = arith.cmpi eq, %arg0, %eq3A_2 : i32
    %mul3A = arith.constant 128 : i32
    %mul3A_4 = arith.muli %arg1, %mul3A : i32
    %mul3A_5 = arith.constant 32 : i32
    %mul3A_6 = arith.muli %arg1, %mul3A_5 : i32
    %add3A = arith.constant 2048 : i32
    %add3A_7 = arith.addi %add3A, %mul3A_6 : i32
    %select_n3A_8 = arith.select %eq3A_3, %mul3A_4, %add3A_7 : i32
    %mul3A_9 = arith.constant 632 : i32
    %mul3A_10 = arith.muli %arg1, %mul3A_9 : i32
    %mul3A_11 = arith.constant 632 : i32
    %mul3A_12 = arith.muli %arg1, %mul3A_11 : i32
    "tpu.region"() ({
      %run_scoped3A = tpu.sem_alloc : memref<!tpu.dma_semaphore, #tpu.memory_space<semaphore_mem>>
      %dma_start3A = arith.constant 0 : i32
      %dma_start3A_54 = tpu.memref_slice %arg11[%mul3A_12, %dma_start3A] : memref<10112x128xf32, #tpu.memory_space<vmem_shared>> -> memref<632x128xf32, #tpu.memory_space<vmem_shared>>
      %dma_start3A_55 = arith.constant 0 : i32
      %dma_start3A_56 = tpu.memref_slice %arg5[%mul3A_10, %dma_start3A_55] : memref<10112x128xf32, #tpu.memory_space<hbm>> -> memref<632x128xf32, #tpu.memory_space<hbm>>
      tpu.enqueue_dma source(%dma_start3A_56 : memref<632x128xf32, #tpu.memory_space<hbm>>) target(%dma_start3A_54 : memref<632x128xf32, #tpu.memory_space<vmem_shared>>) target_semaphore(%run_scoped3A : memref<!tpu.dma_semaphore, #tpu.memory_space<semaphore_mem>>)
      %dma_wait3A = arith.constant 0 : i32
      %dma_wait3A_57 = tpu.memref_slice %arg11[%mul3A_12, %dma_wait3A] : memref<10112x128xf32, #tpu.memory_space<vmem_shared>> -> memref<632x128xf32, #tpu.memory_space<vmem_shared>>
      %dma_wait3A_58 = arith.constant 0 : i32
      %dma_wait3A_59 = tpu.memref_slice %arg5[%mul3A_10, %dma_wait3A_58] : memref<10112x128xf32, #tpu.memory_space<hbm>> -> memref<632x128xf32, #tpu.memory_space<hbm>>
      tpu.wait_dma2 semaphore(%run_scoped3A : memref<!tpu.dma_semaphore, #tpu.memory_space<semaphore_mem>>) src(%dma_wait3A_59 : memref<632x128xf32, #tpu.memory_space<hbm>>) dst(%dma_wait3A_57 : memref<632x128xf32, #tpu.memory_space<vmem_shared>>)
      tpu.yield
    }) : () -> ()
    %barrier3A = arith.constant 0 : index
    tpu.barrier barrier_id(%barrier3A)
    %jit3A_13 = arith.constant 16 : i32
    %div3A = arith.divsi %select_n3A, %jit3A_13 : i32
    %sign3A = arith.constant 0 : i32
    %sign3A_14 = arith.cmpi sgt, %select_n3A, %sign3A : i32
    %sign3A_15 = arith.extui %sign3A_14 : i1 to i32
    %sign3A_16 = arith.constant 0 : i32
    %sign3A_17 = arith.cmpi slt, %select_n3A, %sign3A_16 : i32
    %sign3A_18 = arith.extui %sign3A_17 : i1 to i32
    %sign3A_19 = arith.subi %sign3A_15, %sign3A_18 : i32
    %sign3A_20 = arith.constant 0 : i32
    %sign3A_21 = arith.cmpi sgt, %jit3A_13, %sign3A_20 : i32
    %sign3A_22 = arith.extui %sign3A_21 : i1 to i32
    %sign3A_23 = arith.constant 0 : i32
    %sign3A_24 = arith.cmpi slt, %jit3A_13, %sign3A_23 : i32
    %sign3A_25 = arith.extui %sign3A_24 : i1 to i32
    %sign3A_26 = arith.subi %sign3A_22, %sign3A_25 : i32
    %ne3A = arith.cmpi ne, %sign3A_19, %sign3A_26 : i32
    %rem3A = arith.remsi %select_n3A, %jit3A_13 : i32
    %ne3A_27 = arith.constant 0 : i32
    %ne3A_28 = arith.cmpi ne, %rem3A, %ne3A_27 : i32
    %and3A = arith.andi %ne3A, %ne3A_28 : i1
    %sub3A = arith.constant 1 : i32
    %sub3A_29 = arith.subi %div3A, %sub3A : i32
    %select_n3A_30 = arith.select %and3A, %sub3A_29, %div3A : i32
    %sub3A_31 = arith.constant 0 : i32
    %sub3A_32 = arith.subi %select_n3A_30, %sub3A_31 : i32
    %sub3A_33 = arith.constant 1 : i32
    %sub3A_34 = arith.constant 1 : i32
    %sub3A_35 = arith.subi %sub3A_33, %sub3A_34 : i32
    %add3A_36 = arith.addi %sub3A_32, %sub3A_35 : i32
    %div3A_37 = arith.constant 1 : i32
    %div3A_38 = arith.divsi %add3A_36, %div3A_37 : i32
    %while3A = arith.constant 1 : i32
    %while3A_39 = arith.constant 0 : i32
    %while3A_40 = arith.constant 0 : i32
    %while3A_41 = arith.subi %div3A_38, %while3A_40 : i32
    %while3A_42 = arith.addi %while3A_40, %while3A_41 : i32
    %while3A_43 = arith.constant 1 : i32
    %while3A_44 = arith.divsi %while3A_41, %while3A_43 : i32
    %while3A_45 = arith.muli %while3A_44, %while3A_43 : i32
    %while3A_46 = arith.addi %while3A_40, %while3A_45 : i32
    %while3A_47 = arith.constant 1 : i32
    scf.for %while3A_54 = %while3A_40 to %while3A_46 step %while3A_47  : i32 {
      %mul3A_55 = arith.muli %while3A_54, %while3A : i32
      %add3A_56 = arith.addi %while3A_39, %mul3A_55 : i32
      %mul3A_57 = arith.constant 16 : i32
      %mul3A_58 = arith.muli %add3A_56, %mul3A_57 : i32
      %add3A_59 = arith.addi %select_n3A_8, %mul3A_58 : i32
      %multiple_of3A = tpu.assume_multiple %add3A_59, 8 : i32
      "tpu.region"() ({
        %run_scoped3A = tpu.sem_alloc : memref<!tpu.dma_semaphore, #tpu.memory_space<semaphore_mem>>
        %dma_start3A_90 = arith.constant 0 : i32
        %dma_start3A_91 = tpu.memref_slice %arg3[%multiple_of3A, %dma_start3A_90] : memref<2560x128xi32, #tpu.memory_space<hbm>> -> memref<16x128xi32, #tpu.memory_space<hbm>>
        %dma_start3A_92 = arith.constant 0 : i32
        %dma_start3A_93 = tpu.memref_slice %arg3[%multiple_of3A, %dma_start3A_92] : memref<2560x128xi32, #tpu.memory_space<hbm>> -> memref<16x128xi32, #tpu.memory_space<hbm>>
        tpu.enqueue_dma source(%dma_start3A_93 : memref<16x128xi32, #tpu.memory_space<hbm>>) target(%arg7 : memref<16x128xi32, #tpu.memory_space<vmem>>) target_semaphore(%run_scoped3A : memref<!tpu.dma_semaphore, #tpu.memory_space<semaphore_mem>>)
        %dma_wait3A_94 = arith.constant 0 : i32
        %dma_wait3A_95 = tpu.memref_slice %arg3[%multiple_of3A, %dma_wait3A_94] : memref<2560x128xi32, #tpu.memory_space<hbm>> -> memref<16x128xi32, #tpu.memory_space<hbm>>
        %dma_wait3A_96 = arith.constant 0 : i32
        %dma_wait3A_97 = tpu.memref_slice %arg3[%multiple_of3A, %dma_wait3A_96] : memref<2560x128xi32, #tpu.memory_space<hbm>> -> memref<16x128xi32, #tpu.memory_space<hbm>>
        tpu.wait_dma2 semaphore(%run_scoped3A : memref<!tpu.dma_semaphore, #tpu.memory_space<semaphore_mem>>) src(%dma_wait3A_97 : memref<16x128xi32, #tpu.memory_space<hbm>>) dst(%arg7 : memref<16x128xi32, #tpu.memory_space<vmem>>)
        tpu.yield
      }) : () -> ()
      "tpu.region"() ({
        %run_scoped3A = tpu.sem_alloc : memref<!tpu.dma_semaphore, #tpu.memory_space<semaphore_mem>>
        %dma_start3A_90 = arith.constant 0 : i32
        %dma_start3A_91 = tpu.memref_slice %arg4[%multiple_of3A, %dma_start3A_90] : memref<2560x128xi32, #tpu.memory_space<hbm>> -> memref<16x128xi32, #tpu.memory_space<hbm>>
        %dma_start3A_92 = arith.constant 0 : i32
        %dma_start3A_93 = tpu.memref_slice %arg4[%multiple_of3A, %dma_start3A_92] : memref<2560x128xi32, #tpu.memory_space<hbm>> -> memref<16x128xi32, #tpu.memory_space<hbm>>
        tpu.enqueue_dma source(%dma_start3A_93 : memref<16x128xi32, #tpu.memory_space<hbm>>) target(%arg8 : memref<16x128xi32, #tpu.memory_space<vmem>>) target_semaphore(%run_scoped3A : memref<!tpu.dma_semaphore, #tpu.memory_space<semaphore_mem>>)
        %dma_wait3A_94 = arith.constant 0 : i32
        %dma_wait3A_95 = tpu.memref_slice %arg4[%multiple_of3A, %dma_wait3A_94] : memref<2560x128xi32, #tpu.memory_space<hbm>> -> memref<16x128xi32, #tpu.memory_space<hbm>>
        %dma_wait3A_96 = arith.constant 0 : i32
        %dma_wait3A_97 = tpu.memref_slice %arg4[%multiple_of3A, %dma_wait3A_96] : memref<2560x128xi32, #tpu.memory_space<hbm>> -> memref<16x128xi32, #tpu.memory_space<hbm>>
        tpu.wait_dma2 semaphore(%run_scoped3A : memref<!tpu.dma_semaphore, #tpu.memory_space<semaphore_mem>>) src(%dma_wait3A_97 : memref<16x128xi32, #tpu.memory_space<hbm>>) dst(%arg8 : memref<16x128xi32, #tpu.memory_space<vmem>>)
        tpu.yield
      }) : () -> ()
      %dma_start3A = arith.constant 0 : i32
      %dma_start3A_60 = arith.constant 0 : i32
      %dma_start3A_61 = tpu.memref_slice %arg7[%dma_start3A, %dma_start3A_60] : memref<16x128xi32, #tpu.memory_space<vmem>> -> memref<1x128xi32, #tpu.memory_space<vmem>>
      %dma_start3A_62 = tpu.memref_squeeze %dma_start3A_61 : memref<1x128xi32, #tpu.memory_space<vmem>> -> memref<128xi32, #tpu.memory_space<vmem>>
      %dma_start3A_63 = arith.constant 0 : i32
      %dma_start3A_64 = arith.constant 0 : i32
      %dma_start3A_65 = tpu.memref_slice %arg2[%dma_start3A_63, %dma_start3A_64] : memref<10000x128xf32, #tpu.memory_space<hbm>> -> memref<10000x128xf32, #tpu.memory_space<hbm>>
      tpu.enqueue_indirect_dma source(%dma_start3A_65 : memref<10000x128xf32, #tpu.memory_space<hbm>>) target(%arg9 : memref<128x128xf32, #tpu.memory_space<vmem>>) offsets(%dma_start3A_62 : memref<128xi32, #tpu.memory_space<vmem>>) semaphore(%arg12 : memref<!tpu.dma_semaphore, #tpu.memory_space<semaphore_mem>>)
      %dma_start3A_66 = arith.constant 1 : i32
      %dma_start3A_67 = arith.constant 0 : i32
      %dma_start3A_68 = tpu.memref_slice %arg7[%dma_start3A_66, %dma_start3A_67] : memref<16x128xi32, #tpu.memory_space<vmem>> -> memref<1x128xi32, #tpu.memory_space<vmem>>
      %dma_start3A_69 = tpu.memref_squeeze %dma_start3A_68 : memref<1x128xi32, #tpu.memory_space<vmem>> -> memref<128xi32, #tpu.memory_space<vmem>>
      %dma_start3A_70 = arith.constant 0 : i32
      %dma_start3A_71 = arith.constant 0 : i32
      %dma_start3A_72 = tpu.memref_slice %arg2[%dma_start3A_70, %dma_start3A_71] : memref<10000x128xf32, #tpu.memory_space<hbm>> -> memref<10000x128xf32, #tpu.memory_space<hbm>>
      tpu.enqueue_indirect_dma source(%dma_start3A_72 : memref<10000x128xf32, #tpu.memory_space<hbm>>) target(%arg10 : memref<128x128xf32, #tpu.memory_space<vmem>>) offsets(%dma_start3A_69 : memref<128xi32, #tpu.memory_space<vmem>>) semaphore(%arg13 : memref<!tpu.dma_semaphore, #tpu.memory_space<semaphore_mem>>)
      %scan3A = arith.constant 0 : i32
      %scan3A_73 = arith.constant 8 : i32
      %scan3A_74 = arith.addi %scan3A, %scan3A_73 : i32
      %scan3A_75 = arith.constant 1 : i32
      scf.for %scan3A_90 = %scan3A to %scan3A_74 step %scan3A_75  : i32 {
        %mul3A_91 = arith.constant 2 : i32
        %mul3A_92 = arith.muli %scan3A_90, %mul3A_91 : i32
        %add3A_93 = arith.constant 0 : i32
        %add3A_94 = arith.addi %add3A_93, %mul3A_92 : i32
        %add3A_95 = arith.constant 0 : i32
        %add3A_96 = arith.addi %add3A_94, %add3A_95 : i32
        %add3A_97 = arith.constant 2 : i32
        %add3A_98 = arith.addi %add3A_96, %add3A_97 : i32
        %min3A = arith.constant 15 : i32
        %min3A_99 = arith.minsi %add3A_98, %min3A : i32
        %dma_wait3A_100 = arith.constant 0 : i32
        %dma_wait3A_101 = tpu.memref_slice %arg7[%add3A_96, %dma_wait3A_100] : memref<16x128xi32, #tpu.memory_space<vmem>> -> memref<1x128xi32, #tpu.memory_space<vmem>>
        %dma_wait3A_102 = tpu.memref_squeeze %dma_wait3A_101 : memref<1x128xi32, #tpu.memory_space<vmem>> -> memref<128xi32, #tpu.memory_space<vmem>>
        %dma_wait3A_103 = arith.constant 0 : i32
        %dma_wait3A_104 = arith.constant 0 : i32
        %dma_wait3A_105 = tpu.memref_slice %arg2[%dma_wait3A_103, %dma_wait3A_104] : memref<10000x128xf32, #tpu.memory_space<hbm>> -> memref<10000x128xf32, #tpu.memory_space<hbm>>
        tpu.wait_indirect_dma semaphore(%arg12 : memref<!tpu.dma_semaphore, #tpu.memory_space<semaphore_mem>>) src(%dma_wait3A_105 : memref<10000x128xf32, #tpu.memory_space<hbm>>) dst(%arg9 : memref<128x128xf32, #tpu.memory_space<vmem>>)
        "tpu.region"() ({
          %run_scoped3A = tpu.sem_alloc : memref<!tpu.dma_semaphore, #tpu.memory_space<semaphore_mem>>
          %dma_start3A_130 = arith.constant 0 : i32
          %dma_start3A_131 = tpu.memref_slice %arg8[%add3A_96, %dma_start3A_130] : memref<16x128xi32, #tpu.memory_space<vmem>> -> memref<1x128xi32, #tpu.memory_space<vmem>>
          %dma_start3A_132 = tpu.memref_squeeze %dma_start3A_131 : memref<1x128xi32, #tpu.memory_space<vmem>> -> memref<128xi32, #tpu.memory_space<vmem>>
          %dma_start3A_133 = arith.constant 0 : i32
          %dma_start3A_134 = arith.constant 0 : i32
          %dma_start3A_135 = tpu.memref_slice %arg11[%dma_start3A_133, %dma_start3A_134] : memref<10112x128xf32, #tpu.memory_space<vmem_shared>> -> memref<10112x128xf32, #tpu.memory_space<vmem_shared>>
          tpu.enqueue_indirect_dma source(%arg9 : memref<128x128xf32, #tpu.memory_space<vmem>>) target(%dma_start3A_135 : memref<10112x128xf32, #tpu.memory_space<vmem_shared>>) offsets(%dma_start3A_132 : memref<128xi32, #tpu.memory_space<vmem>>) semaphore(%run_scoped3A : memref<!tpu.dma_semaphore, #tpu.memory_space<semaphore_mem>>) {add = true}
          %dma_wait3A_136 = arith.constant 0 : i32
          %dma_wait3A_137 = tpu.memref_slice %arg8[%add3A_96, %dma_wait3A_136] : memref<16x128xi32, #tpu.memory_space<vmem>> -> memref<1x128xi32, #tpu.memory_space<vmem>>
          %dma_wait3A_138 = tpu.memref_squeeze %dma_wait3A_137 : memref<1x128xi32, #tpu.memory_space<vmem>> -> memref<128xi32, #tpu.memory_space<vmem>>
          %dma_wait3A_139 = arith.constant 0 : i32
          %dma_wait3A_140 = arith.constant 0 : i32
          %dma_wait3A_141 = tpu.memref_slice %arg11[%dma_wait3A_139, %dma_wait3A_140] : memref<10112x128xf32, #tpu.memory_space<vmem_shared>> -> memref<10112x128xf32, #tpu.memory_space<vmem_shared>>
          tpu.wait_indirect_dma semaphore(%run_scoped3A : memref<!tpu.dma_semaphore, #tpu.memory_space<semaphore_mem>>) src(%arg9 : memref<128x128xf32, #tpu.memory_space<vmem>>) dst(%dma_wait3A_141 : memref<10112x128xf32, #tpu.memory_space<vmem_shared>>)
          tpu.yield
        }) : () -> ()
        %dma_start3A_106 = arith.constant 0 : i32
        %dma_start3A_107 = tpu.memref_slice %arg7[%min3A_99, %dma_start3A_106] : memref<16x128xi32, #tpu.memory_space<vmem>> -> memref<1x128xi32, #tpu.memory_space<vmem>>
        %dma_start3A_108 = tpu.memref_squeeze %dma_start3A_107 : memref<1x128xi32, #tpu.memory_space<vmem>> -> memref<128xi32, #tpu.memory_space<vmem>>
        %dma_start3A_109 = arith.constant 0 : i32
        %dma_start3A_110 = arith.constant 0 : i32
        %dma_start3A_111 = tpu.memref_slice %arg2[%dma_start3A_109, %dma_start3A_110] : memref<10000x128xf32, #tpu.memory_space<hbm>> -> memref<10000x128xf32, #tpu.memory_space<hbm>>
        tpu.enqueue_indirect_dma source(%dma_start3A_111 : memref<10000x128xf32, #tpu.memory_space<hbm>>) target(%arg9 : memref<128x128xf32, #tpu.memory_space<vmem>>) offsets(%dma_start3A_108 : memref<128xi32, #tpu.memory_space<vmem>>) semaphore(%arg12 : memref<!tpu.dma_semaphore, #tpu.memory_space<semaphore_mem>>)
        %add3A_112 = arith.constant 1 : i32
        %add3A_113 = arith.addi %add3A_94, %add3A_112 : i32
        %add3A_114 = arith.constant 2 : i32
        %add3A_115 = arith.addi %add3A_113, %add3A_114 : i32
        %min3A_116 = arith.constant 15 : i32
        %min3A_117 = arith.minsi %add3A_115, %min3A_116 : i32
        %dma_wait3A_118 = arith.constant 0 : i32
        %dma_wait3A_119 = tpu.memref_slice %arg7[%add3A_113, %dma_wait3A_118] : memref<16x128xi32, #tpu.memory_space<vmem>> -> memref<1x128xi32, #tpu.memory_space<vmem>>
        %dma_wait3A_120 = tpu.memref_squeeze %dma_wait3A_119 : memref<1x128xi32, #tpu.memory_space<vmem>> -> memref<128xi32, #tpu.memory_space<vmem>>
        %dma_wait3A_121 = arith.constant 0 : i32
        %dma_wait3A_122 = arith.constant 0 : i32
        %dma_wait3A_123 = tpu.memref_slice %arg2[%dma_wait3A_121, %dma_wait3A_122] : memref<10000x128xf32, #tpu.memory_space<hbm>> -> memref<10000x128xf32, #tpu.memory_space<hbm>>
        tpu.wait_indirect_dma semaphore(%arg13 : memref<!tpu.dma_semaphore, #tpu.memory_space<semaphore_mem>>) src(%dma_wait3A_123 : memref<10000x128xf32, #tpu.memory_space<hbm>>) dst(%arg10 : memref<128x128xf32, #tpu.memory_space<vmem>>)
        "tpu.region"() ({
          %run_scoped3A = tpu.sem_alloc : memref<!tpu.dma_semaphore, #tpu.memory_space<semaphore_mem>>
          %dma_start3A_130 = arith.constant 0 : i32
          %dma_start3A_131 = tpu.memref_slice %arg8[%add3A_113, %dma_start3A_130] : memref<16x128xi32, #tpu.memory_space<vmem>> -> memref<1x128xi32, #tpu.memory_space<vmem>>
          %dma_start3A_132 = tpu.memref_squeeze %dma_start3A_131 : memref<1x128xi32, #tpu.memory_space<vmem>> -> memref<128xi32, #tpu.memory_space<vmem>>
          %dma_start3A_133 = arith.constant 0 : i32
          %dma_start3A_134 = arith.constant 0 : i32
          %dma_start3A_135 = tpu.memref_slice %arg11[%dma_start3A_133, %dma_start3A_134] : memref<10112x128xf32, #tpu.memory_space<vmem_shared>> -> memref<10112x128xf32, #tpu.memory_space<vmem_shared>>
          tpu.enqueue_indirect_dma source(%arg10 : memref<128x128xf32, #tpu.memory_space<vmem>>) target(%dma_start3A_135 : memref<10112x128xf32, #tpu.memory_space<vmem_shared>>) offsets(%dma_start3A_132 : memref<128xi32, #tpu.memory_space<vmem>>) semaphore(%run_scoped3A : memref<!tpu.dma_semaphore, #tpu.memory_space<semaphore_mem>>) {add = true}
          %dma_wait3A_136 = arith.constant 0 : i32
          %dma_wait3A_137 = tpu.memref_slice %arg8[%add3A_113, %dma_wait3A_136] : memref<16x128xi32, #tpu.memory_space<vmem>> -> memref<1x128xi32, #tpu.memory_space<vmem>>
          %dma_wait3A_138 = tpu.memref_squeeze %dma_wait3A_137 : memref<1x128xi32, #tpu.memory_space<vmem>> -> memref<128xi32, #tpu.memory_space<vmem>>
          %dma_wait3A_139 = arith.constant 0 : i32
          %dma_wait3A_140 = arith.constant 0 : i32
          %dma_wait3A_141 = tpu.memref_slice %arg11[%dma_wait3A_139, %dma_wait3A_140] : memref<10112x128xf32, #tpu.memory_space<vmem_shared>> -> memref<10112x128xf32, #tpu.memory_space<vmem_shared>>
          tpu.wait_indirect_dma semaphore(%run_scoped3A : memref<!tpu.dma_semaphore, #tpu.memory_space<semaphore_mem>>) src(%arg10 : memref<128x128xf32, #tpu.memory_space<vmem>>) dst(%dma_wait3A_141 : memref<10112x128xf32, #tpu.memory_space<vmem_shared>>)
          tpu.yield
        }) : () -> ()
        %dma_start3A_124 = arith.constant 0 : i32
        %dma_start3A_125 = tpu.memref_slice %arg7[%min3A_117, %dma_start3A_124] : memref<16x128xi32, #tpu.memory_space<vmem>> -> memref<1x128xi32, #tpu.memory_space<vmem>>
        %dma_start3A_126 = tpu.memref_squeeze %dma_start3A_125 : memref<1x128xi32, #tpu.memory_space<vmem>> -> memref<128xi32, #tpu.memory_space<vmem>>
        %dma_start3A_127 = arith.constant 0 : i32
        %dma_start3A_128 = arith.constant 0 : i32
        %dma_start3A_129 = tpu.memref_slice %arg2[%dma_start3A_127, %dma_start3A_128] : memref<10000x128xf32, #tpu.memory_space<hbm>> -> memref<10000x128xf32, #tpu.memory_space<hbm>>
        tpu.enqueue_indirect_dma source(%dma_start3A_129 : memref<10000x128xf32, #tpu.memory_space<hbm>>) target(%arg10 : memref<128x128xf32, #tpu.memory_space<vmem>>) offsets(%dma_start3A_126 : memref<128xi32, #tpu.memory_space<vmem>>) semaphore(%arg13 : memref<!tpu.dma_semaphore, #tpu.memory_space<semaphore_mem>>)
      }
      %scan3A_76 = arith.constant 8 : i32
      %dma_wait3A = arith.constant 15 : i32
      %dma_wait3A_77 = arith.constant 0 : i32
      %dma_wait3A_78 = tpu.memref_slice %arg7[%dma_wait3A, %dma_wait3A_77] : memref<16x128xi32, #tpu.memory_space<vmem>> -> memref<1x128xi32, #tpu.memory_space<vmem>>
      %dma_wait3A_79 = tpu.memref_squeeze %dma_wait3A_78 : memref<1x128xi32, #tpu.memory_space<vmem>> -> memref<128xi32, #tpu.memory_space<vmem>>
      %dma_wait3A_80 = arith.constant 0 : i32
      %dma_wait3A_81 = arith.constant 0 : i32
      %dma_wait3A_82 = tpu.memref_slice %arg2[%dma_wait3A_80, %dma_wait3A_81] : memref<10000x128xf32, #tpu.memory_space<hbm>> -> memref<10000x128xf32, #tpu.memory_space<hbm>>
      tpu.wait_indirect_dma semaphore(%arg12 : memref<!tpu.dma_semaphore, #tpu.memory_space<semaphore_mem>>) src(%dma_wait3A_82 : memref<10000x128xf32, #tpu.memory_space<hbm>>) dst(%arg9 : memref<128x128xf32, #tpu.memory_space<vmem>>)
      %dma_wait3A_83 = arith.constant 15 : i32
      %dma_wait3A_84 = arith.constant 0 : i32
      %dma_wait3A_85 = tpu.memref_slice %arg7[%dma_wait3A_83, %dma_wait3A_84] : memref<16x128xi32, #tpu.memory_space<vmem>> -> memref<1x128xi32, #tpu.memory_space<vmem>>
      %dma_wait3A_86 = tpu.memref_squeeze %dma_wait3A_85 : memref<1x128xi32, #tpu.memory_space<vmem>> -> memref<128xi32, #tpu.memory_space<vmem>>
      %dma_wait3A_87 = arith.constant 0 : i32
      %dma_wait3A_88 = arith.constant 0 : i32
      %dma_wait3A_89 = tpu.memref_slice %arg2[%dma_wait3A_87, %dma_wait3A_88] : memref<10000x128xf32, #tpu.memory_space<hbm>> -> memref<10000x128xf32, #tpu.memory_space<hbm>>
      tpu.wait_indirect_dma semaphore(%arg13 : memref<!tpu.dma_semaphore, #tpu.memory_space<semaphore_mem>>) src(%dma_wait3A_89 : memref<10000x128xf32, #tpu.memory_space<hbm>>) dst(%arg10 : memref<128x128xf32, #tpu.memory_space<vmem>>)
    }
    %while3A_48 = arith.constant 1 : i32
    scf.for %while3A_54 = %while3A_46 to %while3A_42 step %while3A_48  : i32 {
      %mul3A_55 = arith.muli %while3A_54, %while3A : i32
      %add3A_56 = arith.addi %while3A_39, %mul3A_55 : i32
      %mul3A_57 = arith.constant 16 : i32
      %mul3A_58 = arith.muli %add3A_56, %mul3A_57 : i32
      %add3A_59 = arith.addi %select_n3A_8, %mul3A_58 : i32
      %multiple_of3A = tpu.assume_multiple %add3A_59, 8 : i32
      "tpu.region"() ({
        %run_scoped3A = tpu.sem_alloc : memref<!tpu.dma_semaphore, #tpu.memory_space<semaphore_mem>>
        %dma_start3A_90 = arith.constant 0 : i32
        %dma_start3A_91 = tpu.memref_slice %arg3[%multiple_of3A, %dma_start3A_90] : memref<2560x128xi32, #tpu.memory_space<hbm>> -> memref<16x128xi32, #tpu.memory_space<hbm>>
        %dma_start3A_92 = arith.constant 0 : i32
        %dma_start3A_93 = tpu.memref_slice %arg3[%multiple_of3A, %dma_start3A_92] : memref<2560x128xi32, #tpu.memory_space<hbm>> -> memref<16x128xi32, #tpu.memory_space<hbm>>
        tpu.enqueue_dma source(%dma_start3A_93 : memref<16x128xi32, #tpu.memory_space<hbm>>) target(%arg7 : memref<16x128xi32, #tpu.memory_space<vmem>>) target_semaphore(%run_scoped3A : memref<!tpu.dma_semaphore, #tpu.memory_space<semaphore_mem>>)
        %dma_wait3A_94 = arith.constant 0 : i32
        %dma_wait3A_95 = tpu.memref_slice %arg3[%multiple_of3A, %dma_wait3A_94] : memref<2560x128xi32, #tpu.memory_space<hbm>> -> memref<16x128xi32, #tpu.memory_space<hbm>>
        %dma_wait3A_96 = arith.constant 0 : i32
        %dma_wait3A_97 = tpu.memref_slice %arg3[%multiple_of3A, %dma_wait3A_96] : memref<2560x128xi32, #tpu.memory_space<hbm>> -> memref<16x128xi32, #tpu.memory_space<hbm>>
        tpu.wait_dma2 semaphore(%run_scoped3A : memref<!tpu.dma_semaphore, #tpu.memory_space<semaphore_mem>>) src(%dma_wait3A_97 : memref<16x128xi32, #tpu.memory_space<hbm>>) dst(%arg7 : memref<16x128xi32, #tpu.memory_space<vmem>>)
        tpu.yield
      }) : () -> ()
      "tpu.region"() ({
        %run_scoped3A = tpu.sem_alloc : memref<!tpu.dma_semaphore, #tpu.memory_space<semaphore_mem>>
        %dma_start3A_90 = arith.constant 0 : i32
        %dma_start3A_91 = tpu.memref_slice %arg4[%multiple_of3A, %dma_start3A_90] : memref<2560x128xi32, #tpu.memory_space<hbm>> -> memref<16x128xi32, #tpu.memory_space<hbm>>
        %dma_start3A_92 = arith.constant 0 : i32
        %dma_start3A_93 = tpu.memref_slice %arg4[%multiple_of3A, %dma_start3A_92] : memref<2560x128xi32, #tpu.memory_space<hbm>> -> memref<16x128xi32, #tpu.memory_space<hbm>>
        tpu.enqueue_dma source(%dma_start3A_93 : memref<16x128xi32, #tpu.memory_space<hbm>>) target(%arg8 : memref<16x128xi32, #tpu.memory_space<vmem>>) target_semaphore(%run_scoped3A : memref<!tpu.dma_semaphore, #tpu.memory_space<semaphore_mem>>)
        %dma_wait3A_94 = arith.constant 0 : i32
        %dma_wait3A_95 = tpu.memref_slice %arg4[%multiple_of3A, %dma_wait3A_94] : memref<2560x128xi32, #tpu.memory_space<hbm>> -> memref<16x128xi32, #tpu.memory_space<hbm>>
        %dma_wait3A_96 = arith.constant 0 : i32
        %dma_wait3A_97 = tpu.memref_slice %arg4[%multiple_of3A, %dma_wait3A_96] : memref<2560x128xi32, #tpu.memory_space<hbm>> -> memref<16x128xi32, #tpu.memory_space<hbm>>
        tpu.wait_dma2 semaphore(%run_scoped3A : memref<!tpu.dma_semaphore, #tpu.memory_space<semaphore_mem>>) src(%dma_wait3A_97 : memref<16x128xi32, #tpu.memory_space<hbm>>) dst(%arg8 : memref<16x128xi32, #tpu.memory_space<vmem>>)
        tpu.yield
      }) : () -> ()
      %dma_start3A = arith.constant 0 : i32
      %dma_start3A_60 = arith.constant 0 : i32
      %dma_start3A_61 = tpu.memref_slice %arg7[%dma_start3A, %dma_start3A_60] : memref<16x128xi32, #tpu.memory_space<vmem>> -> memref<1x128xi32, #tpu.memory_space<vmem>>
      %dma_start3A_62 = tpu.memref_squeeze %dma_start3A_61 : memref<1x128xi32, #tpu.memory_space<vmem>> -> memref<128xi32, #tpu.memory_space<vmem>>
      %dma_start3A_63 = arith.constant 0 : i32
      %dma_start3A_64 = arith.constant 0 : i32
      %dma_start3A_65 = tpu.memref_slice %arg2[%dma_start3A_63, %dma_start3A_64] : memref<10000x128xf32, #tpu.memory_space<hbm>> -> memref<10000x128xf32, #tpu.memory_space<hbm>>
      tpu.enqueue_indirect_dma source(%dma_start3A_65 : memref<10000x128xf32, #tpu.memory_space<hbm>>) target(%arg9 : memref<128x128xf32, #tpu.memory_space<vmem>>) offsets(%dma_start3A_62 : memref<128xi32, #tpu.memory_space<vmem>>) semaphore(%arg12 : memref<!tpu.dma_semaphore, #tpu.memory_space<semaphore_mem>>)
      %dma_start3A_66 = arith.constant 1 : i32
      %dma_start3A_67 = arith.constant 0 : i32
      %dma_start3A_68 = tpu.memref_slice %arg7[%dma_start3A_66, %dma_start3A_67] : memref<16x128xi32, #tpu.memory_space<vmem>> -> memref<1x128xi32, #tpu.memory_space<vmem>>
      %dma_start3A_69 = tpu.memref_squeeze %dma_start3A_68 : memref<1x128xi32, #tpu.memory_space<vmem>> -> memref<128xi32, #tpu.memory_space<vmem>>
      %dma_start3A_70 = arith.constant 0 : i32
      %dma_start3A_71 = arith.constant 0 : i32
      %dma_start3A_72 = tpu.memref_slice %arg2[%dma_start3A_70, %dma_start3A_71] : memref<10000x128xf32, #tpu.memory_space<hbm>> -> memref<10000x128xf32, #tpu.memory_space<hbm>>
      tpu.enqueue_indirect_dma source(%dma_start3A_72 : memref<10000x128xf32, #tpu.memory_space<hbm>>) target(%arg10 : memref<128x128xf32, #tpu.memory_space<vmem>>) offsets(%dma_start3A_69 : memref<128xi32, #tpu.memory_space<vmem>>) semaphore(%arg13 : memref<!tpu.dma_semaphore, #tpu.memory_space<semaphore_mem>>)
      %scan3A = arith.constant 0 : i32
      %scan3A_73 = arith.constant 8 : i32
      %scan3A_74 = arith.addi %scan3A, %scan3A_73 : i32
      %scan3A_75 = arith.constant 1 : i32
      scf.for %scan3A_90 = %scan3A to %scan3A_74 step %scan3A_75  : i32 {
        %mul3A_91 = arith.constant 2 : i32
        %mul3A_92 = arith.muli %scan3A_90, %mul3A_91 : i32
        %add3A_93 = arith.constant 0 : i32
        %add3A_94 = arith.addi %add3A_93, %mul3A_92 : i32
        %add3A_95 = arith.constant 0 : i32
        %add3A_96 = arith.addi %add3A_94, %add3A_95 : i32
        %add3A_97 = arith.constant 2 : i32
        %add3A_98 = arith.addi %add3A_96, %add3A_97 : i32
        %min3A = arith.constant 15 : i32
        %min3A_99 = arith.minsi %add3A_98, %min3A : i32
        %dma_wait3A_100 = arith.constant 0 : i32
        %dma_wait3A_101 = tpu.memref_slice %arg7[%add3A_96, %dma_wait3A_100] : memref<16x128xi32, #tpu.memory_space<vmem>> -> memref<1x128xi32, #tpu.memory_space<vmem>>
        %dma_wait3A_102 = tpu.memref_squeeze %dma_wait3A_101 : memref<1x128xi32, #tpu.memory_space<vmem>> -> memref<128xi32, #tpu.memory_space<vmem>>
        %dma_wait3A_103 = arith.constant 0 : i32
        %dma_wait3A_104 = arith.constant 0 : i32
        %dma_wait3A_105 = tpu.memref_slice %arg2[%dma_wait3A_103, %dma_wait3A_104] : memref<10000x128xf32, #tpu.memory_space<hbm>> -> memref<10000x128xf32, #tpu.memory_space<hbm>>
        tpu.wait_indirect_dma semaphore(%arg12 : memref<!tpu.dma_semaphore, #tpu.memory_space<semaphore_mem>>) src(%dma_wait3A_105 : memref<10000x128xf32, #tpu.memory_space<hbm>>) dst(%arg9 : memref<128x128xf32, #tpu.memory_space<vmem>>)
        "tpu.region"() ({
          %run_scoped3A = tpu.sem_alloc : memref<!tpu.dma_semaphore, #tpu.memory_space<semaphore_mem>>
          %dma_start3A_130 = arith.constant 0 : i32
          %dma_start3A_131 = tpu.memref_slice %arg8[%add3A_96, %dma_start3A_130] : memref<16x128xi32, #tpu.memory_space<vmem>> -> memref<1x128xi32, #tpu.memory_space<vmem>>
          %dma_start3A_132 = tpu.memref_squeeze %dma_start3A_131 : memref<1x128xi32, #tpu.memory_space<vmem>> -> memref<128xi32, #tpu.memory_space<vmem>>
          %dma_start3A_133 = arith.constant 0 : i32
          %dma_start3A_134 = arith.constant 0 : i32
          %dma_start3A_135 = tpu.memref_slice %arg11[%dma_start3A_133, %dma_start3A_134] : memref<10112x128xf32, #tpu.memory_space<vmem_shared>> -> memref<10112x128xf32, #tpu.memory_space<vmem_shared>>
          tpu.enqueue_indirect_dma source(%arg9 : memref<128x128xf32, #tpu.memory_space<vmem>>) target(%dma_start3A_135 : memref<10112x128xf32, #tpu.memory_space<vmem_shared>>) offsets(%dma_start3A_132 : memref<128xi32, #tpu.memory_space<vmem>>) semaphore(%run_scoped3A : memref<!tpu.dma_semaphore, #tpu.memory_space<semaphore_mem>>) {add = true}
          %dma_wait3A_136 = arith.constant 0 : i32
          %dma_wait3A_137 = tpu.memref_slice %arg8[%add3A_96, %dma_wait3A_136] : memref<16x128xi32, #tpu.memory_space<vmem>> -> memref<1x128xi32, #tpu.memory_space<vmem>>
          %dma_wait3A_138 = tpu.memref_squeeze %dma_wait3A_137 : memref<1x128xi32, #tpu.memory_space<vmem>> -> memref<128xi32, #tpu.memory_space<vmem>>
          %dma_wait3A_139 = arith.constant 0 : i32
          %dma_wait3A_140 = arith.constant 0 : i32
          %dma_wait3A_141 = tpu.memref_slice %arg11[%dma_wait3A_139, %dma_wait3A_140] : memref<10112x128xf32, #tpu.memory_space<vmem_shared>> -> memref<10112x128xf32, #tpu.memory_space<vmem_shared>>
          tpu.wait_indirect_dma semaphore(%run_scoped3A : memref<!tpu.dma_semaphore, #tpu.memory_space<semaphore_mem>>) src(%arg9 : memref<128x128xf32, #tpu.memory_space<vmem>>) dst(%dma_wait3A_141 : memref<10112x128xf32, #tpu.memory_space<vmem_shared>>)
          tpu.yield
        }) : () -> ()
        %dma_start3A_106 = arith.constant 0 : i32
        %dma_start3A_107 = tpu.memref_slice %arg7[%min3A_99, %dma_start3A_106] : memref<16x128xi32, #tpu.memory_space<vmem>> -> memref<1x128xi32, #tpu.memory_space<vmem>>
        %dma_start3A_108 = tpu.memref_squeeze %dma_start3A_107 : memref<1x128xi32, #tpu.memory_space<vmem>> -> memref<128xi32, #tpu.memory_space<vmem>>
        %dma_start3A_109 = arith.constant 0 : i32
        %dma_start3A_110 = arith.constant 0 : i32
        %dma_start3A_111 = tpu.memref_slice %arg2[%dma_start3A_109, %dma_start3A_110] : memref<10000x128xf32, #tpu.memory_space<hbm>> -> memref<10000x128xf32, #tpu.memory_space<hbm>>
        tpu.enqueue_indirect_dma source(%dma_start3A_111 : memref<10000x128xf32, #tpu.memory_space<hbm>>) target(%arg9 : memref<128x128xf32, #tpu.memory_space<vmem>>) offsets(%dma_start3A_108 : memref<128xi32, #tpu.memory_space<vmem>>) semaphore(%arg12 : memref<!tpu.dma_semaphore, #tpu.memory_space<semaphore_mem>>)
        %add3A_112 = arith.constant 1 : i32
        %add3A_113 = arith.addi %add3A_94, %add3A_112 : i32
        %add3A_114 = arith.constant 2 : i32
        %add3A_115 = arith.addi %add3A_113, %add3A_114 : i32
        %min3A_116 = arith.constant 15 : i32
        %min3A_117 = arith.minsi %add3A_115, %min3A_116 : i32
        %dma_wait3A_118 = arith.constant 0 : i32
        %dma_wait3A_119 = tpu.memref_slice %arg7[%add3A_113, %dma_wait3A_118] : memref<16x128xi32, #tpu.memory_space<vmem>> -> memref<1x128xi32, #tpu.memory_space<vmem>>
        %dma_wait3A_120 = tpu.memref_squeeze %dma_wait3A_119 : memref<1x128xi32, #tpu.memory_space<vmem>> -> memref<128xi32, #tpu.memory_space<vmem>>
        %dma_wait3A_121 = arith.constant 0 : i32
        %dma_wait3A_122 = arith.constant 0 : i32
        %dma_wait3A_123 = tpu.memref_slice %arg2[%dma_wait3A_121, %dma_wait3A_122] : memref<10000x128xf32, #tpu.memory_space<hbm>> -> memref<10000x128xf32, #tpu.memory_space<hbm>>
        tpu.wait_indirect_dma semaphore(%arg13 : memref<!tpu.dma_semaphore, #tpu.memory_space<semaphore_mem>>) src(%dma_wait3A_123 : memref<10000x128xf32, #tpu.memory_space<hbm>>) dst(%arg10 : memref<128x128xf32, #tpu.memory_space<vmem>>)
        "tpu.region"() ({
          %run_scoped3A = tpu.sem_alloc : memref<!tpu.dma_semaphore, #tpu.memory_space<semaphore_mem>>
          %dma_start3A_130 = arith.constant 0 : i32
          %dma_start3A_131 = tpu.memref_slice %arg8[%add3A_113, %dma_start3A_130] : memref<16x128xi32, #tpu.memory_space<vmem>> -> memref<1x128xi32, #tpu.memory_space<vmem>>
          %dma_start3A_132 = tpu.memref_squeeze %dma_start3A_131 : memref<1x128xi32, #tpu.memory_space<vmem>> -> memref<128xi32, #tpu.memory_space<vmem>>
          %dma_start3A_133 = arith.constant 0 : i32
          %dma_start3A_134 = arith.constant 0 : i32
          %dma_start3A_135 = tpu.memref_slice %arg11[%dma_start3A_133, %dma_start3A_134] : memref<10112x128xf32, #tpu.memory_space<vmem_shared>> -> memref<10112x128xf32, #tpu.memory_space<vmem_shared>>
          tpu.enqueue_indirect_dma source(%arg10 : memref<128x128xf32, #tpu.memory_space<vmem>>) target(%dma_start3A_135 : memref<10112x128xf32, #tpu.memory_space<vmem_shared>>) offsets(%dma_start3A_132 : memref<128xi32, #tpu.memory_space<vmem>>) semaphore(%run_scoped3A : memref<!tpu.dma_semaphore, #tpu.memory_space<semaphore_mem>>) {add = true}
          %dma_wait3A_136 = arith.constant 0 : i32
          %dma_wait3A_137 = tpu.memref_slice %arg8[%add3A_113, %dma_wait3A_136] : memref<16x128xi32, #tpu.memory_space<vmem>> -> memref<1x128xi32, #tpu.memory_space<vmem>>
          %dma_wait3A_138 = tpu.memref_squeeze %dma_wait3A_137 : memref<1x128xi32, #tpu.memory_space<vmem>> -> memref<128xi32, #tpu.memory_space<vmem>>
          %dma_wait3A_139 = arith.constant 0 : i32
          %dma_wait3A_140 = arith.constant 0 : i32
          %dma_wait3A_141 = tpu.memref_slice %arg11[%dma_wait3A_139, %dma_wait3A_140] : memref<10112x128xf32, #tpu.memory_space<vmem_shared>> -> memref<10112x128xf32, #tpu.memory_space<vmem_shared>>
          tpu.wait_indirect_dma semaphore(%run_scoped3A : memref<!tpu.dma_semaphore, #tpu.memory_space<semaphore_mem>>) src(%arg10 : memref<128x128xf32, #tpu.memory_space<vmem>>) dst(%dma_wait3A_141 : memref<10112x128xf32, #tpu.memory_space<vmem_shared>>)
          tpu.yield
        }) : () -> ()
        %dma_start3A_124 = arith.constant 0 : i32
        %dma_start3A_125 = tpu.memref_slice %arg7[%min3A_117, %dma_start3A_124] : memref<16x128xi32, #tpu.memory_space<vmem>> -> memref<1x128xi32, #tpu.memory_space<vmem>>
        %dma_start3A_126 = tpu.memref_squeeze %dma_start3A_125 : memref<1x128xi32, #tpu.memory_space<vmem>> -> memref<128xi32, #tpu.memory_space<vmem>>
        %dma_start3A_127 = arith.constant 0 : i32
        %dma_start3A_128 = arith.constant 0 : i32
        %dma_start3A_129 = tpu.memref_slice %arg2[%dma_start3A_127, %dma_start3A_128] : memref<10000x128xf32, #tpu.memory_space<hbm>> -> memref<10000x128xf32, #tpu.memory_space<hbm>>
        tpu.enqueue_indirect_dma source(%dma_start3A_129 : memref<10000x128xf32, #tpu.memory_space<hbm>>) target(%arg10 : memref<128x128xf32, #tpu.memory_space<vmem>>) offsets(%dma_start3A_126 : memref<128xi32, #tpu.memory_space<vmem>>) semaphore(%arg13 : memref<!tpu.dma_semaphore, #tpu.memory_space<semaphore_mem>>)
      }
      %scan3A_76 = arith.constant 8 : i32
      %dma_wait3A = arith.constant 15 : i32
      %dma_wait3A_77 = arith.constant 0 : i32
      %dma_wait3A_78 = tpu.memref_slice %arg7[%dma_wait3A, %dma_wait3A_77] : memref<16x128xi32, #tpu.memory_space<vmem>> -> memref<1x128xi32, #tpu.memory_space<vmem>>
      %dma_wait3A_79 = tpu.memref_squeeze %dma_wait3A_78 : memref<1x128xi32, #tpu.memory_space<vmem>> -> memref<128xi32, #tpu.memory_space<vmem>>
      %dma_wait3A_80 = arith.constant 0 : i32
      %dma_wait3A_81 = arith.constant 0 : i32
      %dma_wait3A_82 = tpu.memref_slice %arg2[%dma_wait3A_80, %dma_wait3A_81] : memref<10000x128xf32, #tpu.memory_space<hbm>> -> memref<10000x128xf32, #tpu.memory_space<hbm>>
      tpu.wait_indirect_dma semaphore(%arg12 : memref<!tpu.dma_semaphore, #tpu.memory_space<semaphore_mem>>) src(%dma_wait3A_82 : memref<10000x128xf32, #tpu.memory_space<hbm>>) dst(%arg9 : memref<128x128xf32, #tpu.memory_space<vmem>>)
      %dma_wait3A_83 = arith.constant 15 : i32
      %dma_wait3A_84 = arith.constant 0 : i32
      %dma_wait3A_85 = tpu.memref_slice %arg7[%dma_wait3A_83, %dma_wait3A_84] : memref<16x128xi32, #tpu.memory_space<vmem>> -> memref<1x128xi32, #tpu.memory_space<vmem>>
      %dma_wait3A_86 = tpu.memref_squeeze %dma_wait3A_85 : memref<1x128xi32, #tpu.memory_space<vmem>> -> memref<128xi32, #tpu.memory_space<vmem>>
      %dma_wait3A_87 = arith.constant 0 : i32
      %dma_wait3A_88 = arith.constant 0 : i32
      %dma_wait3A_89 = tpu.memref_slice %arg2[%dma_wait3A_87, %dma_wait3A_88] : memref<10000x128xf32, #tpu.memory_space<hbm>> -> memref<10000x128xf32, #tpu.memory_space<hbm>>
      tpu.wait_indirect_dma semaphore(%arg13 : memref<!tpu.dma_semaphore, #tpu.memory_space<semaphore_mem>>) src(%dma_wait3A_89 : memref<10000x128xf32, #tpu.memory_space<hbm>>) dst(%arg10 : memref<128x128xf32, #tpu.memory_space<vmem>>)
    }
    %barrier3A_49 = arith.constant 0 : index
    tpu.barrier barrier_id(%barrier3A_49)
    %mul3A_50 = arith.constant 632 : i32
    %mul3A_51 = arith.muli %arg1, %mul3A_50 : i32
    %mul3A_52 = arith.constant 632 : i32
    %mul3A_53 = arith.muli %arg1, %mul3A_52 : i32
    "tpu.region"() ({
      %run_scoped3A = tpu.sem_alloc : memref<!tpu.dma_semaphore, #tpu.memory_space<semaphore_mem>>
      %dma_start3A = arith.constant 0 : i32
      %dma_start3A_54 = tpu.memref_slice %arg6[%arg0, %mul3A_53, %dma_start3A] : memref<2x10112x128xf32, #tpu.memory_space<hbm>> -> memref<1x632x128xf32, #tpu.memory_space<hbm>>
      %dma_start3A_55 = tpu.memref_squeeze %dma_start3A_54 : memref<1x632x128xf32, #tpu.memory_space<hbm>> -> memref<632x128xf32, #tpu.memory_space<hbm>>
      %dma_start3A_56 = arith.constant 0 : i32
      %dma_start3A_57 = tpu.memref_slice %arg11[%mul3A_51, %dma_start3A_56] : memref<10112x128xf32, #tpu.memory_space<vmem_shared>> -> memref<632x128xf32, #tpu.memory_space<vmem_shared>>
      tpu.enqueue_dma source(%dma_start3A_57 : memref<632x128xf32, #tpu.memory_space<vmem_shared>>) target(%dma_start3A_55 : memref<632x128xf32, #tpu.memory_space<hbm>>) target_semaphore(%run_scoped3A : memref<!tpu.dma_semaphore, #tpu.memory_space<semaphore_mem>>)
      %dma_wait3A = arith.constant 0 : i32
      %dma_wait3A_58 = tpu.memref_slice %arg6[%arg0, %mul3A_53, %dma_wait3A] : memref<2x10112x128xf32, #tpu.memory_space<hbm>> -> memref<1x632x128xf32, #tpu.memory_space<hbm>>
      %dma_wait3A_59 = tpu.memref_squeeze %dma_wait3A_58 : memref<1x632x128xf32, #tpu.memory_space<hbm>> -> memref<632x128xf32, #tpu.memory_space<hbm>>
      %dma_wait3A_60 = arith.constant 0 : i32
      %dma_wait3A_61 = tpu.memref_slice %arg11[%mul3A_51, %dma_wait3A_60] : memref<10112x128xf32, #tpu.memory_space<vmem_shared>> -> memref<632x128xf32, #tpu.memory_space<vmem_shared>>
      tpu.wait_dma2 semaphore(%run_scoped3A : memref<!tpu.dma_semaphore, #tpu.memory_space<semaphore_mem>>) src(%dma_wait3A_61 : memref<632x128xf32, #tpu.memory_space<vmem_shared>>) dst(%dma_wait3A_59 : memref<632x128xf32, #tpu.memory_space<hbm>>)
      tpu.yield
    }) : () -> ()
    return
  }
}

#map = affine_map<(d0, d1) -> (0, 0)>
#map1 = affine_map<(d0, d1) -> (0, 0, 0)>
module attributes {stable_mosaic.version = 14 : i64} {
  func.func @kern(%arg0: i32, %arg1: i32, %arg2: memref<10000x128xf32, #tpu.memory_space<hbm>>, %arg3: memref<2560x128xi32, #tpu.memory_space<hbm>>, %arg4: memref<2560x128xi32, #tpu.memory_space<hbm>>, %arg5: memref<10112x128xf32, #tpu.memory_space<hbm>>, %arg6: memref<2x10112x128xf32, #tpu.memory_space<hbm>>, %arg7: memref<16x128xi32, #tpu.memory_space<vmem>>, %arg8: memref<16x128xi32, #tpu.memory_space<vmem>>, %arg9: memref<128x128xf32, #tpu.memory_space<vmem>>, %arg10: memref<128x128xf32, #tpu.memory_space<vmem>>, %arg11: memref<10112x128xf32, #tpu.memory_space<vmem_shared>>, %arg12: memref<!tpu.dma_semaphore, #tpu.memory_space<semaphore_mem>>, %arg13: memref<!tpu.dma_semaphore, #tpu.memory_space<semaphore_mem>>) attributes {dimension_semantics = [#tpu.dimension_semantics<core_parallel>, #tpu.dimension_semantics<subcore_parallel>], iteration_bounds = array<i64: 2, 16>, scalar_prefetch = 0 : i64, scratch_operands = 7 : i64, tpu.core_type = #tpu.core_type<sc_vector_subcore>, window_params = [{transform_indices = #map}, {transform_indices = #map}, {transform_indices = #map}, {transform_indices = #map}, {transform_indices = #map1}]} {
    %eq3A = arith.constant 0 : i32
    %eq3A_0 = arith.cmpi eq, %arg0, %eq3A : i32
    %jit3A = arith.constant 128 : i32
    %jit3A_1 = arith.constant 32 : i32
    %select_n3A = arith.select %eq3A_0, %jit3A, %jit3A_1 : i32
    %eq3A_2 = arith.constant 0 : i32
    %eq3A_3 = arith.cmpi eq, %arg0, %eq3A_2 : i32
    %mul3A = arith.constant 128 : i32
    %mul3A_4 = arith.muli %arg1, %mul3A : i32
    %mul3A_5 = arith.constant 32 : i32
    %mul3A_6 = arith.muli %arg1, %mul3A_5 : i32
    %add3A = arith.constant 2048 : i32
    %add3A_7 = arith.addi %add3A, %mul3A_6 : i32
    %select_n3A_8 = arith.select %eq3A_3, %mul3A_4, %add3A_7 : i32
    %mul3A_9 = arith.constant 632 : i32
    %mul3A_10 = arith.muli %arg1, %mul3A_9 : i32
    %mul3A_11 = arith.constant 632 : i32
    %mul3A_12 = arith.muli %arg1, %mul3A_11 : i32
    "tpu.region"() ({
      %run_scoped3A = tpu.sem_alloc : memref<!tpu.dma_semaphore, #tpu.memory_space<semaphore_mem>>
      %dma_start3A = arith.constant 0 : i32
      %dma_start3A_54 = tpu.memref_slice %arg11[%mul3A_12, %dma_start3A] : memref<10112x128xf32, #tpu.memory_space<vmem_shared>> -> memref<632x128xf32, #tpu.memory_space<vmem_shared>>
      %dma_start3A_55 = arith.constant 0 : i32
      %dma_start3A_56 = tpu.memref_slice %arg5[%mul3A_10, %dma_start3A_55] : memref<10112x128xf32, #tpu.memory_space<hbm>> -> memref<632x128xf32, #tpu.memory_space<hbm>>
      tpu.enqueue_dma source(%dma_start3A_56 : memref<632x128xf32, #tpu.memory_space<hbm>>) target(%dma_start3A_54 : memref<632x128xf32, #tpu.memory_space<vmem_shared>>) target_semaphore(%run_scoped3A : memref<!tpu.dma_semaphore, #tpu.memory_space<semaphore_mem>>)
      %dma_wait3A = arith.constant 0 : i32
      %dma_wait3A_57 = tpu.memref_slice %arg11[%mul3A_12, %dma_wait3A] : memref<10112x128xf32, #tpu.memory_space<vmem_shared>> -> memref<632x128xf32, #tpu.memory_space<vmem_shared>>
      %dma_wait3A_58 = arith.constant 0 : i32
      %dma_wait3A_59 = tpu.memref_slice %arg5[%mul3A_10, %dma_wait3A_58] : memref<10112x128xf32, #tpu.memory_space<hbm>> -> memref<632x128xf32, #tpu.memory_space<hbm>>
      tpu.wait_dma2 semaphore(%run_scoped3A : memref<!tpu.dma_semaphore, #tpu.memory_space<semaphore_mem>>) src(%dma_wait3A_59 : memref<632x128xf32, #tpu.memory_space<hbm>>) dst(%dma_wait3A_57 : memref<632x128xf32, #tpu.memory_space<vmem_shared>>)
      tpu.yield
    }) : () -> ()
    %barrier3A = arith.constant 0 : index
    tpu.barrier barrier_id(%barrier3A)
    %jit3A_13 = arith.constant 16 : i32
    %div3A = arith.divsi %select_n3A, %jit3A_13 : i32
    %sign3A = arith.constant 0 : i32
    %sign3A_14 = arith.cmpi sgt, %select_n3A, %sign3A : i32
    %sign3A_15 = arith.extui %sign3A_14 : i1 to i32
    %sign3A_16 = arith.constant 0 : i32
    %sign3A_17 = arith.cmpi slt, %select_n3A, %sign3A_16 : i32
    %sign3A_18 = arith.extui %sign3A_17 : i1 to i32
    %sign3A_19 = arith.subi %sign3A_15, %sign3A_18 : i32
    %sign3A_20 = arith.constant 0 : i32
    %sign3A_21 = arith.cmpi sgt, %jit3A_13, %sign3A_20 : i32
    %sign3A_22 = arith.extui %sign3A_21 : i1 to i32
    %sign3A_23 = arith.constant 0 : i32
    %sign3A_24 = arith.cmpi slt, %jit3A_13, %sign3A_23 : i32
    %sign3A_25 = arith.extui %sign3A_24 : i1 to i32
    %sign3A_26 = arith.subi %sign3A_22, %sign3A_25 : i32
    %ne3A = arith.cmpi ne, %sign3A_19, %sign3A_26 : i32
    %rem3A = arith.remsi %select_n3A, %jit3A_13 : i32
    %ne3A_27 = arith.constant 0 : i32
    %ne3A_28 = arith.cmpi ne, %rem3A, %ne3A_27 : i32
    %and3A = arith.andi %ne3A, %ne3A_28 : i1
    %sub3A = arith.constant 1 : i32
    %sub3A_29 = arith.subi %div3A, %sub3A : i32
    %select_n3A_30 = arith.select %and3A, %sub3A_29, %div3A : i32
    %sub3A_31 = arith.constant 0 : i32
    %sub3A_32 = arith.subi %select_n3A_30, %sub3A_31 : i32
    %sub3A_33 = arith.constant 1 : i32
    %sub3A_34 = arith.constant 1 : i32
    %sub3A_35 = arith.subi %sub3A_33, %sub3A_34 : i32
    %add3A_36 = arith.addi %sub3A_32, %sub3A_35 : i32
    %div3A_37 = arith.constant 1 : i32
    %div3A_38 = arith.divsi %add3A_36, %div3A_37 : i32
    %while3A = arith.constant 1 : i32
    %while3A_39 = arith.constant 0 : i32
    %while3A_40 = arith.constant 0 : i32
    %while3A_41 = arith.subi %div3A_38, %while3A_40 : i32
    %while3A_42 = arith.addi %while3A_40, %while3A_41 : i32
    %while3A_43 = arith.constant 1 : i32
    %while3A_44 = arith.divsi %while3A_41, %while3A_43 : i32
    %while3A_45 = arith.muli %while3A_44, %while3A_43 : i32
    %while3A_46 = arith.addi %while3A_40, %while3A_45 : i32
    %while3A_47 = arith.constant 1 : i32
    scf.for %while3A_54 = %while3A_40 to %while3A_46 step %while3A_47  : i32 {
      %mul3A_55 = arith.muli %while3A_54, %while3A : i32
      %add3A_56 = arith.addi %while3A_39, %mul3A_55 : i32
      %mul3A_57 = arith.constant 16 : i32
      %mul3A_58 = arith.muli %add3A_56, %mul3A_57 : i32
      %add3A_59 = arith.addi %select_n3A_8, %mul3A_58 : i32
      %multiple_of3A = tpu.assume_multiple %add3A_59, 8 : i32
      "tpu.region"() ({
        %run_scoped3A = tpu.sem_alloc : memref<!tpu.dma_semaphore, #tpu.memory_space<semaphore_mem>>
        %dma_start3A_90 = arith.constant 0 : i32
        %dma_start3A_91 = tpu.memref_slice %arg3[%multiple_of3A, %dma_start3A_90] : memref<2560x128xi32, #tpu.memory_space<hbm>> -> memref<16x128xi32, #tpu.memory_space<hbm>>
        %dma_start3A_92 = arith.constant 0 : i32
        %dma_start3A_93 = tpu.memref_slice %arg3[%multiple_of3A, %dma_start3A_92] : memref<2560x128xi32, #tpu.memory_space<hbm>> -> memref<16x128xi32, #tpu.memory_space<hbm>>
        tpu.enqueue_dma source(%dma_start3A_93 : memref<16x128xi32, #tpu.memory_space<hbm>>) target(%arg7 : memref<16x128xi32, #tpu.memory_space<vmem>>) target_semaphore(%run_scoped3A : memref<!tpu.dma_semaphore, #tpu.memory_space<semaphore_mem>>)
        %dma_wait3A_94 = arith.constant 0 : i32
        %dma_wait3A_95 = tpu.memref_slice %arg3[%multiple_of3A, %dma_wait3A_94] : memref<2560x128xi32, #tpu.memory_space<hbm>> -> memref<16x128xi32, #tpu.memory_space<hbm>>
        %dma_wait3A_96 = arith.constant 0 : i32
        %dma_wait3A_97 = tpu.memref_slice %arg3[%multiple_of3A, %dma_wait3A_96] : memref<2560x128xi32, #tpu.memory_space<hbm>> -> memref<16x128xi32, #tpu.memory_space<hbm>>
        tpu.wait_dma2 semaphore(%run_scoped3A : memref<!tpu.dma_semaphore, #tpu.memory_space<semaphore_mem>>) src(%dma_wait3A_97 : memref<16x128xi32, #tpu.memory_space<hbm>>) dst(%arg7 : memref<16x128xi32, #tpu.memory_space<vmem>>)
        tpu.yield
      }) : () -> ()
      "tpu.region"() ({
        %run_scoped3A = tpu.sem_alloc : memref<!tpu.dma_semaphore, #tpu.memory_space<semaphore_mem>>
        %dma_start3A_90 = arith.constant 0 : i32
        %dma_start3A_91 = tpu.memref_slice %arg4[%multiple_of3A, %dma_start3A_90] : memref<2560x128xi32, #tpu.memory_space<hbm>> -> memref<16x128xi32, #tpu.memory_space<hbm>>
        %dma_start3A_92 = arith.constant 0 : i32
        %dma_start3A_93 = tpu.memref_slice %arg4[%multiple_of3A, %dma_start3A_92] : memref<2560x128xi32, #tpu.memory_space<hbm>> -> memref<16x128xi32, #tpu.memory_space<hbm>>
        tpu.enqueue_dma source(%dma_start3A_93 : memref<16x128xi32, #tpu.memory_space<hbm>>) target(%arg8 : memref<16x128xi32, #tpu.memory_space<vmem>>) target_semaphore(%run_scoped3A : memref<!tpu.dma_semaphore, #tpu.memory_space<semaphore_mem>>)
        %dma_wait3A_94 = arith.constant 0 : i32
        %dma_wait3A_95 = tpu.memref_slice %arg4[%multiple_of3A, %dma_wait3A_94] : memref<2560x128xi32, #tpu.memory_space<hbm>> -> memref<16x128xi32, #tpu.memory_space<hbm>>
        %dma_wait3A_96 = arith.constant 0 : i32
        %dma_wait3A_97 = tpu.memref_slice %arg4[%multiple_of3A, %dma_wait3A_96] : memref<2560x128xi32, #tpu.memory_space<hbm>> -> memref<16x128xi32, #tpu.memory_space<hbm>>
        tpu.wait_dma2 semaphore(%run_scoped3A : memref<!tpu.dma_semaphore, #tpu.memory_space<semaphore_mem>>) src(%dma_wait3A_97 : memref<16x128xi32, #tpu.memory_space<hbm>>) dst(%arg8 : memref<16x128xi32, #tpu.memory_space<vmem>>)
        tpu.yield
      }) : () -> ()
      %dma_start3A = arith.constant 0 : i32
      %dma_start3A_60 = arith.constant 0 : i32
      %dma_start3A_61 = tpu.memref_slice %arg7[%dma_start3A, %dma_start3A_60] : memref<16x128xi32, #tpu.memory_space<vmem>> -> memref<1x128xi32, #tpu.memory_space<vmem>>
      %dma_start3A_62 = tpu.memref_squeeze %dma_start3A_61 : memref<1x128xi32, #tpu.memory_space<vmem>> -> memref<128xi32, #tpu.memory_space<vmem>>
      %dma_start3A_63 = arith.constant 0 : i32
      %dma_start3A_64 = arith.constant 0 : i32
      %dma_start3A_65 = tpu.memref_slice %arg2[%dma_start3A_63, %dma_start3A_64] : memref<10000x128xf32, #tpu.memory_space<hbm>> -> memref<10000x128xf32, #tpu.memory_space<hbm>>
      tpu.enqueue_indirect_dma source(%dma_start3A_65 : memref<10000x128xf32, #tpu.memory_space<hbm>>) target(%arg9 : memref<128x128xf32, #tpu.memory_space<vmem>>) offsets(%dma_start3A_62 : memref<128xi32, #tpu.memory_space<vmem>>) semaphore(%arg12 : memref<!tpu.dma_semaphore, #tpu.memory_space<semaphore_mem>>)
      %dma_start3A_66 = arith.constant 1 : i32
      %dma_start3A_67 = arith.constant 0 : i32
      %dma_start3A_68 = tpu.memref_slice %arg7[%dma_start3A_66, %dma_start3A_67] : memref<16x128xi32, #tpu.memory_space<vmem>> -> memref<1x128xi32, #tpu.memory_space<vmem>>
      %dma_start3A_69 = tpu.memref_squeeze %dma_start3A_68 : memref<1x128xi32, #tpu.memory_space<vmem>> -> memref<128xi32, #tpu.memory_space<vmem>>
      %dma_start3A_70 = arith.constant 0 : i32
      %dma_start3A_71 = arith.constant 0 : i32
      %dma_start3A_72 = tpu.memref_slice %arg2[%dma_start3A_70, %dma_start3A_71] : memref<10000x128xf32, #tpu.memory_space<hbm>> -> memref<10000x128xf32, #tpu.memory_space<hbm>>
      tpu.enqueue_indirect_dma source(%dma_start3A_72 : memref<10000x128xf32, #tpu.memory_space<hbm>>) target(%arg10 : memref<128x128xf32, #tpu.memory_space<vmem>>) offsets(%dma_start3A_69 : memref<128xi32, #tpu.memory_space<vmem>>) semaphore(%arg13 : memref<!tpu.dma_semaphore, #tpu.memory_space<semaphore_mem>>)
      %scan3A = arith.constant 0 : i32
      %scan3A_73 = arith.constant 8 : i32
      %scan3A_74 = arith.addi %scan3A, %scan3A_73 : i32
      %scan3A_75 = arith.constant 1 : i32
      scf.for %scan3A_90 = %scan3A to %scan3A_74 step %scan3A_75  : i32 {
        %mul3A_91 = arith.constant 2 : i32
        %mul3A_92 = arith.muli %scan3A_90, %mul3A_91 : i32
        %add3A_93 = arith.constant 0 : i32
        %add3A_94 = arith.addi %add3A_93, %mul3A_92 : i32
        %add3A_95 = arith.constant 0 : i32
        %add3A_96 = arith.addi %add3A_94, %add3A_95 : i32
        %add3A_97 = arith.constant 2 : i32
        %add3A_98 = arith.addi %add3A_96, %add3A_97 : i32
        %min3A = arith.constant 15 : i32
        %min3A_99 = arith.minsi %add3A_98, %min3A : i32
        %dma_wait3A_100 = arith.constant 0 : i32
        %dma_wait3A_101 = tpu.memref_slice %arg7[%add3A_96, %dma_wait3A_100] : memref<16x128xi32, #tpu.memory_space<vmem>> -> memref<1x128xi32, #tpu.memory_space<vmem>>
        %dma_wait3A_102 = tpu.memref_squeeze %dma_wait3A_101 : memref<1x128xi32, #tpu.memory_space<vmem>> -> memref<128xi32, #tpu.memory_space<vmem>>
        %dma_wait3A_103 = arith.constant 0 : i32
        %dma_wait3A_104 = arith.constant 0 : i32
        %dma_wait3A_105 = tpu.memref_slice %arg2[%dma_wait3A_103, %dma_wait3A_104] : memref<10000x128xf32, #tpu.memory_space<hbm>> -> memref<10000x128xf32, #tpu.memory_space<hbm>>
        tpu.wait_indirect_dma semaphore(%arg12 : memref<!tpu.dma_semaphore, #tpu.memory_space<semaphore_mem>>) src(%dma_wait3A_105 : memref<10000x128xf32, #tpu.memory_space<hbm>>) dst(%arg9 : memref<128x128xf32, #tpu.memory_space<vmem>>)
        "tpu.region"() ({
          %run_scoped3A = tpu.sem_alloc : memref<!tpu.dma_semaphore, #tpu.memory_space<semaphore_mem>>
          %dma_start3A_130 = arith.constant 0 : i32
          %dma_start3A_131 = tpu.memref_slice %arg8[%add3A_96, %dma_start3A_130] : memref<16x128xi32, #tpu.memory_space<vmem>> -> memref<1x128xi32, #tpu.memory_space<vmem>>
          %dma_start3A_132 = tpu.memref_squeeze %dma_start3A_131 : memref<1x128xi32, #tpu.memory_space<vmem>> -> memref<128xi32, #tpu.memory_space<vmem>>
          %dma_start3A_133 = arith.constant 0 : i32
          %dma_start3A_134 = arith.constant 0 : i32
          %dma_start3A_135 = tpu.memref_slice %arg11[%dma_start3A_133, %dma_start3A_134] : memref<10112x128xf32, #tpu.memory_space<vmem_shared>> -> memref<10112x128xf32, #tpu.memory_space<vmem_shared>>
          tpu.enqueue_indirect_dma source(%arg9 : memref<128x128xf32, #tpu.memory_space<vmem>>) target(%dma_start3A_135 : memref<10112x128xf32, #tpu.memory_space<vmem_shared>>) offsets(%dma_start3A_132 : memref<128xi32, #tpu.memory_space<vmem>>) semaphore(%run_scoped3A : memref<!tpu.dma_semaphore, #tpu.memory_space<semaphore_mem>>) {add = true}
          %dma_wait3A_136 = arith.constant 0 : i32
          %dma_wait3A_137 = tpu.memref_slice %arg8[%add3A_96, %dma_wait3A_136] : memref<16x128xi32, #tpu.memory_space<vmem>> -> memref<1x128xi32, #tpu.memory_space<vmem>>
          %dma_wait3A_138 = tpu.memref_squeeze %dma_wait3A_137 : memref<1x128xi32, #tpu.memory_space<vmem>> -> memref<128xi32, #tpu.memory_space<vmem>>
          %dma_wait3A_139 = arith.constant 0 : i32
          %dma_wait3A_140 = arith.constant 0 : i32
          %dma_wait3A_141 = tpu.memref_slice %arg11[%dma_wait3A_139, %dma_wait3A_140] : memref<10112x128xf32, #tpu.memory_space<vmem_shared>> -> memref<10112x128xf32, #tpu.memory_space<vmem_shared>>
          tpu.wait_indirect_dma semaphore(%run_scoped3A : memref<!tpu.dma_semaphore, #tpu.memory_space<semaphore_mem>>) src(%arg9 : memref<128x128xf32, #tpu.memory_space<vmem>>) dst(%dma_wait3A_141 : memref<10112x128xf32, #tpu.memory_space<vmem_shared>>)
          tpu.yield
        }) : () -> ()
        %dma_start3A_106 = arith.constant 0 : i32
        %dma_start3A_107 = tpu.memref_slice %arg7[%min3A_99, %dma_start3A_106] : memref<16x128xi32, #tpu.memory_space<vmem>> -> memref<1x128xi32, #tpu.memory_space<vmem>>
        %dma_start3A_108 = tpu.memref_squeeze %dma_start3A_107 : memref<1x128xi32, #tpu.memory_space<vmem>> -> memref<128xi32, #tpu.memory_space<vmem>>
        %dma_start3A_109 = arith.constant 0 : i32
        %dma_start3A_110 = arith.constant 0 : i32
        %dma_start3A_111 = tpu.memref_slice %arg2[%dma_start3A_109, %dma_start3A_110] : memref<10000x128xf32, #tpu.memory_space<hbm>> -> memref<10000x128xf32, #tpu.memory_space<hbm>>
        tpu.enqueue_indirect_dma source(%dma_start3A_111 : memref<10000x128xf32, #tpu.memory_space<hbm>>) target(%arg9 : memref<128x128xf32, #tpu.memory_space<vmem>>) offsets(%dma_start3A_108 : memref<128xi32, #tpu.memory_space<vmem>>) semaphore(%arg12 : memref<!tpu.dma_semaphore, #tpu.memory_space<semaphore_mem>>)
        %add3A_112 = arith.constant 1 : i32
        %add3A_113 = arith.addi %add3A_94, %add3A_112 : i32
        %add3A_114 = arith.constant 2 : i32
        %add3A_115 = arith.addi %add3A_113, %add3A_114 : i32
        %min3A_116 = arith.constant 15 : i32
        %min3A_117 = arith.minsi %add3A_115, %min3A_116 : i32
        %dma_wait3A_118 = arith.constant 0 : i32
        %dma_wait3A_119 = tpu.memref_slice %arg7[%add3A_113, %dma_wait3A_118] : memref<16x128xi32, #tpu.memory_space<vmem>> -> memref<1x128xi32, #tpu.memory_space<vmem>>
        %dma_wait3A_120 = tpu.memref_squeeze %dma_wait3A_119 : memref<1x128xi32, #tpu.memory_space<vmem>> -> memref<128xi32, #tpu.memory_space<vmem>>
        %dma_wait3A_121 = arith.constant 0 : i32
        %dma_wait3A_122 = arith.constant 0 : i32
        %dma_wait3A_123 = tpu.memref_slice %arg2[%dma_wait3A_121, %dma_wait3A_122] : memref<10000x128xf32, #tpu.memory_space<hbm>> -> memref<10000x128xf32, #tpu.memory_space<hbm>>
        tpu.wait_indirect_dma semaphore(%arg13 : memref<!tpu.dma_semaphore, #tpu.memory_space<semaphore_mem>>) src(%dma_wait3A_123 : memref<10000x128xf32, #tpu.memory_space<hbm>>) dst(%arg10 : memref<128x128xf32, #tpu.memory_space<vmem>>)
        "tpu.region"() ({
          %run_scoped3A = tpu.sem_alloc : memref<!tpu.dma_semaphore, #tpu.memory_space<semaphore_mem>>
          %dma_start3A_130 = arith.constant 0 : i32
          %dma_start3A_131 = tpu.memref_slice %arg8[%add3A_113, %dma_start3A_130] : memref<16x128xi32, #tpu.memory_space<vmem>> -> memref<1x128xi32, #tpu.memory_space<vmem>>
          %dma_start3A_132 = tpu.memref_squeeze %dma_start3A_131 : memref<1x128xi32, #tpu.memory_space<vmem>> -> memref<128xi32, #tpu.memory_space<vmem>>
          %dma_start3A_133 = arith.constant 0 : i32
          %dma_start3A_134 = arith.constant 0 : i32
          %dma_start3A_135 = tpu.memref_slice %arg11[%dma_start3A_133, %dma_start3A_134] : memref<10112x128xf32, #tpu.memory_space<vmem_shared>> -> memref<10112x128xf32, #tpu.memory_space<vmem_shared>>
          tpu.enqueue_indirect_dma source(%arg10 : memref<128x128xf32, #tpu.memory_space<vmem>>) target(%dma_start3A_135 : memref<10112x128xf32, #tpu.memory_space<vmem_shared>>) offsets(%dma_start3A_132 : memref<128xi32, #tpu.memory_space<vmem>>) semaphore(%run_scoped3A : memref<!tpu.dma_semaphore, #tpu.memory_space<semaphore_mem>>) {add = true}
          %dma_wait3A_136 = arith.constant 0 : i32
          %dma_wait3A_137 = tpu.memref_slice %arg8[%add3A_113, %dma_wait3A_136] : memref<16x128xi32, #tpu.memory_space<vmem>> -> memref<1x128xi32, #tpu.memory_space<vmem>>
          %dma_wait3A_138 = tpu.memref_squeeze %dma_wait3A_137 : memref<1x128xi32, #tpu.memory_space<vmem>> -> memref<128xi32, #tpu.memory_space<vmem>>
          %dma_wait3A_139 = arith.constant 0 : i32
          %dma_wait3A_140 = arith.constant 0 : i32
          %dma_wait3A_141 = tpu.memref_slice %arg11[%dma_wait3A_139, %dma_wait3A_140] : memref<10112x128xf32, #tpu.memory_space<vmem_shared>> -> memref<10112x128xf32, #tpu.memory_space<vmem_shared>>
          tpu.wait_indirect_dma semaphore(%run_scoped3A : memref<!tpu.dma_semaphore, #tpu.memory_space<semaphore_mem>>) src(%arg10 : memref<128x128xf32, #tpu.memory_space<vmem>>) dst(%dma_wait3A_141 : memref<10112x128xf32, #tpu.memory_space<vmem_shared>>)
          tpu.yield
        }) : () -> ()
        %dma_start3A_124 = arith.constant 0 : i32
        %dma_start3A_125 = tpu.memref_slice %arg7[%min3A_117, %dma_start3A_124] : memref<16x128xi32, #tpu.memory_space<vmem>> -> memref<1x128xi32, #tpu.memory_space<vmem>>
        %dma_start3A_126 = tpu.memref_squeeze %dma_start3A_125 : memref<1x128xi32, #tpu.memory_space<vmem>> -> memref<128xi32, #tpu.memory_space<vmem>>
        %dma_start3A_127 = arith.constant 0 : i32
        %dma_start3A_128 = arith.constant 0 : i32
        %dma_start3A_129 = tpu.memref_slice %arg2[%dma_start3A_127, %dma_start3A_128] : memref<10000x128xf32, #tpu.memory_space<hbm>> -> memref<10000x128xf32, #tpu.memory_space<hbm>>
        tpu.enqueue_indirect_dma source(%dma_start3A_129 : memref<10000x128xf32, #tpu.memory_space<hbm>>) target(%arg10 : memref<128x128xf32, #tpu.memory_space<vmem>>) offsets(%dma_start3A_126 : memref<128xi32, #tpu.memory_space<vmem>>) semaphore(%arg13 : memref<!tpu.dma_semaphore, #tpu.memory_space<semaphore_mem>>)
      }
      %scan3A_76 = arith.constant 8 : i32
      %dma_wait3A = arith.constant 15 : i32
      %dma_wait3A_77 = arith.constant 0 : i32
      %dma_wait3A_78 = tpu.memref_slice %arg7[%dma_wait3A, %dma_wait3A_77] : memref<16x128xi32, #tpu.memory_space<vmem>> -> memref<1x128xi32, #tpu.memory_space<vmem>>
      %dma_wait3A_79 = tpu.memref_squeeze %dma_wait3A_78 : memref<1x128xi32, #tpu.memory_space<vmem>> -> memref<128xi32, #tpu.memory_space<vmem>>
      %dma_wait3A_80 = arith.constant 0 : i32
      %dma_wait3A_81 = arith.constant 0 : i32
      %dma_wait3A_82 = tpu.memref_slice %arg2[%dma_wait3A_80, %dma_wait3A_81] : memref<10000x128xf32, #tpu.memory_space<hbm>> -> memref<10000x128xf32, #tpu.memory_space<hbm>>
      tpu.wait_indirect_dma semaphore(%arg12 : memref<!tpu.dma_semaphore, #tpu.memory_space<semaphore_mem>>) src(%dma_wait3A_82 : memref<10000x128xf32, #tpu.memory_space<hbm>>) dst(%arg9 : memref<128x128xf32, #tpu.memory_space<vmem>>)
      %dma_wait3A_83 = arith.constant 15 : i32
      %dma_wait3A_84 = arith.constant 0 : i32
      %dma_wait3A_85 = tpu.memref_slice %arg7[%dma_wait3A_83, %dma_wait3A_84] : memref<16x128xi32, #tpu.memory_space<vmem>> -> memref<1x128xi32, #tpu.memory_space<vmem>>
      %dma_wait3A_86 = tpu.memref_squeeze %dma_wait3A_85 : memref<1x128xi32, #tpu.memory_space<vmem>> -> memref<128xi32, #tpu.memory_space<vmem>>
      %dma_wait3A_87 = arith.constant 0 : i32
      %dma_wait3A_88 = arith.constant 0 : i32
      %dma_wait3A_89 = tpu.memref_slice %arg2[%dma_wait3A_87, %dma_wait3A_88] : memref<10000x128xf32, #tpu.memory_space<hbm>> -> memref<10000x128xf32, #tpu.memory_space<hbm>>
      tpu.wait_indirect_dma semaphore(%arg13 : memref<!tpu.dma_semaphore, #tpu.memory_space<semaphore_mem>>) src(%dma_wait3A_89 : memref<10000x128xf32, #tpu.memory_space<hbm>>) dst(%arg10 : memref<128x128xf32, #tpu.memory_space<vmem>>)
    }
    %while3A_48 = arith.constant 1 : i32
    scf.for %while3A_54 = %while3A_46 to %while3A_42 step %while3A_48  : i32 {
      %mul3A_55 = arith.muli %while3A_54, %while3A : i32
      %add3A_56 = arith.addi %while3A_39, %mul3A_55 : i32
      %mul3A_57 = arith.constant 16 : i32
      %mul3A_58 = arith.muli %add3A_56, %mul3A_57 : i32
      %add3A_59 = arith.addi %select_n3A_8, %mul3A_58 : i32
      %multiple_of3A = tpu.assume_multiple %add3A_59, 8 : i32
      "tpu.region"() ({
        %run_scoped3A = tpu.sem_alloc : memref<!tpu.dma_semaphore, #tpu.memory_space<semaphore_mem>>
        %dma_start3A_90 = arith.constant 0 : i32
        %dma_start3A_91 = tpu.memref_slice %arg3[%multiple_of3A, %dma_start3A_90] : memref<2560x128xi32, #tpu.memory_space<hbm>> -> memref<16x128xi32, #tpu.memory_space<hbm>>
        %dma_start3A_92 = arith.constant 0 : i32
        %dma_start3A_93 = tpu.memref_slice %arg3[%multiple_of3A, %dma_start3A_92] : memref<2560x128xi32, #tpu.memory_space<hbm>> -> memref<16x128xi32, #tpu.memory_space<hbm>>
        tpu.enqueue_dma source(%dma_start3A_93 : memref<16x128xi32, #tpu.memory_space<hbm>>) target(%arg7 : memref<16x128xi32, #tpu.memory_space<vmem>>) target_semaphore(%run_scoped3A : memref<!tpu.dma_semaphore, #tpu.memory_space<semaphore_mem>>)
        %dma_wait3A_94 = arith.constant 0 : i32
        %dma_wait3A_95 = tpu.memref_slice %arg3[%multiple_of3A, %dma_wait3A_94] : memref<2560x128xi32, #tpu.memory_space<hbm>> -> memref<16x128xi32, #tpu.memory_space<hbm>>
        %dma_wait3A_96 = arith.constant 0 : i32
        %dma_wait3A_97 = tpu.memref_slice %arg3[%multiple_of3A, %dma_wait3A_96] : memref<2560x128xi32, #tpu.memory_space<hbm>> -> memref<16x128xi32, #tpu.memory_space<hbm>>
        tpu.wait_dma2 semaphore(%run_scoped3A : memref<!tpu.dma_semaphore, #tpu.memory_space<semaphore_mem>>) src(%dma_wait3A_97 : memref<16x128xi32, #tpu.memory_space<hbm>>) dst(%arg7 : memref<16x128xi32, #tpu.memory_space<vmem>>)
        tpu.yield
      }) : () -> ()
      "tpu.region"() ({
        %run_scoped3A = tpu.sem_alloc : memref<!tpu.dma_semaphore, #tpu.memory_space<semaphore_mem>>
        %dma_start3A_90 = arith.constant 0 : i32
        %dma_start3A_91 = tpu.memref_slice %arg4[%multiple_of3A, %dma_start3A_90] : memref<2560x128xi32, #tpu.memory_space<hbm>> -> memref<16x128xi32, #tpu.memory_space<hbm>>
        %dma_start3A_92 = arith.constant 0 : i32
        %dma_start3A_93 = tpu.memref_slice %arg4[%multiple_of3A, %dma_start3A_92] : memref<2560x128xi32, #tpu.memory_space<hbm>> -> memref<16x128xi32, #tpu.memory_space<hbm>>
        tpu.enqueue_dma source(%dma_start3A_93 : memref<16x128xi32, #tpu.memory_space<hbm>>) target(%arg8 : memref<16x128xi32, #tpu.memory_space<vmem>>) target_semaphore(%run_scoped3A : memref<!tpu.dma_semaphore, #tpu.memory_space<semaphore_mem>>)
        %dma_wait3A_94 = arith.constant 0 : i32
        %dma_wait3A_95 = tpu.memref_slice %arg4[%multiple_of3A, %dma_wait3A_94] : memref<2560x128xi32, #tpu.memory_space<hbm>> -> memref<16x128xi32, #tpu.memory_space<hbm>>
        %dma_wait3A_96 = arith.constant 0 : i32
        %dma_wait3A_97 = tpu.memref_slice %arg4[%multiple_of3A, %dma_wait3A_96] : memref<2560x128xi32, #tpu.memory_space<hbm>> -> memref<16x128xi32, #tpu.memory_space<hbm>>
        tpu.wait_dma2 semaphore(%run_scoped3A : memref<!tpu.dma_semaphore, #tpu.memory_space<semaphore_mem>>) src(%dma_wait3A_97 : memref<16x128xi32, #tpu.memory_space<hbm>>) dst(%arg8 : memref<16x128xi32, #tpu.memory_space<vmem>>)
        tpu.yield
      }) : () -> ()
      %dma_start3A = arith.constant 0 : i32
      %dma_start3A_60 = arith.constant 0 : i32
      %dma_start3A_61 = tpu.memref_slice %arg7[%dma_start3A, %dma_start3A_60] : memref<16x128xi32, #tpu.memory_space<vmem>> -> memref<1x128xi32, #tpu.memory_space<vmem>>
      %dma_start3A_62 = tpu.memref_squeeze %dma_start3A_61 : memref<1x128xi32, #tpu.memory_space<vmem>> -> memref<128xi32, #tpu.memory_space<vmem>>
      %dma_start3A_63 = arith.constant 0 : i32
      %dma_start3A_64 = arith.constant 0 : i32
      %dma_start3A_65 = tpu.memref_slice %arg2[%dma_start3A_63, %dma_start3A_64] : memref<10000x128xf32, #tpu.memory_space<hbm>> -> memref<10000x128xf32, #tpu.memory_space<hbm>>
      tpu.enqueue_indirect_dma source(%dma_start3A_65 : memref<10000x128xf32, #tpu.memory_space<hbm>>) target(%arg9 : memref<128x128xf32, #tpu.memory_space<vmem>>) offsets(%dma_start3A_62 : memref<128xi32, #tpu.memory_space<vmem>>) semaphore(%arg12 : memref<!tpu.dma_semaphore, #tpu.memory_space<semaphore_mem>>)
      %dma_start3A_66 = arith.constant 1 : i32
      %dma_start3A_67 = arith.constant 0 : i32
      %dma_start3A_68 = tpu.memref_slice %arg7[%dma_start3A_66, %dma_start3A_67] : memref<16x128xi32, #tpu.memory_space<vmem>> -> memref<1x128xi32, #tpu.memory_space<vmem>>
      %dma_start3A_69 = tpu.memref_squeeze %dma_start3A_68 : memref<1x128xi32, #tpu.memory_space<vmem>> -> memref<128xi32, #tpu.memory_space<vmem>>
      %dma_start3A_70 = arith.constant 0 : i32
      %dma_start3A_71 = arith.constant 0 : i32
      %dma_start3A_72 = tpu.memref_slice %arg2[%dma_start3A_70, %dma_start3A_71] : memref<10000x128xf32, #tpu.memory_space<hbm>> -> memref<10000x128xf32, #tpu.memory_space<hbm>>
      tpu.enqueue_indirect_dma source(%dma_start3A_72 : memref<10000x128xf32, #tpu.memory_space<hbm>>) target(%arg10 : memref<128x128xf32, #tpu.memory_space<vmem>>) offsets(%dma_start3A_69 : memref<128xi32, #tpu.memory_space<vmem>>) semaphore(%arg13 : memref<!tpu.dma_semaphore, #tpu.memory_space<semaphore_mem>>)
      %scan3A = arith.constant 0 : i32
      %scan3A_73 = arith.constant 8 : i32
      %scan3A_74 = arith.addi %scan3A, %scan3A_73 : i32
      %scan3A_75 = arith.constant 1 : i32
      scf.for %scan3A_90 = %scan3A to %scan3A_74 step %scan3A_75  : i32 {
        %mul3A_91 = arith.constant 2 : i32
        %mul3A_92 = arith.muli %scan3A_90, %mul3A_91 : i32
        %add3A_93 = arith.constant 0 : i32
        %add3A_94 = arith.addi %add3A_93, %mul3A_92 : i32
        %add3A_95 = arith.constant 0 : i32
        %add3A_96 = arith.addi %add3A_94, %add3A_95 : i32
        %add3A_97 = arith.constant 2 : i32
        %add3A_98 = arith.addi %add3A_96, %add3A_97 : i32
        %min3A = arith.constant 15 : i32
        %min3A_99 = arith.minsi %add3A_98, %min3A : i32
        %dma_wait3A_100 = arith.constant 0 : i32
        %dma_wait3A_101 = tpu.memref_slice %arg7[%add3A_96, %dma_wait3A_100] : memref<16x128xi32, #tpu.memory_space<vmem>> -> memref<1x128xi32, #tpu.memory_space<vmem>>
        %dma_wait3A_102 = tpu.memref_squeeze %dma_wait3A_101 : memref<1x128xi32, #tpu.memory_space<vmem>> -> memref<128xi32, #tpu.memory_space<vmem>>
        %dma_wait3A_103 = arith.constant 0 : i32
        %dma_wait3A_104 = arith.constant 0 : i32
        %dma_wait3A_105 = tpu.memref_slice %arg2[%dma_wait3A_103, %dma_wait3A_104] : memref<10000x128xf32, #tpu.memory_space<hbm>> -> memref<10000x128xf32, #tpu.memory_space<hbm>>
        tpu.wait_indirect_dma semaphore(%arg12 : memref<!tpu.dma_semaphore, #tpu.memory_space<semaphore_mem>>) src(%dma_wait3A_105 : memref<10000x128xf32, #tpu.memory_space<hbm>>) dst(%arg9 : memref<128x128xf32, #tpu.memory_space<vmem>>)
        "tpu.region"() ({
          %run_scoped3A = tpu.sem_alloc : memref<!tpu.dma_semaphore, #tpu.memory_space<semaphore_mem>>
          %dma_start3A_130 = arith.constant 0 : i32
          %dma_start3A_131 = tpu.memref_slice %arg8[%add3A_96, %dma_start3A_130] : memref<16x128xi32, #tpu.memory_space<vmem>> -> memref<1x128xi32, #tpu.memory_space<vmem>>
          %dma_start3A_132 = tpu.memref_squeeze %dma_start3A_131 : memref<1x128xi32, #tpu.memory_space<vmem>> -> memref<128xi32, #tpu.memory_space<vmem>>
          %dma_start3A_133 = arith.constant 0 : i32
          %dma_start3A_134 = arith.constant 0 : i32
          %dma_start3A_135 = tpu.memref_slice %arg11[%dma_start3A_133, %dma_start3A_134] : memref<10112x128xf32, #tpu.memory_space<vmem_shared>> -> memref<10112x128xf32, #tpu.memory_space<vmem_shared>>
          tpu.enqueue_indirect_dma source(%arg9 : memref<128x128xf32, #tpu.memory_space<vmem>>) target(%dma_start3A_135 : memref<10112x128xf32, #tpu.memory_space<vmem_shared>>) offsets(%dma_start3A_132 : memref<128xi32, #tpu.memory_space<vmem>>) semaphore(%run_scoped3A : memref<!tpu.dma_semaphore, #tpu.memory_space<semaphore_mem>>) {add = true}
          %dma_wait3A_136 = arith.constant 0 : i32
          %dma_wait3A_137 = tpu.memref_slice %arg8[%add3A_96, %dma_wait3A_136] : memref<16x128xi32, #tpu.memory_space<vmem>> -> memref<1x128xi32, #tpu.memory_space<vmem>>
          %dma_wait3A_138 = tpu.memref_squeeze %dma_wait3A_137 : memref<1x128xi32, #tpu.memory_space<vmem>> -> memref<128xi32, #tpu.memory_space<vmem>>
          %dma_wait3A_139 = arith.constant 0 : i32
          %dma_wait3A_140 = arith.constant 0 : i32
          %dma_wait3A_141 = tpu.memref_slice %arg11[%dma_wait3A_139, %dma_wait3A_140] : memref<10112x128xf32, #tpu.memory_space<vmem_shared>> -> memref<10112x128xf32, #tpu.memory_space<vmem_shared>>
          tpu.wait_indirect_dma semaphore(%run_scoped3A : memref<!tpu.dma_semaphore, #tpu.memory_space<semaphore_mem>>) src(%arg9 : memref<128x128xf32, #tpu.memory_space<vmem>>) dst(%dma_wait3A_141 : memref<10112x128xf32, #tpu.memory_space<vmem_shared>>)
          tpu.yield
        }) : () -> ()
        %dma_start3A_106 = arith.constant 0 : i32
        %dma_start3A_107 = tpu.memref_slice %arg7[%min3A_99, %dma_start3A_106] : memref<16x128xi32, #tpu.memory_space<vmem>> -> memref<1x128xi32, #tpu.memory_space<vmem>>
        %dma_start3A_108 = tpu.memref_squeeze %dma_start3A_107 : memref<1x128xi32, #tpu.memory_space<vmem>> -> memref<128xi32, #tpu.memory_space<vmem>>
        %dma_start3A_109 = arith.constant 0 : i32
        %dma_start3A_110 = arith.constant 0 : i32
        %dma_start3A_111 = tpu.memref_slice %arg2[%dma_start3A_109, %dma_start3A_110] : memref<10000x128xf32, #tpu.memory_space<hbm>> -> memref<10000x128xf32, #tpu.memory_space<hbm>>
        tpu.enqueue_indirect_dma source(%dma_start3A_111 : memref<10000x128xf32, #tpu.memory_space<hbm>>) target(%arg9 : memref<128x128xf32, #tpu.memory_space<vmem>>) offsets(%dma_start3A_108 : memref<128xi32, #tpu.memory_space<vmem>>) semaphore(%arg12 : memref<!tpu.dma_semaphore, #tpu.memory_space<semaphore_mem>>)
        %add3A_112 = arith.constant 1 : i32
        %add3A_113 = arith.addi %add3A_94, %add3A_112 : i32
        %add3A_114 = arith.constant 2 : i32
        %add3A_115 = arith.addi %add3A_113, %add3A_114 : i32
        %min3A_116 = arith.constant 15 : i32
        %min3A_117 = arith.minsi %add3A_115, %min3A_116 : i32
        %dma_wait3A_118 = arith.constant 0 : i32
        %dma_wait3A_119 = tpu.memref_slice %arg7[%add3A_113, %dma_wait3A_118] : memref<16x128xi32, #tpu.memory_space<vmem>> -> memref<1x128xi32, #tpu.memory_space<vmem>>
        %dma_wait3A_120 = tpu.memref_squeeze %dma_wait3A_119 : memref<1x128xi32, #tpu.memory_space<vmem>> -> memref<128xi32, #tpu.memory_space<vmem>>
        %dma_wait3A_121 = arith.constant 0 : i32
        %dma_wait3A_122 = arith.constant 0 : i32
        %dma_wait3A_123 = tpu.memref_slice %arg2[%dma_wait3A_121, %dma_wait3A_122] : memref<10000x128xf32, #tpu.memory_space<hbm>> -> memref<10000x128xf32, #tpu.memory_space<hbm>>
        tpu.wait_indirect_dma semaphore(%arg13 : memref<!tpu.dma_semaphore, #tpu.memory_space<semaphore_mem>>) src(%dma_wait3A_123 : memref<10000x128xf32, #tpu.memory_space<hbm>>) dst(%arg10 : memref<128x128xf32, #tpu.memory_space<vmem>>)
        "tpu.region"() ({
          %run_scoped3A = tpu.sem_alloc : memref<!tpu.dma_semaphore, #tpu.memory_space<semaphore_mem>>
          %dma_start3A_130 = arith.constant 0 : i32
          %dma_start3A_131 = tpu.memref_slice %arg8[%add3A_113, %dma_start3A_130] : memref<16x128xi32, #tpu.memory_space<vmem>> -> memref<1x128xi32, #tpu.memory_space<vmem>>
          %dma_start3A_132 = tpu.memref_squeeze %dma_start3A_131 : memref<1x128xi32, #tpu.memory_space<vmem>> -> memref<128xi32, #tpu.memory_space<vmem>>
          %dma_start3A_133 = arith.constant 0 : i32
          %dma_start3A_134 = arith.constant 0 : i32
          %dma_start3A_135 = tpu.memref_slice %arg11[%dma_start3A_133, %dma_start3A_134] : memref<10112x128xf32, #tpu.memory_space<vmem_shared>> -> memref<10112x128xf32, #tpu.memory_space<vmem_shared>>
          tpu.enqueue_indirect_dma source(%arg10 : memref<128x128xf32, #tpu.memory_space<vmem>>) target(%dma_start3A_135 : memref<10112x128xf32, #tpu.memory_space<vmem_shared>>) offsets(%dma_start3A_132 : memref<128xi32, #tpu.memory_space<vmem>>) semaphore(%run_scoped3A : memref<!tpu.dma_semaphore, #tpu.memory_space<semaphore_mem>>) {add = true}
          %dma_wait3A_136 = arith.constant 0 : i32
          %dma_wait3A_137 = tpu.memref_slice %arg8[%add3A_113, %dma_wait3A_136] : memref<16x128xi32, #tpu.memory_space<vmem>> -> memref<1x128xi32, #tpu.memory_space<vmem>>
          %dma_wait3A_138 = tpu.memref_squeeze %dma_wait3A_137 : memref<1x128xi32, #tpu.memory_space<vmem>> -> memref<128xi32, #tpu.memory_space<vmem>>
          %dma_wait3A_139 = arith.constant 0 : i32
          %dma_wait3A_140 = arith.constant 0 : i32
          %dma_wait3A_141 = tpu.memref_slice %arg11[%dma_wait3A_139, %dma_wait3A_140] : memref<10112x128xf32, #tpu.memory_space<vmem_shared>> -> memref<10112x128xf32, #tpu.memory_space<vmem_shared>>
          tpu.wait_indirect_dma semaphore(%run_scoped3A : memref<!tpu.dma_semaphore, #tpu.memory_space<semaphore_mem>>) src(%arg10 : memref<128x128xf32, #tpu.memory_space<vmem>>) dst(%dma_wait3A_141 : memref<10112x128xf32, #tpu.memory_space<vmem_shared>>)
          tpu.yield
        }) : () -> ()
        %dma_start3A_124 = arith.constant 0 : i32
        %dma_start3A_125 = tpu.memref_slice %arg7[%min3A_117, %dma_start3A_124] : memref<16x128xi32, #tpu.memory_space<vmem>> -> memref<1x128xi32, #tpu.memory_space<vmem>>
        %dma_start3A_126 = tpu.memref_squeeze %dma_start3A_125 : memref<1x128xi32, #tpu.memory_space<vmem>> -> memref<128xi32, #tpu.memory_space<vmem>>
        %dma_start3A_127 = arith.constant 0 : i32
        %dma_start3A_128 = arith.constant 0 : i32
        %dma_start3A_129 = tpu.memref_slice %arg2[%dma_start3A_127, %dma_start3A_128] : memref<10000x128xf32, #tpu.memory_space<hbm>> -> memref<10000x128xf32, #tpu.memory_space<hbm>>
        tpu.enqueue_indirect_dma source(%dma_start3A_129 : memref<10000x128xf32, #tpu.memory_space<hbm>>) target(%arg10 : memref<128x128xf32, #tpu.memory_space<vmem>>) offsets(%dma_start3A_126 : memref<128xi32, #tpu.memory_space<vmem>>) semaphore(%arg13 : memref<!tpu.dma_semaphore, #tpu.memory_space<semaphore_mem>>)
      }
      %scan3A_76 = arith.constant 8 : i32
      %dma_wait3A = arith.constant 15 : i32
      %dma_wait3A_77 = arith.constant 0 : i32
      %dma_wait3A_78 = tpu.memref_slice %arg7[%dma_wait3A, %dma_wait3A_77] : memref<16x128xi32, #tpu.memory_space<vmem>> -> memref<1x128xi32, #tpu.memory_space<vmem>>
      %dma_wait3A_79 = tpu.memref_squeeze %dma_wait3A_78 : memref<1x128xi32, #tpu.memory_space<vmem>> -> memref<128xi32, #tpu.memory_space<vmem>>
      %dma_wait3A_80 = arith.constant 0 : i32
      %dma_wait3A_81 = arith.constant 0 : i32
      %dma_wait3A_82 = tpu.memref_slice %arg2[%dma_wait3A_80, %dma_wait3A_81] : memref<10000x128xf32, #tpu.memory_space<hbm>> -> memref<10000x128xf32, #tpu.memory_space<hbm>>
      tpu.wait_indirect_dma semaphore(%arg12 : memref<!tpu.dma_semaphore, #tpu.memory_space<semaphore_mem>>) src(%dma_wait3A_82 : memref<10000x128xf32, #tpu.memory_space<hbm>>) dst(%arg9 : memref<128x128xf32, #tpu.memory_space<vmem>>)
      %dma_wait3A_83 = arith.constant 15 : i32
      %dma_wait3A_84 = arith.constant 0 : i32
      %dma_wait3A_85 = tpu.memref_slice %arg7[%dma_wait3A_83, %dma_wait3A_84] : memref<16x128xi32, #tpu.memory_space<vmem>> -> memref<1x128xi32, #tpu.memory_space<vmem>>
      %dma_wait3A_86 = tpu.memref_squeeze %dma_wait3A_85 : memref<1x128xi32, #tpu.memory_space<vmem>> -> memref<128xi32, #tpu.memory_space<vmem>>
      %dma_wait3A_87 = arith.constant 0 : i32
      %dma_wait3A_88 = arith.constant 0 : i32
      %dma_wait3A_89 = tpu.memref_slice %arg2[%dma_wait3A_87, %dma_wait3A_88] : memref<10000x128xf32, #tpu.memory_space<hbm>> -> memref<10000x128xf32, #tpu.memory_space<hbm>>
      tpu.wait_indirect_dma semaphore(%arg13 : memref<!tpu.dma_semaphore, #tpu.memory_space<semaphore_mem>>) src(%dma_wait3A_89 : memref<10000x128xf32, #tpu.memory_space<hbm>>) dst(%arg10 : memref<128x128xf32, #tpu.memory_space<vmem>>)
    }
    %barrier3A_49 = arith.constant 0 : index
    tpu.barrier barrier_id(%barrier3A_49)
    %mul3A_50 = arith.constant 632 : i32
    %mul3A_51 = arith.muli %arg1, %mul3A_50 : i32
    %mul3A_52 = arith.constant 632 : i32
    %mul3A_53 = arith.muli %arg1, %mul3A_52 : i32
    "tpu.region"() ({
      %run_scoped3A = tpu.sem_alloc : memref<!tpu.dma_semaphore, #tpu.memory_space<semaphore_mem>>
      %dma_start3A = arith.constant 0 : i32
      %dma_start3A_54 = tpu.memref_slice %arg6[%arg0, %mul3A_53, %dma_start3A] : memref<2x10112x128xf32, #tpu.memory_space<hbm>> -> memref<1x632x128xf32, #tpu.memory_space<hbm>>
      %dma_start3A_55 = tpu.memref_squeeze %dma_start3A_54 : memref<1x632x128xf32, #tpu.memory_space<hbm>> -> memref<632x128xf32, #tpu.memory_space<hbm>>
      %dma_start3A_56 = arith.constant 0 : i32
      %dma_start3A_57 = tpu.memref_slice %arg11[%mul3A_51, %dma_start3A_56] : memref<10112x128xf32, #tpu.memory_space<vmem_shared>> -> memref<632x128xf32, #tpu.memory_space<vmem_shared>>
      tpu.enqueue_dma source(%dma_start3A_57 : memref<632x128xf32, #tpu.memory_space<vmem_shared>>) target(%dma_start3A_55 : memref<632x128xf32, #tpu.memory_space<hbm>>) target_semaphore(%run_scoped3A : memref<!tpu.dma_semaphore, #tpu.memory_space<semaphore_mem>>)
      %dma_wait3A = arith.constant 0 : i32
      %dma_wait3A_58 = tpu.memref_slice %arg6[%arg0, %mul3A_53, %dma_wait3A] : memref<2x10112x128xf32, #tpu.memory_space<hbm>> -> memref<1x632x128xf32, #tpu.memory_space<hbm>>
      %dma_wait3A_59 = tpu.memref_squeeze %dma_wait3A_58 : memref<1x632x128xf32, #tpu.memory_space<hbm>> -> memref<632x128xf32, #tpu.memory_space<hbm>>
      %dma_wait3A_60 = arith.constant 0 : i32
      %dma_wait3A_61 = tpu.memref_slice %arg11[%mul3A_51, %dma_wait3A_60] : memref<10112x128xf32, #tpu.memory_space<vmem_shared>> -> memref<632x128xf32, #tpu.memory_space<vmem_shared>>
      tpu.wait_dma2 semaphore(%run_scoped3A : memref<!tpu.dma_semaphore, #tpu.memory_space<semaphore_mem>>) src(%dma_wait3A_61 : memref<632x128xf32, #tpu.memory_space<vmem_shared>>) dst(%dma_wait3A_59 : memref<632x128xf32, #tpu.memory_space<hbm>>)
      tpu.yield
    }) : () -> ()
    return
  }
}

module attributes {stable_mosaic.version = 14 : i64} {
  func.func @body(%arg0: memref<10000x128xf32, #tpu.memory_space<vmem>>, %arg1: memref<128x128xf32, #tpu.memory_space<vmem>>, %arg2: memref<2x10112x128xf32, #tpu.memory_space<vmem>>, %arg3: memref<10000x128xf32, #tpu.memory_space<vmem>>) attributes {dimension_semantics = [], scalar_prefetch = 0 : i64, scratch_operands = 0 : i64, tpu.core_type = #tpu.core_type<tc>} {
    %get3A = arith.constant 0 : index
    %get3A_0 = arith.constant 0 : index
    %get3A_1 = arith.constant 0 : index
    %get3A_2 = vector.load %arg2[%get3A, %get3A_0, %get3A_1] : memref<2x10112x128xf32, #tpu.memory_space<vmem>>, vector<1x10000x1xf32>
    %get3A_3 = vector.shape_cast %get3A_2 : vector<1x10000x1xf32> to vector<10000x1xf32>
    %get3A_4 = arith.constant 1 : index
    %get3A_5 = arith.constant 0 : index
    %get3A_6 = arith.constant 0 : index
    %get3A_7 = vector.load %arg2[%get3A_4, %get3A_5, %get3A_6] : memref<2x10112x128xf32, #tpu.memory_space<vmem>>, vector<1x10000x1xf32>
    %get3A_8 = vector.shape_cast %get3A_7 : vector<1x10000x1xf32> to vector<10000x1xf32>
    %add3A = arith.addf %get3A_3, %get3A_8 : vector<10000x1xf32>
    %add3A_9 = arith.constant 1.000000e+00 : f32
    %add3A_10 = vector.broadcast %add3A_9 : f32 to vector<10000x1xf32>
    %add3A_11 = arith.addf %add3A, %add3A_10 : vector<10000x1xf32>
    %rsqrt3A = math.rsqrt %add3A_11 : vector<10000x1xf32>
    %get3A_12 = arith.constant 0 : index
    %get3A_13 = arith.constant 0 : index
    %get3A_14 = vector.load %arg0[%get3A_12, %get3A_13] : memref<10000x128xf32, #tpu.memory_space<vmem>>, vector<10000x128xf32>
    %get3A_15 = arith.constant 0 : index
    %get3A_16 = arith.constant 0 : index
    %get3A_17 = vector.load %arg1[%get3A_15, %get3A_16] : memref<128x128xf32, #tpu.memory_space<vmem>>, vector<128x128xf32>
    %dot_general3A = arith.constant dense<0.000000e+00> : vector<10000x128xf32>
    %dot_general3A_18 = tpu.matmul %get3A_14, %get3A_17, %dot_general3A {dimension_numbers = #tpu.dot_dimension_numbers<[1], [0], [0], [1], [0, 0, 1, 1], [], []>, transpose_lhs_hint = false} : vector<10000x128xf32>, vector<128x128xf32>, vector<10000x128xf32> -> vector<10000x128xf32>
    %mul3A = vector.broadcast %rsqrt3A : vector<10000x1xf32> to vector<10000x128xf32>
    %mul3A_19 = arith.mulf %dot_general3A_18, %mul3A : vector<10000x128xf32>
    %swap3A = arith.constant 0 : index
    %swap3A_20 = arith.constant 0 : index
    %swap3A_21 = vector.load %arg3[%swap3A, %swap3A_20] : memref<10000x128xf32, #tpu.memory_space<vmem>>, vector<10000x128xf32>
    tpu.vector_store %arg3[%swap3A, %swap3A_20], %mul3A_19 {strides = array<i32>} : memref<10000x128xf32, #tpu.memory_space<vmem>>, vector<10000x128xf32>,
    return
  }
}

module attributes {stable_mosaic.version = 14 : i64} {
  func.func @body(%arg0: memref<2x10112x128xf32, #tpu.memory_space<vmem>>, %arg1: memref<10000x128xf32, #tpu.memory_space<vmem>>, %arg2: memref<128xf32, #tpu.memory_space<vmem>>, %arg3: memref<2x10112x128xf32, #tpu.memory_space<vmem>>, %arg4: memref<128x128xf32, #tpu.memory_space<vmem>>, %arg5: memref<10000x128xf32, #tpu.memory_space<vmem>>) attributes {dimension_semantics = [], scalar_prefetch = 0 : i64, scratch_operands = 0 : i64, tpu.core_type = #tpu.core_type<tc>} {
    %get3A = arith.constant 0 : index
    %get3A_0 = arith.constant 0 : index
    %get3A_1 = arith.constant 0 : index
    %get3A_2 = vector.load %arg3[%get3A, %get3A_0, %get3A_1] : memref<2x10112x128xf32, #tpu.memory_space<vmem>>, vector<1x10000x1xf32>
    %get3A_3 = vector.shape_cast %get3A_2 : vector<1x10000x1xf32> to vector<10000x1xf32>
    %get3A_4 = arith.constant 1 : index
    %get3A_5 = arith.constant 0 : index
    %get3A_6 = arith.constant 0 : index
    %get3A_7 = vector.load %arg3[%get3A_4, %get3A_5, %get3A_6] : memref<2x10112x128xf32, #tpu.memory_space<vmem>>, vector<1x10000x1xf32>
    %get3A_8 = vector.shape_cast %get3A_7 : vector<1x10000x1xf32> to vector<10000x1xf32>
    %add3A = arith.addf %get3A_3, %get3A_8 : vector<10000x1xf32>
    %add3A_9 = arith.constant 1.000000e+00 : f32
    %add3A_10 = vector.broadcast %add3A_9 : f32 to vector<10000x1xf32>
    %add3A_11 = arith.addf %add3A, %add3A_10 : vector<10000x1xf32>
    %rsqrt3A = math.rsqrt %add3A_11 : vector<10000x1xf32>
    %get3A_12 = arith.constant 0 : index
    %get3A_13 = arith.constant 0 : index
    %get3A_14 = arith.constant 0 : index
    %get3A_15 = vector.load %arg0[%get3A_12, %get3A_13, %get3A_14] : memref<2x10112x128xf32, #tpu.memory_space<vmem>>, vector<1x10000x128xf32>
    %get3A_16 = vector.shape_cast %get3A_15 : vector<1x10000x128xf32> to vector<10000x128xf32>
    %get3A_17 = arith.constant 1 : index
    %get3A_18 = arith.constant 0 : index
    %get3A_19 = arith.constant 0 : index
    %get3A_20 = vector.load %arg0[%get3A_17, %get3A_18, %get3A_19] : memref<2x10112x128xf32, #tpu.memory_space<vmem>>, vector<1x10000x128xf32>
    %get3A_21 = vector.shape_cast %get3A_20 : vector<1x10000x128xf32> to vector<10000x128xf32>
    %add3A_22 = arith.addf %get3A_16, %get3A_21 : vector<10000x128xf32>
    %get3A_23 = arith.constant 0 : index
    %get3A_24 = arith.constant 0 : index
    %get3A_25 = vector.load %arg1[%get3A_23, %get3A_24] : memref<10000x128xf32, #tpu.memory_space<vmem>>, vector<10000x128xf32>
    %add3A_26 = arith.addf %add3A_22, %get3A_25 : vector<10000x128xf32>
    %mul3A = vector.broadcast %rsqrt3A : vector<10000x1xf32> to vector<10000x128xf32>
    %mul3A_27 = arith.mulf %add3A_26, %mul3A : vector<10000x128xf32>
    %get3A_28 = arith.constant 0 : index
    %get3A_29 = vector.load %arg2[%get3A_28] : memref<128xf32, #tpu.memory_space<vmem>>, vector<128xf32>
    %broadcast_in_dim3A = vector.shape_cast %get3A_29 : vector<128xf32> to vector<1x128xf32>
    %add3A_30 = vector.broadcast %broadcast_in_dim3A : vector<1x128xf32> to vector<10000x128xf32>
    %add3A_31 = arith.addf %mul3A_27, %add3A_30 : vector<10000x128xf32>
    %max3A = arith.constant 0.000000e+00 : f32
    %max3A_32 = vector.broadcast %max3A : f32 to vector<10000x128xf32>
    %max3A_33 = arith.maximumf %add3A_31, %max3A_32 : vector<10000x128xf32>
    %get3A_34 = arith.constant 0 : index
    %get3A_35 = arith.constant 0 : index
    %get3A_36 = vector.load %arg4[%get3A_34, %get3A_35] : memref<128x128xf32, #tpu.memory_space<vmem>>, vector<128x128xf32>
    %dot_general3A = arith.constant dense<0.000000e+00> : vector<10000x128xf32>
    %dot_general3A_37 = tpu.matmul %max3A_33, %get3A_36, %dot_general3A {dimension_numbers = #tpu.dot_dimension_numbers<[1], [0], [0], [1], [0, 0, 1, 1], [], []>, transpose_lhs_hint = false} : vector<10000x128xf32>, vector<128x128xf32>, vector<10000x128xf32> -> vector<10000x128xf32>
    %mul3A_38 = vector.broadcast %rsqrt3A : vector<10000x1xf32> to vector<10000x128xf32>
    %mul3A_39 = arith.mulf %dot_general3A_37, %mul3A_38 : vector<10000x128xf32>
    %swap3A = arith.constant 0 : index
    %swap3A_40 = arith.constant 0 : index
    %swap3A_41 = vector.load %arg5[%swap3A, %swap3A_40] : memref<10000x128xf32, #tpu.memory_space<vmem>>, vector<10000x128xf32>
    tpu.vector_store %arg5[%swap3A, %swap3A_40], %mul3A_39 {strides = array<i32>} : memref<10000x128xf32, #tpu.memory_space<vmem>>, vector<10000x128xf32>,
    return
  }
}

module attributes {stable_mosaic.version = 14 : i64} {
  func.func @body(%arg0: memref<2x10112x128xf32, #tpu.memory_space<vmem>>, %arg1: memref<10000x128xf32, #tpu.memory_space<vmem>>, %arg2: memref<128xf32, #tpu.memory_space<vmem>>, %arg3: memref<2x10112x128xf32, #tpu.memory_space<vmem>>, %arg4: memref<10000x128xf32, #tpu.memory_space<vmem>>) attributes {dimension_semantics = [], scalar_prefetch = 0 : i64, scratch_operands = 0 : i64, tpu.core_type = #tpu.core_type<tc>} {
    %get3A = arith.constant 0 : index
    %get3A_0 = arith.constant 0 : index
    %get3A_1 = arith.constant 0 : index
    %get3A_2 = vector.load %arg3[%get3A, %get3A_0, %get3A_1] : memref<2x10112x128xf32, #tpu.memory_space<vmem>>, vector<1x10000x1xf32>
    %get3A_3 = vector.shape_cast %get3A_2 : vector<1x10000x1xf32> to vector<10000x1xf32>
    %get3A_4 = arith.constant 1 : index
    %get3A_5 = arith.constant 0 : index
    %get3A_6 = arith.constant 0 : index
    %get3A_7 = vector.load %arg3[%get3A_4, %get3A_5, %get3A_6] : memref<2x10112x128xf32, #tpu.memory_space<vmem>>, vector<1x10000x1xf32>
    %get3A_8 = vector.shape_cast %get3A_7 : vector<1x10000x1xf32> to vector<10000x1xf32>
    %add3A = arith.addf %get3A_3, %get3A_8 : vector<10000x1xf32>
    %add3A_9 = arith.constant 1.000000e+00 : f32
    %add3A_10 = vector.broadcast %add3A_9 : f32 to vector<10000x1xf32>
    %add3A_11 = arith.addf %add3A, %add3A_10 : vector<10000x1xf32>
    %rsqrt3A = math.rsqrt %add3A_11 : vector<10000x1xf32>
    %get3A_12 = arith.constant 0 : index
    %get3A_13 = arith.constant 0 : index
    %get3A_14 = arith.constant 0 : index
    %get3A_15 = vector.load %arg0[%get3A_12, %get3A_13, %get3A_14] : memref<2x10112x128xf32, #tpu.memory_space<vmem>>, vector<1x10000x128xf32>
    %get3A_16 = vector.shape_cast %get3A_15 : vector<1x10000x128xf32> to vector<10000x128xf32>
    %get3A_17 = arith.constant 1 : index
    %get3A_18 = arith.constant 0 : index
    %get3A_19 = arith.constant 0 : index
    %get3A_20 = vector.load %arg0[%get3A_17, %get3A_18, %get3A_19] : memref<2x10112x128xf32, #tpu.memory_space<vmem>>, vector<1x10000x128xf32>
    %get3A_21 = vector.shape_cast %get3A_20 : vector<1x10000x128xf32> to vector<10000x128xf32>
    %add3A_22 = arith.addf %get3A_16, %get3A_21 : vector<10000x128xf32>
    %get3A_23 = arith.constant 0 : index
    %get3A_24 = arith.constant 0 : index
    %get3A_25 = vector.load %arg1[%get3A_23, %get3A_24] : memref<10000x128xf32, #tpu.memory_space<vmem>>, vector<10000x128xf32>
    %add3A_26 = arith.addf %add3A_22, %get3A_25 : vector<10000x128xf32>
    %mul3A = vector.broadcast %rsqrt3A : vector<10000x1xf32> to vector<10000x128xf32>
    %mul3A_27 = arith.mulf %add3A_26, %mul3A : vector<10000x128xf32>
    %get3A_28 = arith.constant 0 : index
    %get3A_29 = vector.load %arg2[%get3A_28] : memref<128xf32, #tpu.memory_space<vmem>>, vector<128xf32>
    %broadcast_in_dim3A = vector.shape_cast %get3A_29 : vector<128xf32> to vector<1x128xf32>
    %add3A_30 = vector.broadcast %broadcast_in_dim3A : vector<1x128xf32> to vector<10000x128xf32>
    %add3A_31 = arith.addf %mul3A_27, %add3A_30 : vector<10000x128xf32>
    %max3A = arith.constant 0.000000e+00 : f32
    %max3A_32 = vector.broadcast %max3A : f32 to vector<10000x128xf32>
    %max3A_33 = arith.maximumf %add3A_31, %max3A_32 : vector<10000x128xf32>
    %swap3A = arith.constant 0 : index
    %swap3A_34 = arith.constant 0 : index
    %swap3A_35 = vector.load %arg4[%swap3A, %swap3A_34] : memref<10000x128xf32, #tpu.memory_space<vmem>>, vector<10000x128xf32>
    tpu.vector_store %arg4[%swap3A, %swap3A_34], %max3A_33 {strides = array<i32>} : memref<10000x128xf32, #tpu.memory_space<vmem>>, vector<10000x128xf32>,
    return
  }
}

</mosaic_0001>

<sc_bundles>
// kernel: kernel.11.cloned.1.call-start
scs
__scs_entry_jumppad:
0x0: {  	(pc) =	sbr.rel $0x88, $3  }
0x1: {  	(tag) =	ssettag $0x0;
	lr =	simm.s32 $0x1  }
0x2: {  	[smem:$0x3F9B] =	sst lr;
	_ =	strace $0xD0000000  }
0x3: {  	_ = 	snop  }
0x4: {  	_ = 	snop  }
0x5: {  	_ = 	snop  }
0x6: {  	_ = 	snop  }
0x7: {  	_ = 	snop  }
__scs_overlays_trampoline_lowered:
0x8: {  	[smem:$0x3FAA] =	sst s0  }
0x9: {  	[smem:$0x3FAB] =	sst s1  }
0xa: {  	[smem:$0x3FAC] =	sst s2  }
0xb: {  	[smem:$0x3FAD] =	sst s3  }
0xc: {  	[smem:$0x3FAE] =	sst s4  }
0xd: {  	[smem:$0x3FAF] =	sst s5  }
0xe: {  	[smem:$0x3FB0] =	sst s6  }
0xf: {  	[smem:$0x3FB1] =	sst s7  }
0x10: {  	[smem:$0x3FB2] =	sst s8  }
0x11: {  	[smem:$0x3FB3] =	sst s9;
	s0 =	simm.s32 @!p0 $0x0  }
0x12: {  	s1 =	sld [smem:$0x3F99];
	s0 =	simm.s32 @p0 $0x1  }
0x13: {  	[smem:$0x3FB4] =	sst s0;
	s0 =	simm.s32 @!p1 $0x0  }
0x14: {  	s2 =	sld [smem:$0x3F98];
	s0 =	simm.s32 @p1 $0x1  }
0x15: {  	[smem:$0x3FB5] =	sst s0;
	s0 =	simm.s32 @!p2 $0x0  }
0x16: {  	s3 =	sld [smem:$0x3FDB];
	s0 =	simm.s32 @p2 $0x1  }
0x17: {  	s4 =	simm.s32 $0x1BF5;
	[smem:$0x3FB7] =	sst s0  }
0x18: {  	s0 =	sld [smem:$0x3F9A];
	_ =	swait.ge [sflag:s4], $0x0  }
0x19: {  	s7 =	sld [smem:$0x3F9B]  }
0x1a: {  	s8 =	sadd.s32 $0xFFFFE003, lr  }
0x1b: {  	s9 =	sadd.s32 $0xFFFFFEF7, lr;
	s5 =	simm.s32 $0xFFFFFFFF;
	p2 =	slt.u32 s8, $0xFFFFF086  }
0x1c: {  	p1 =	slt.u32 s9, $0xF7A;
	s5 =	simm.s32 @!p2 $0x0  }
0x1d: {  	s5 =	simm.s32 @p1 $0x1;
	p0 =	seq.s32 s7, s2  }
0x1e: {  	s7 =	smul.u32 @!p0 $0xF7A, s2;
	p2 =	seq.s32 @!p0 s5, $0x0  }
0x1f: {  	s9 =	smul.u32 $0xF7A, s1;
	s8 =	simm.s32 @!p0 $0x1BF5;
	p2 =	por !p2, p0  }
0x20: {  	[sflag:s8] =	ssyncset.s32 @!p0 $0xFFFFF086;
	s6 =	sadd.s32 @!p0 s3, s7;
	s7 =	simm.s32 @!p0 $0x108  }
0x21: {  	s3 =	sadd.s32 s3, s9;
	s6 =	sadd.s32 @!p0 $0x88, s6;
	s7 =	simm.s32 @p2 $0x1082  }
0x22: {  	[simem:s7], [sflag:s8] =	dma.local @!p0 [hbm:s6], $0xF7A  }
0x23: {  	s9 =	sor.u32 $0xD0000000, s2;
	s6 =	simm.s32 $0x108;
	_ =	swait.ge @!p0 [sflag:s8], $0x0  }
0x24: {  	s3 =	sadd.s32 $0x88, s3;
	s6 =	simm.s32 @!p1 $0x1082;
	[sflag:s4] =	ssyncset.s32 $0xFFFFF086  }
0x25: {  	[simem:s6], [sflag:s4] =	dma.local [hbm:s3], $0xF7A  }
0x26: {  	[smem:$0x3F9B] =	sst s1;
	(tag) =	ssettag s2;
	_ =	strace s9  }
0x27: {  	s1 =	sld [smem:$0x3FAB]  }
0x28: {  	s2 =	sld [smem:$0x3FAC]  }
0x29: {  	s4 =	sld [smem:$0x3FAE]  }
0x2a: {  	p0 =	seq.s32 s5, $0x0;
	s5 =	sld [smem:$0x3FAF]  }
0x2b: {  	s6 =	sld [smem:$0x3FB0]  }
0x2c: {  	s7 =	sld [smem:$0x3FB1]  }
0x2d: {  	s3 =	simm.s32 $0x108;
	s8 =	sld [smem:$0x3FB2]  }
0x2e: {  	s3 =	simm.s32 @!p0 $0x1082;
	s9 =	sld [smem:$0x3FB3]  }
0x2f: {  	lr =	sadd.s32 s0, s3;
	s0 =	sld [smem:$0x3FAA]  }
0x30: {  	s3 =	sld [smem:$0x3FAD]  }
0x31: {  	[smem:$0x3FB6] =	sst s10  }
0x32: {  	s10 =	sld [smem:$0x3FB4];
	_ =	sdelay $0x3  }
0x33: {  	p0 =	seq.s32 s10, $0x1;
	s10 =	sld [smem:$0x3FB6];
	_ =	sdelay $0x3  }
0x34: {  	[smem:$0x3FB6] =	sst s10  }
0x35: {  	s10 =	sld [smem:$0x3FB5];
	_ =	sdelay $0x3  }
0x36: {  	p1 =	seq.s32 s10, $0x1;
	s10 =	sld [smem:$0x3FB6];
	_ =	sdelay $0x3  }
0x37: {  	[smem:$0x3FB6] =	sst s10  }
0x38: {  	s10 =	sld [smem:$0x3FB7]  }
0x39: {  	_ = 	snop;
	(pc) =	sbr.ind lr, $3  }
0x3a: {  	_ = 	snop  }
0x3b: {  	_ = 	snop  }
0x3c: {  	p2 =	seq.s32 s10, $0x1;
	s10 =	sld [smem:$0x3FB6]  }
0x3d: {  	_ =	shalt  }
0x3e: {  	_ =	shalt  }
0x3f: {  	_ =	shalt  }
0x40: {  	_ =	shalt  }
0x41: {  	_ =	shalt  }
0x42: {  	_ =	shalt  }
0x43: {  	_ =	shalt  }
0x44: {  	_ =	shalt  }
0x45: {  	_ =	shalt  }
0x46: {  	_ =	shalt  }
0x47: {  	_ =	shalt  }
0x48: {  	_ =	shalt  }
0x49: {  	_ =	shalt  }
0x4a: {  	_ =	shalt  }
0x4b: {  	_ =	shalt  }
0x4c: {  	_ =	shalt  }
0x4d: {  	_ =	shalt  }
0x4e: {  	_ =	shalt  }
0x4f: {  	_ =	shalt  }
0x50: {  	_ =	shalt  }
0x51: {  	_ =	shalt  }
0x52: {  	_ =	shalt  }
0x53: {  	_ =	shalt  }
0x54: {  	_ =	shalt  }
0x55: {  	_ =	shalt  }
0x56: {  	_ =	shalt  }
0x57: {  	_ =	shalt  }
0x58: {  	_ =	shalt  }
0x59: {  	_ =	shalt  }
0x5a: {  	_ =	shalt  }
0x5b: {  	_ =	shalt  }
0x5c: {  	_ =	shalt  }
0x5d: {  	_ =	shalt  }
0x5e: {  	_ =	shalt  }
0x5f: {  	_ =	shalt  }
0x60: {  	_ =	shalt  }
0x61: {  	_ =	shalt  }
0x62: {  	_ =	shalt  }
0x63: {  	_ =	shalt  }
0x64: {  	_ =	shalt  }
0x65: {  	_ =	shalt  }
0x66: {  	_ =	shalt  }
0x67: {  	_ =	shalt  }
0x68: {  	_ =	shalt  }
0x69: {  	_ =	shalt  }
0x6a: {  	_ =	shalt  }
0x6b: {  	_ =	shalt  }
0x6c: {  	_ =	shalt  }
0x6d: {  	_ =	shalt  }
0x6e: {  	_ =	shalt  }
0x6f: {  	_ =	shalt  }
0x70: {  	_ =	shalt  }
0x71: {  	_ =	shalt  }
0x72: {  	_ =	shalt  }
0x73: {  	_ =	shalt  }
0x74: {  	_ =	shalt  }
0x75: {  	_ =	shalt  }
0x76: {  	_ =	shalt  }
0x77: {  	_ =	shalt  }
0x78: {  	_ =	shalt  }
0x79: {  	_ =	shalt  }
0x7a: {  	_ =	shalt  }
0x7b: {  	_ =	shalt  }
0x7c: {  	_ =	shalt  }
0x7d: {  	_ =	shalt  }
0x7e: {  	_ =	shalt  }
0x7f: {  	_ =	shalt  }
0x80: {  	_ =	shalt  }
0x81: {  	_ =	shalt  }
0x82: {  	_ =	shalt  }
0x83: {  	_ =	shalt  }
0x84: {  	_ =	shalt  }
0x85: {  	_ =	shalt  }
0x86: {  	_ =	shalt  }
0x87: {  	_ =	shalt  }
.Lfunc_end0:
.L_simem_size_0:
called_computation.1_lowered:
.L_overlay_start_0:
0x88: {  	s2 =	sld [smem:$0x3FD9]  }
0x89: {  	s3 =	sld [smem:$0x3FFE];
	_ =	sdelay $0x1  }
0x8a: {  	s1 =	srdreg.scid  }
0x8b: {  	s0 =	sand.u32 $0x1, s1  }
0x8c: {  	s17 =	sshll.u32 s0, $0xA;
	s2 =	sadd.s32 s3, s2  }
0x8d: {  	s2 =	sadd.s32 s2, s17  }
0x8e: {  	[smem:$0x3FC2] =	sst s2  }
0x8f: {  	_ = 	snop  }
0x90: {  	s2 =	sld [smem:$0x3FD0];
	(tm) =	ssettm $0x1  }
0x91: {  	s18 =	sld [smem:$0x3FFB];
	_ =	sdelay $0x3  }
0x92: {  	_ =	strace s18  }
0x93: {  	s3 =	sld [smem:$0x3FFC];
	_ =	sdelay $0x3  }
0x94: {  	_ =	strace s3  }
0x95: {  	s3 =	sld [smem:$0x3FFD];
	_ =	sdelay $0x3  }
0x96: {  	_ =	strace s3  }
0x97: {  	_ =	strace $0x8FFFFFFF  }
0x98: {  	s19 =	sld [smem:$0x3FDB];
	_ =	sdelay $0x1  }
0x99: {  	s4 =	simm.s32 $_scs_section_size  }
0x9a: {  	s5 =	simm.s32 $_size__tile_overlayer_lowered;
	s6 =	simm.s32 $_tile_overlayer_lowered  }
0x9b: {  	s22 =	simm.s32 $0x1BFF;
	s21 =	sshll.u32 s6, $0x1;
	s3 =	sadd.s32 s4, s19  }
0x9c: {  	s7 =	simm.s32 $0x0;
	s20 =	sshll.u32 s5, $0x1;
	s5 =	sadd.s32 s21, s3  }
0x9d: {  	[timem:s7], [sflag:s22] =	dma.local [hbm:s5], s20  }
0x9e: {  	_ =	swait.ge [sflag:s22], s20  }
0x9f: {  	s4 =	ssub.s32 $0x0, s20;
	[sflag:s22] =	ssyncset.done $0x0  }
0xa0: {  	[sflag:s22] =	ssyncadd.s32 s4;
	_ =	sdelay $0x1  }
0xa1: {  	s23 =	simm.s32 $0x1B8B  }
0xa2: {  	_ =	swait.ge [sflag:s23], $0x1  }
0xa3: {  	[sflag:s23] =	ssyncset.done $0x0  }
0xa4: {  	s25 =	simm.s32 $0x1B8E;
	s24 =	sld [smem:$0x3FFE];
	[sflag:s23] =	ssyncadd.s32 $0xFFFFFFFF  }
0xa5: {  	s26 =	simm.s32 $execute0_lowered;
	[smem:$0x3FD2] =	sst s25  }
0xa6: {  	s5 =	sshll.u32 s26, $0x1;
	_ =	strace $0x80000049;
	[dreg:$0x1] =	wrdreg $0xFFFFFFFF  }
0xa7: {  	s28 =	simm.s32 $_size_execute0_lowered;
	s3 =	sadd.s32 s3, s5;
	[dreg:$0x0] =	wrdreg $0x0  }
0xa8: {  	s5 =	sshll.u32 s28, $0x1;
	[dreg:$0x2] =	wrdreg s3  }
0xa9: {  	[dreg:$0x3] =	wrdreg s5  }
0xaa: {  	[dreg:$0x4] =	wrdreg $0xC0  }
0xab: {  	_ =	task [dreg:s7], $0x5FFFF  }
0xac: {  	[dreg:$0x1] =	wrdreg $0xFFFFFFFF  }
0xad: {  	[dreg:$0x0] =	wrdreg $0x60  }
0xae: {  	[dreg:$0x2] =	wrdreg s2  }
0xaf: {  	[dreg:$0x3] =	wrdreg s24  }
0xb0: {  	[dreg:$0x4] =	wrdreg $0x90000  }
0xb1: {  	[dreg:$0x5] =	wrdreg $0x9  }
0xb2: {  	_ =	task.clear_ibuf [dreg:s7], $0x6FFFF;
	_ =	strace $0x90000049  }
0xb3: {  	s29 =	simm.s32 $0x9;
	_ =	strace $0x8000004B  }
0xb4: {  	_ =	swait.ge [sflag:s29], $0x1  }
0xb5: {  	[sflag:s29] =	ssyncadd.s32 $0xFFFFFFFF  }
0xb6: {  	_ =	strace $0x9000004B  }
0xb7: {  	_ =	sfence  }
0xb8: {  	s30 =	sld [smem:$0x0];
	_ =	sdelay $0x2  }
0xb9: {  	s31 =	sshll.u32 s1, $0xD;
	s1 =	sshrl.u32 s1, $0x2  }
0xba: {  	s3 =	sand.u32 $0x4000, s31;
	s1 =	sadd.s32 s1, s30  }
0xbb: {  	s0 =	sor.u32 s3, s0;
	s1 =	sshll.u32 s1, $0x11  }
0xbc: {  	s0 =	sor.u32 s1, s0  }
0xbd: {  	s0 =	sadd.s32 $0x8F2B, s0  }
0xbe: {  	[sflag:s0] =	ssyncadd.remote.s32 $0x1  }
0xbf: {  	_ =	sfence.sel $0xFFFF  }
0xc0: {  	[dreg:$0x0] =	wrdreg $0xFFFFFFFF;
	(pc) =	sbr.abs _section_cstart, $3  }
0xc1: {  	[dreg:$0x1] =	wrdreg $0xFFFFFFFF  }
0xc2: {  	_ =	task.clear_ibuf [dreg:s7], $0x2FFFF;
	_ =	strace $0x9FFFFFFF  }
0xc3: {  	(tm) =	ssettm $0x7FFFFFFF  }
tec
execute0_lowered:
.L_overlay_start_1:
0x0: {  	(tag) =	ssettag $0x1  }
0x1: {  	s1 =	rddreg [dreg:$0x0]  }
0x2: {  	s0 =	rddreg [dreg:$0x1]  }
0x3: {  	s3 =	rddreg [dreg:$0x2]  }
0x4: {  	s4 =	simm.s32 $0x0;
	s10 =	stileid.u32;
	s2 =	srdreg.scid  }
0x5: {  	s11 =	simm.s32 $0x880;
	s12 =	simm.s32 $0x180;
	s14 =	simm.s32 $0x900  }
0x6: {  	s15 =	simm.s32 $0x200;
	[smem:$0x7FF] =	sst s4;
	s6 =	sadd.s32 $0x2A00, s0  }
0x7: {  	s22 =	sadd.s32 $0xCA00, s0;
	_ =	strace $0x8000004A;
	[dreg:$0x4] =	wrdreg s6  }
0x8: {  	s16 =	simm.s32 $0x980;
	s17 =	simm.s32 $0x280;
	[dreg:$0x5] =	wrdreg s22  }
0x9: {  	s18 =	simm.s32 $0xA00;
	s20 =	simm.s32 $0x300;
	[dreg:$0x7] =	wrdreg s11  }
0xa: {  	s21 =	simm.s32 $0xA80;
	s28 =	simm.s32 $0xE00;
	[dreg:$0x8] =	wrdreg s12  }
0xb: {  	s29 =	simm.s32 $0x700;
	s30 =	simm.s32 $0xE80;
	[dreg:$0x9] =	wrdreg s14  }
0xc: {  	s31 =	simm.s32 $0x780;
	s5 =	smul.u32 $0x13C00, s10;
	[dreg:$0xa] =	wrdreg s15  }
0xd: {  	s2 =	sand.u32 $0x1, s2;
	s26 =	sshll.u32 s10, $0xC;
	[dreg:$0xb] =	wrdreg s16  }
0xe: {  	s8 =	smul.u32 $0x4F000, s10;
	s13 =	sshll.u32 s10, $0x6;
	[dreg:$0xc] =	wrdreg s17  }
0xf: {  	s7 =	smul.u32 $0x13C000, s2;
	s24 =	ssub.s32 $0x2, s2;
	[dreg:$0xd] =	wrdreg s18  }
0x10: {  	p0 =	seq.s32 s2, $0x0;
	s2 =	sshll.u32 s10, $0xE;
	[dreg:$0xe] =	wrdreg s20  }
0x11: {  	s9 =	sor.u32 $0x40000, s26;
	s12 =	simm.s32 $0x3;
	[dreg:$0xf] =	wrdreg s21  }
0x12: {  	s22 =	simm.s32 $0x380;
	s14 =	simm.s32 $0x80;
	s15 =	simm.s32 $0x1000  }
0x13: {  	s16 =	simm.s32 $0x5000;
	s26 =	simm.s32 $0x480;
	s17 =	simm.s32 $0x1  }
0x14: {  	s18 =	simm.s32 $0x2;
	s20 =	simm.s32 $0x500;
	s21 =	simm.s32 $0xC80  }
0x15: {  	s25 =	sshrl.u32 s24, $0x1;
	s9 =	smov.u32 @p0 s2;
	[dreg:$0x10] =	wrdreg s22  }
0x16: {  	[dreg:$0x14] =	wrdreg s26;
	s22 =	simm.s32 $0x580;
	s26 =	simm.s32 $0x680  }
0x17: {  	s23 =	sadd.s32 s5, s7;
	s5 =	sshrl.u32 s5, $0x3;
	s7 =	sshrl.u32 s8, $0x2  }
0x18: {  	s8 =	simm.s32 $0x100;
	s6 =	sshrl.u32 s23, $0x3;
	s5 =	sadd.s32 s5, s0  }
0x19: {  	s2 =	sadd.s32 s7, s3;
	[dreg:$0x6] =	wrdreg s8;
	s8 =	sor.u32 $0x1C03, s13  }
0x1a: {  	s7 =	simm.s32 $0x8;
	s13 =	simm.s32 $0x800;
	s23 =	simm.s32 $0xB00  }
0x1b: {  	s0 =	sadd.s32 s6, s0;
	s5 =	sadd.s32 $0x16A00, s5;
	[dreg:$0x11] =	wrdreg s23  }
0x1c: {  	s6 =	ssub.s32 s24, s25;
	s7 =	simm.s32 @!p0 $0x2;
	[dreg:$0x15] =	wrdreg s5  }
0x1d: {  	s11 =	sshrl.u32 s2, $0x3;
	s24 =	simm.s32 $0x400;
	[dreg:$0x16] =	wrdreg s7  }
0x1e: {  	s25 =	simm.s32 $0xB80;
	s23 =	simm.s32 $0xD00;
	[dreg:$0x12] =	wrdreg s24  }
0x1f: {  	s2 =	simm.s32 $0xF80;
	s0 =	sadd.s32 $0x8D200, s0;
	[dreg:$0x13] =	wrdreg s25  }
0x20: {  	s19 =	smax.u32 s6, $0x1;
	s24 =	simm.s32 $0x600;
	[dreg:$0x19] =	wrdreg s11  }
0x21: {  	s25 =	simm.s32 $0xD80;
	s6 =	simm.s32 $0x0;
	[dreg:$0x17] =	wrdreg s0  }
0x22: {  	[dreg:$0x18] =	wrdreg s19;
	s19 =	simm.s32 $0xC00;
	s0 =	simm.s32 $0xF00  }
.LBB2_1:
0x23: {  	s5 =	rddreg [dreg:$0x15]  }
0x24: {  	[spmem:s11], [sflag:s8] =	dma.local [hbm:s5], $0x2780  }
0x25: {  	_ =	swait.ge [sflag:s12], $0x2780  }
0x26: {  	[sflag:s12] =	ssyncset.done $0x0  }
0x27: {  	[sflag:s12] =	ssyncadd.s32 $0xFFFFD880  }
0x28: {  	[bflag:$0x0] =	sbarrier.arrive $0xFFFF  }
0x29: {  	s10 =	rddreg [dreg:$0x16]  }
0x2a: {  	p1 =	sne.s32 s10, $0x1  }
.Ltmp0:
0x2b: {  	_ = 	snop;
	(pc) =	sbr.rel @!p1 .LBB2_2-.Ltmp0, $2  }
0x2c: {  	_ =	sdelay $0x2  }
0x2d: {  	p0 =	por $0x0, $0x0;
	s7 =	rddreg [dreg:$0x4];
	s5 =	sadd.s32 $0xFFFFFFFF, s10  }
0x2e: {  	s10 =	sshrl.u32 s9, $0x3  }
0x2f: {  	s7 =	sadd.s32 s7, s10  }
0x30: {  	[tilespmem:s4], [sflag:$0x3] =	stream.linear.gather [hbm4b:s7+s4], $0x800, $0x38;
	[tilespmem:$0x1CC00] =	vst v63  }
0x31: {  	_ =	swait.ge [sflag:s12], $0x800  }
0x32: {  	s11 =	rddreg [dreg:$0x5];
	[sflag:s12] =	ssyncset.done $0x0  }
0x33: {  	[sflag:s12] =	ssyncadd.s32 $0xFFFFF800;
	s7 =	sadd.s32 s11, s10  }
0x34: {  	[tilespmem:s13], [sflag:$0x3] =	stream.linear.gather [hbm4b:s7+s4], $0x800, $0x38;
	[tilespmem:$0x1CC00] =	vst v63  }
0x35: {  	_ =	swait.ge [sflag:s12], $0x800  }
0x36: {  	[sflag:s12] =	ssyncset.done $0x0  }
0x37: {  	[sflag:s12] =	ssyncadd.s32 $0xFFFFF800  }
0x38: {  	[tilespmem:s15], [sflag:$0x1] =	stream.indirect.gather [hbm4b:s1+s14], $0x80, s4, s14, $0xb8;
	[tilespmem:$0x1CC00] =	vst v63  }
0x39: {  	_ = 	snop  }
0x3a: {  	[tilespmem:s16], [sflag:$0x2] =	stream.indirect.gather [hbm4b:s1+s14], $0x80, s14, s14, $0xb8;
	[tilespmem:$0x1CC00] =	vst v63  }
0x3b: {  	_ =	swait.ge [sflag:s17], $0x4000  }
0x3c: {  	[sflag:s17] =	ssyncset.done $0x0  }
0x3d: {  	[sflag:s17] =	ssyncadd.s32 $0xFFFFC000  }
0x3e: {  	[spmem:s3] =	stream.indirect.scatter.add.f32 [tilespmem:s15], [sflag:$0x3], $0x80, s13, s14, $0xb8;
	[tilespmem:$0x1CC00] =	vst v63  }
0x3f: {  	_ =	swait.ge [sflag:s12], $0x4000  }
0x40: {  	[sflag:s12] =	ssyncset.done $0x0  }
0x41: {  	s11 =	rddreg [dreg:$0x6];
	[sflag:s12] =	ssyncadd.s32 $0xFFFFC000  }
0x42: {  	[tilespmem:s15], [sflag:$0x1] =	stream.indirect.gather [hbm4b:s1+s14], $0x80, s11, s14, $0xb8;
	[tilespmem:$0x1CC00] =	vst v63  }
0x43: {  	_ =	swait.ge [sflag:s18], $0x4000  }
0x44: {  	[sflag:s18] =	ssyncset.done $0x0  }
0x45: {  	s10 =	rddreg [dreg:$0x7];
	[sflag:s18] =	ssyncadd.s32 $0xFFFFC000  }
0x46: {  	[spmem:s3] =	stream.indirect.scatter.add.f32 [tilespmem:s16], [sflag:$0x3], $0x80, s10, s14, $0xb8;
	[tilespmem:$0x1CC00] =	vst v63  }
0x47: {  	_ =	swait.ge [sflag:s12], $0x4000  }
0x48: {  	[sflag:s12] =	ssyncset.done $0x0  }
0x49: {  	s11 =	rddreg [dreg:$0x8];
	[sflag:s12] =	ssyncadd.s32 $0xFFFFC000  }
0x4a: {  	[tilespmem:s16], [sflag:$0x2] =	stream.indirect.gather [hbm4b:s1+s14], $0x80, s11, s14, $0xb8;
	[tilespmem:$0x1CC00] =	vst v63  }
0x4b: {  	_ =	swait.ge [sflag:s17], $0x4000  }
0x4c: {  	[sflag:s17] =	ssyncset.done $0x0  }
0x4d: {  	s10 =	rddreg [dreg:$0x9];
	[sflag:s17] =	ssyncadd.s32 $0xFFFFC000  }
0x4e: {  	[spmem:s3] =	stream.indirect.scatter.add.f32 [tilespmem:s15], [sflag:$0x3], $0x80, s10, s14, $0xb8;
	[tilespmem:$0x1CC00] =	vst v63  }
0x4f: {  	_ =	swait.ge [sflag:s12], $0x4000  }
0x50: {  	[sflag:s12] =	ssyncset.done $0x0  }
0x51: {  	s11 =	rddreg [dreg:$0xa];
	[sflag:s12] =	ssyncadd.s32 $0xFFFFC000  }
0x52: {  	[tilespmem:s15], [sflag:$0x1] =	stream.indirect.gather [hbm4b:s1+s14], $0x80, s11, s14, $0xb8;
	[tilespmem:$0x1CC00] =	vst v63  }
0x53: {  	_ =	swait.ge [sflag:s18], $0x4000  }
0x54: {  	[sflag:s18] =	ssyncset.done $0x0  }
0x55: {  	s10 =	rddreg [dreg:$0xb];
	[sflag:s18] =	ssyncadd.s32 $0xFFFFC000  }
0x56: {  	[spmem:s3] =	stream.indirect.scatter.add.f32 [tilespmem:s16], [sflag:$0x3], $0x80, s10, s14, $0xb8;
	[tilespmem:$0x1CC00] =	vst v63  }
0x57: {  	_ =	swait.ge [sflag:s12], $0x4000  }
0x58: {  	[sflag:s12] =	ssyncset.done $0x0  }
0x59: {  	s11 =	rddreg [dreg:$0xc];
	[sflag:s12] =	ssyncadd.s32 $0xFFFFC000  }
0x5a: {  	[tilespmem:s16], [sflag:$0x2] =	stream.indirect.gather [hbm4b:s1+s14], $0x80, s11, s14, $0xb8;
	[tilespmem:$0x1CC00] =	vst v63  }
0x5b: {  	_ =	swait.ge [sflag:s17], $0x4000  }
0x5c: {  	[sflag:s17] =	ssyncset.done $0x0  }
0x5d: {  	s10 =	rddreg [dreg:$0xd];
	[sflag:s17] =	ssyncadd.s32 $0xFFFFC000  }
0x5e: {  	[spmem:s3] =	stream.indirect.scatter.add.f32 [tilespmem:s15], [sflag:$0x3], $0x80, s10, s14, $0xb8;
	[tilespmem:$0x1CC00] =	vst v63  }
0x5f: {  	_ =	swait.ge [sflag:s12], $0x4000  }
0x60: {  	[sflag:s12] =	ssyncset.done $0x0  }
0x61: {  	s11 =	rddreg [dreg:$0xe];
	[sflag:s12] =	ssyncadd.s32 $0xFFFFC000  }
0x62: {  	[tilespmem:s15], [sflag:$0x1] =	stream.indirect.gather [hbm4b:s1+s14], $0x80, s11, s14, $0xb8;
	[tilespmem:$0x1CC00] =	vst v63  }
0x63: {  	_ =	swait.ge [sflag:s18], $0x4000  }
0x64: {  	[sflag:s18] =	ssyncset.done $0x0  }
0x65: {  	s10 =	rddreg [dreg:$0xf];
	[sflag:s18] =	ssyncadd.s32 $0xFFFFC000  }
0x66: {  	[spmem:s3] =	stream.indirect.scatter.add.f32 [tilespmem:s16], [sflag:$0x3], $0x80, s10, s14, $0xb8;
	[tilespmem:$0x1CC00] =	vst v63  }
0x67: {  	_ =	swait.ge [sflag:s12], $0x4000  }
0x68: {  	[sflag:s12] =	ssyncset.done $0x0  }
0x69: {  	s11 =	rddreg [dreg:$0x10];
	[sflag:s12] =	ssyncadd.s32 $0xFFFFC000  }
0x6a: {  	[tilespmem:s16], [sflag:$0x2] =	stream.indirect.gather [hbm4b:s1+s14], $0x80, s11, s14, $0xb8;
	[tilespmem:$0x1CC00] =	vst v63  }
0x6b: {  	_ =	swait.ge [sflag:s17], $0x4000  }
0x6c: {  	[sflag:s17] =	ssyncset.done $0x0  }
0x6d: {  	s10 =	rddreg [dreg:$0x11];
	[sflag:s17] =	ssyncadd.s32 $0xFFFFC000  }
0x6e: {  	[spmem:s3] =	stream.indirect.scatter.add.f32 [tilespmem:s15], [sflag:$0x3], $0x80, s10, s14, $0xb8;
	[tilespmem:$0x1CC00] =	vst v63  }
0x6f: {  	_ =	swait.ge [sflag:s12], $0x4000  }
0x70: {  	[sflag:s12] =	ssyncset.done $0x0  }
0x71: {  	s11 =	rddreg [dreg:$0x12];
	[sflag:s12] =	ssyncadd.s32 $0xFFFFC000  }
0x72: {  	[tilespmem:s15], [sflag:$0x1] =	stream.indirect.gather [hbm4b:s1+s14], $0x80, s11, s14, $0xb8;
	[tilespmem:$0x1CC00] =	vst v63  }
0x73: {  	_ =	swait.ge [sflag:s18], $0x4000  }
0x74: {  	[sflag:s18] =	ssyncset.done $0x0  }
0x75: {  	s10 =	rddreg [dreg:$0x13];
	[sflag:s18] =	ssyncadd.s32 $0xFFFFC000  }
0x76: {  	[spmem:s3] =	stream.indirect.scatter.add.f32 [tilespmem:s16], [sflag:$0x3], $0x80, s10, s14, $0xb8;
	[tilespmem:$0x1CC00] =	vst v63  }
0x77: {  	_ =	swait.ge [sflag:s12], $0x4000  }
0x78: {  	[sflag:s12] =	ssyncset.done $0x0  }
0x79: {  	s11 =	rddreg [dreg:$0x14];
	[sflag:s12] =	ssyncadd.s32 $0xFFFFC000  }
0x7a: {  	[tilespmem:s16], [sflag:$0x2] =	stream.indirect.gather [hbm4b:s1+s14], $0x80, s11, s14, $0xb8;
	[tilespmem:$0x1CC00] =	vst v63  }
0x7b: {  	_ =	swait.ge [sflag:s17], $0x4000  }
0x7c: {  	[sflag:s17] =	ssyncset.done $0x0  }
0x7d: {  	[sflag:s17] =	ssyncadd.s32 $0xFFFFC000  }
0x7e: {  	[spmem:s3] =	stream.indirect.scatter.add.f32 [tilespmem:s15], [sflag:$0x3], $0x80, s19, s14, $0xb8;
	[tilespmem:$0x1CC00] =	vst v63  }
0x7f: {  	_ =	swait.ge [sflag:s12], $0x4000  }
0x80: {  	[sflag:s12] =	ssyncset.done $0x0  }
0x81: {  	[sflag:s12] =	ssyncadd.s32 $0xFFFFC000  }
0x82: {  	[tilespmem:s15], [sflag:$0x1] =	stream.indirect.gather [hbm4b:s1+s14], $0x80, s20, s14, $0xb8;
	[tilespmem:$0x1CC00] =	vst v63  }
0x83: {  	_ =	swait.ge [sflag:s18], $0x4000  }
0x84: {  	[sflag:s18] =	ssyncset.done $0x0  }
0x85: {  	[sflag:s18] =	ssyncadd.s32 $0xFFFFC000  }
0x86: {  	[spmem:s3] =	stream.indirect.scatter.add.f32 [tilespmem:s16], [sflag:$0x3], $0x80, s21, s14, $0xb8;
	[tilespmem:$0x1CC00] =	vst v63  }
0x87: {  	_ =	swait.ge [sflag:s12], $0x4000  }
0x88: {  	[sflag:s12] =	ssyncset.done $0x0  }
0x89: {  	[sflag:s12] =	ssyncadd.s32 $0xFFFFC000  }
0x8a: {  	[tilespmem:s16], [sflag:$0x2] =	stream.indirect.gather [hbm4b:s1+s14], $0x80, s22, s14, $0xb8;
	[tilespmem:$0x1CC00] =	vst v63  }
0x8b: {  	_ =	swait.ge [sflag:s17], $0x4000  }
0x8c: {  	[sflag:s17] =	ssyncset.done $0x0  }
0x8d: {  	[sflag:s17] =	ssyncadd.s32 $0xFFFFC000  }
0x8e: {  	[spmem:s3] =	stream.indirect.scatter.add.f32 [tilespmem:s15], [sflag:$0x3], $0x80, s23, s14, $0xb8;
	[tilespmem:$0x1CC00] =	vst v63  }
0x8f: {  	_ =	swait.ge [sflag:s12], $0x4000  }
0x90: {  	[sflag:s12] =	ssyncset.done $0x0  }
0x91: {  	[sflag:s12] =	ssyncadd.s32 $0xFFFFC000  }
0x92: {  	[tilespmem:s15], [sflag:$0x1] =	stream.indirect.gather [hbm4b:s1+s14], $0x80, s24, s14, $0xb8;
	[tilespmem:$0x1CC00] =	vst v63  }
0x93: {  	_ =	swait.ge [sflag:s18], $0x4000  }
0x94: {  	[sflag:s18] =	ssyncset.done $0x0  }
0x95: {  	[sflag:s18] =	ssyncadd.s32 $0xFFFFC000  }
0x96: {  	[spmem:s3] =	stream.indirect.scatter.add.f32 [tilespmem:s16], [sflag:$0x3], $0x80, s25, s14, $0xb8;
	[tilespmem:$0x1CC00] =	vst v63  }
0x97: {  	_ =	swait.ge [sflag:s12], $0x4000  }
0x98: {  	[sflag:s12] =	ssyncset.done $0x0  }
0x99: {  	[sflag:s12] =	ssyncadd.s32 $0xFFFFC000  }
0x9a: {  	[tilespmem:s16], [sflag:$0x2] =	stream.indirect.gather [hbm4b:s1+s14], $0x80, s26, s14, $0xb8;
	[tilespmem:$0x1CC00] =	vst v63  }
0x9b: {  	_ =	swait.ge [sflag:s17], $0x4000  }
0x9c: {  	[sflag:s17] =	ssyncset.done $0x0  }
0x9d: {  	[sflag:s17] =	ssyncadd.s32 $0xFFFFC000  }
0x9e: {  	[spmem:s3] =	stream.indirect.scatter.add.f32 [tilespmem:s15], [sflag:$0x3], $0x80, s28, s14, $0xb8;
	[tilespmem:$0x1CC00] =	vst v63  }
0x9f: {  	_ =	swait.ge [sflag:s12], $0x4000  }
0xa0: {  	[sflag:s12] =	ssyncset.done $0x0  }
0xa1: {  	[sflag:s12] =	ssyncadd.s32 $0xFFFFC000  }
0xa2: {  	[tilespmem:s15], [sflag:$0x1] =	stream.indirect.gather [hbm4b:s1+s14], $0x80, s29, s14, $0xb8;
	[tilespmem:$0x1CC00] =	vst v63  }
0xa3: {  	_ =	swait.ge [sflag:s18], $0x4000  }
0xa4: {  	[sflag:s18] =	ssyncset.done $0x0  }
0xa5: {  	[sflag:s18] =	ssyncadd.s32 $0xFFFFC000  }
0xa6: {  	[spmem:s3] =	stream.indirect.scatter.add.f32 [tilespmem:s16], [sflag:$0x3], $0x80, s30, s14, $0xb8;
	[tilespmem:$0x1CC00] =	vst v63  }
0xa7: {  	_ =	swait.ge [sflag:s12], $0x4000  }
0xa8: {  	[sflag:s12] =	ssyncset.done $0x0  }
0xa9: {  	[sflag:s12] =	ssyncadd.s32 $0xFFFFC000  }
0xaa: {  	[tilespmem:s16], [sflag:$0x2] =	stream.indirect.gather [hbm4b:s1+s14], $0x80, s31, s14, $0xb8;
	[tilespmem:$0x1CC00] =	vst v63  }
0xab: {  	_ =	swait.ge [sflag:s17], $0x4000  }
0xac: {  	[sflag:s17] =	ssyncset.done $0x0  }
0xad: {  	[sflag:s17] =	ssyncadd.s32 $0xFFFFC000  }
0xae: {  	[spmem:s3] =	stream.indirect.scatter.add.f32 [tilespmem:s15], [sflag:$0x3], $0x80, s0, s14, $0xb8;
	[tilespmem:$0x1CC00] =	vst v63  }
0xaf: {  	_ =	swait.ge [sflag:s12], $0x4000  }
0xb0: {  	[sflag:s12] =	ssyncset.done $0x0  }
0xb1: {  	[sflag:s12] =	ssyncadd.s32 $0xFFFFC000  }
0xb2: {  	[tilespmem:s15], [sflag:$0x1] =	stream.indirect.gather [hbm4b:s1+s14], $0x80, s31, s14, $0xb8;
	[tilespmem:$0x1CC00] =	vst v63  }
0xb3: {  	_ =	swait.ge [sflag:s18], $0x4000  }
0xb4: {  	[sflag:s18] =	ssyncset.done $0x0  }
0xb5: {  	[sflag:s18] =	ssyncadd.s32 $0xFFFFC000  }
0xb6: {  	[spmem:s3] =	stream.indirect.scatter.add.f32 [tilespmem:s16], [sflag:$0x3], $0x80, s2, s14, $0xb8;
	[tilespmem:$0x1CC00] =	vst v63  }
0xb7: {  	_ =	swait.ge [sflag:s12], $0x4000  }
0xb8: {  	[sflag:s12] =	ssyncset.done $0x0  }
0xb9: {  	p1 =	sne.s32 s5, $0x1;
	[sflag:s12] =	ssyncadd.s32 $0xFFFFC000  }
0xba: {  	[tilespmem:s16], [sflag:$0x2] =	stream.indirect.gather [hbm4b:s1+s14], $0x80, s31, s14, $0xb8;
	[tilespmem:$0x1CC00] =	vst v63  }
.Ltmp1:
0xbb: {  	_ =	swait.ge [sflag:s17], $0x4000;
	(pc) =	sbr.rel @!p1 .LBB2_4-.Ltmp1, $4  }
0xbc: {  	[sflag:s17] =	ssyncset.done $0x0  }
0xbd: {  	[sflag:s17] =	ssyncadd.s32 $0xFFFFC000  }
0xbe: {  	p0 =	por $0x1, $0x1;
	s10 =	sadd.s32 $0xFFFFFFFF, s5;
	_ =	swait.ge [sflag:s18], $0x4000  }
0xbf: {  	s5 =	smov.u32 s9;
	s7 =	rddreg [dreg:$0x4];
	[sflag:s18] =	ssyncset.done $0x0  }
.LBB2_5:
0xc0: {  	s5 =	sadd.s32 $0x800, s5  }
0xc1: {  	s11 =	sshrl.u32 s5, $0x3  }
0xc2: {  	[sflag:s18] =	ssyncadd.s32 $0xFFFFC000;
	s7 =	sadd.s32 s7, s11  }
0xc3: {  	[tilespmem:s4], [sflag:$0x3] =	stream.linear.gather [hbm4b:s7+s4], $0x800, $0x38;
	[tilespmem:$0x1CC00] =	vst v63  }
0xc4: {  	_ =	swait.ge [sflag:s12], $0x800  }
0xc5: {  	s7 =	rddreg [dreg:$0x5];
	[sflag:s12] =	ssyncset.done $0x0  }
0xc6: {  	[sflag:s12] =	ssyncadd.s32 $0xFFFFF800;
	s7 =	sadd.s32 s7, s11  }
0xc7: {  	[tilespmem:s13], [sflag:$0x3] =	stream.linear.gather [hbm4b:s7+s4], $0x800, $0x38;
	[tilespmem:$0x1CC00] =	vst v63  }
0xc8: {  	_ =	swait.ge [sflag:s12], $0x800  }
0xc9: {  	[sflag:s12] =	ssyncset.done $0x0  }
0xca: {  	[sflag:s12] =	ssyncadd.s32 $0xFFFFF800  }
0xcb: {  	[tilespmem:s15], [sflag:$0x1] =	stream.indirect.gather [hbm4b:s1+s14], $0x80, s4, s14, $0xb8;
	[tilespmem:$0x1CC00] =	vst v63  }
0xcc: {  	_ = 	snop  }
0xcd: {  	[tilespmem:s16], [sflag:$0x2] =	stream.indirect.gather [hbm4b:s1+s14], $0x80, s14, s14, $0xb8;
	[tilespmem:$0x1CC00] =	vst v63  }
0xce: {  	_ =	swait.ge [sflag:s17], $0x4000  }
0xcf: {  	[sflag:s17] =	ssyncset.done $0x0  }
0xd0: {  	[sflag:s17] =	ssyncadd.s32 $0xFFFFC000  }
0xd1: {  	[spmem:s3] =	stream.indirect.scatter.add.f32 [tilespmem:s15], [sflag:$0x3], $0x80, s13, s14, $0xb8;
	[tilespmem:$0x1CC00] =	vst v63  }
0xd2: {  	_ =	swait.ge [sflag:s12], $0x4000  }
0xd3: {  	[sflag:s12] =	ssyncset.done $0x0  }
0xd4: {  	s11 =	rddreg [dreg:$0x6];
	[sflag:s12] =	ssyncadd.s32 $0xFFFFC000  }
0xd5: {  	[tilespmem:s15], [sflag:$0x1] =	stream.indirect.gather [hbm4b:s1+s14], $0x80, s11, s14, $0xb8;
	[tilespmem:$0x1CC00] =	vst v63  }
0xd6: {  	_ =	swait.ge [sflag:s18], $0x4000  }
0xd7: {  	[sflag:s18] =	ssyncset.done $0x0  }
0xd8: {  	s11 =	rddreg [dreg:$0x7];
	[sflag:s18] =	ssyncadd.s32 $0xFFFFC000  }
0xd9: {  	[spmem:s3] =	stream.indirect.scatter.add.f32 [tilespmem:s16], [sflag:$0x3], $0x80, s11, s14, $0xb8;
	[tilespmem:$0x1CC00] =	vst v63  }
0xda: {  	_ =	swait.ge [sflag:s12], $0x4000  }
0xdb: {  	[sflag:s12] =	ssyncset.done $0x0  }
0xdc: {  	s11 =	rddreg [dreg:$0x8];
	[sflag:s12] =	ssyncadd.s32 $0xFFFFC000  }
0xdd: {  	[tilespmem:s16], [sflag:$0x2] =	stream.indirect.gather [hbm4b:s1+s14], $0x80, s11, s14, $0xb8;
	[tilespmem:$0x1CC00] =	vst v63  }
0xde: {  	_ =	swait.ge [sflag:s17], $0x4000  }
0xdf: {  	[sflag:s17] =	ssyncset.done $0x0  }
0xe0: {  	s11 =	rddreg [dreg:$0x9];
	[sflag:s17] =	ssyncadd.s32 $0xFFFFC000  }
0xe1: {  	[spmem:s3] =	stream.indirect.scatter.add.f32 [tilespmem:s15], [sflag:$0x3], $0x80, s11, s14, $0xb8;
	[tilespmem:$0x1CC00] =	vst v63  }
0xe2: {  	_ =	swait.ge [sflag:s12], $0x4000  }
0xe3: {  	[sflag:s12] =	ssyncset.done $0x0  }
0xe4: {  	s11 =	rddreg [dreg:$0xa];
	[sflag:s12] =	ssyncadd.s32 $0xFFFFC000  }
0xe5: {  	[tilespmem:s15], [sflag:$0x1] =	stream.indirect.gather [hbm4b:s1+s14], $0x80, s11, s14, $0xb8;
	[tilespmem:$0x1CC00] =	vst v63  }
0xe6: {  	_ =	swait.ge [sflag:s18], $0x4000  }
0xe7: {  	[sflag:s18] =	ssyncset.done $0x0  }
0xe8: {  	s11 =	rddreg [dreg:$0xb];
	[sflag:s18] =	ssyncadd.s32 $0xFFFFC000  }
0xe9: {  	[spmem:s3] =	stream.indirect.scatter.add.f32 [tilespmem:s16], [sflag:$0x3], $0x80, s11, s14, $0xb8;
	[tilespmem:$0x1CC00] =	vst v63  }
0xea: {  	_ =	swait.ge [sflag:s12], $0x4000  }
0xeb: {  	[sflag:s12] =	ssyncset.done $0x0  }
0xec: {  	s11 =	rddreg [dreg:$0xc];
	[sflag:s12] =	ssyncadd.s32 $0xFFFFC000  }
0xed: {  	[tilespmem:s16], [sflag:$0x2] =	stream.indirect.gather [hbm4b:s1+s14], $0x80, s11, s14, $0xb8;
	[tilespmem:$0x1CC00] =	vst v63  }
0xee: {  	_ =	swait.ge [sflag:s17], $0x4000  }
0xef: {  	[sflag:s17] =	ssyncset.done $0x0  }
0xf0: {  	s11 =	rddreg [dreg:$0xd];
	[sflag:s17] =	ssyncadd.s32 $0xFFFFC000  }
0xf1: {  	[spmem:s3] =	stream.indirect.scatter.add.f32 [tilespmem:s15], [sflag:$0x3], $0x80, s11, s14, $0xb8;
	[tilespmem:$0x1CC00] =	vst v63  }
0xf2: {  	_ =	swait.ge [sflag:s12], $0x4000  }
0xf3: {  	[sflag:s12] =	ssyncset.done $0x0  }
0xf4: {  	s11 =	rddreg [dreg:$0xe];
	[sflag:s12] =	ssyncadd.s32 $0xFFFFC000  }
0xf5: {  	[tilespmem:s15], [sflag:$0x1] =	stream.indirect.gather [hbm4b:s1+s14], $0x80, s11, s14, $0xb8;
	[tilespmem:$0x1CC00] =	vst v63  }
0xf6: {  	_ =	swait.ge [sflag:s18], $0x4000  }
0xf7: {  	[sflag:s18] =	ssyncset.done $0x0  }
0xf8: {  	s11 =	rddreg [dreg:$0xf];
	[sflag:s18] =	ssyncadd.s32 $0xFFFFC000  }
0xf9: {  	[spmem:s3] =	stream.indirect.scatter.add.f32 [tilespmem:s16], [sflag:$0x3], $0x80, s11, s14, $0xb8;
	[tilespmem:$0x1CC00] =	vst v63  }
0xfa: {  	_ =	swait.ge [sflag:s12], $0x4000  }
0xfb: {  	[sflag:s12] =	ssyncset.done $0x0  }
0xfc: {  	s11 =	rddreg [dreg:$0x10];
	[sflag:s12] =	ssyncadd.s32 $0xFFFFC000  }
0xfd: {  	[tilespmem:s16], [sflag:$0x2] =	stream.indirect.gather [hbm4b:s1+s14], $0x80, s11, s14, $0xb8;
	[tilespmem:$0x1CC00] =	vst v63  }
0xfe: {  	_ =	swait.ge [sflag:s17], $0x4000  }
0xff: {  	[sflag:s17] =	ssyncset.done $0x0  }
0x100: {  	s11 =	rddreg [dreg:$0x11];
	[sflag:s17] =	ssyncadd.s32 $0xFFFFC000  }
0x101: {  	[spmem:s3] =	stream.indirect.scatter.add.f32 [tilespmem:s15], [sflag:$0x3], $0x80, s11, s14, $0xb8;
	[tilespmem:$0x1CC00] =	vst v63  }
0x102: {  	_ =	swait.ge [sflag:s12], $0x4000  }
0x103: {  	[sflag:s12] =	ssyncset.done $0x0  }
0x104: {  	s11 =	rddreg [dreg:$0x12];
	[sflag:s12] =	ssyncadd.s32 $0xFFFFC000  }
0x105: {  	[tilespmem:s15], [sflag:$0x1] =	stream.indirect.gather [hbm4b:s1+s14], $0x80, s11, s14, $0xb8;
	[tilespmem:$0x1CC00] =	vst v63  }
0x106: {  	_ =	swait.ge [sflag:s18], $0x4000  }
0x107: {  	[sflag:s18] =	ssyncset.done $0x0  }
0x108: {  	s11 =	rddreg [dreg:$0x13];
	[sflag:s18] =	ssyncadd.s32 $0xFFFFC000  }
0x109: {  	[spmem:s3] =	stream.indirect.scatter.add.f32 [tilespmem:s16], [sflag:$0x3], $0x80, s11, s14, $0xb8;
	[tilespmem:$0x1CC00] =	vst v63  }
0x10a: {  	_ =	swait.ge [sflag:s12], $0x4000  }
0x10b: {  	[sflag:s12] =	ssyncset.done $0x0  }
0x10c: {  	s11 =	rddreg [dreg:$0x14];
	[sflag:s12] =	ssyncadd.s32 $0xFFFFC000  }
0x10d: {  	[tilespmem:s16], [sflag:$0x2] =	stream.indirect.gather [hbm4b:s1+s14], $0x80, s11, s14, $0xb8;
	[tilespmem:$0x1CC00] =	vst v63  }
0x10e: {  	_ =	swait.ge [sflag:s17], $0x4000  }
0x10f: {  	[sflag:s17] =	ssyncset.done $0x0  }
0x110: {  	[sflag:s17] =	ssyncadd.s32 $0xFFFFC000  }
0x111: {  	[spmem:s3] =	stream.indirect.scatter.add.f32 [tilespmem:s15], [sflag:$0x3], $0x80, s19, s14, $0xb8;
	[tilespmem:$0x1CC00] =	vst v63  }
0x112: {  	_ =	swait.ge [sflag:s12], $0x4000  }
0x113: {  	[sflag:s12] =	ssyncset.done $0x0  }
0x114: {  	[sflag:s12] =	ssyncadd.s32 $0xFFFFC000  }
0x115: {  	[tilespmem:s15], [sflag:$0x1] =	stream.indirect.gather [hbm4b:s1+s14], $0x80, s20, s14, $0xb8;
	[tilespmem:$0x1CC00] =	vst v63  }
0x116: {  	_ =	swait.ge [sflag:s18], $0x4000  }
0x117: {  	[sflag:s18] =	ssyncset.done $0x0  }
0x118: {  	[sflag:s18] =	ssyncadd.s32 $0xFFFFC000  }
0x119: {  	[spmem:s3] =	stream.indirect.scatter.add.f32 [tilespmem:s16], [sflag:$0x3], $0x80, s21, s14, $0xb8;
	[tilespmem:$0x1CC00] =	vst v63  }
0x11a: {  	_ =	swait.ge [sflag:s12], $0x4000  }
0x11b: {  	[sflag:s12] =	ssyncset.done $0x0  }
0x11c: {  	[sflag:s12] =	ssyncadd.s32 $0xFFFFC000  }
0x11d: {  	[tilespmem:s16], [sflag:$0x2] =	stream.indirect.gather [hbm4b:s1+s14], $0x80, s22, s14, $0xb8;
	[tilespmem:$0x1CC00] =	vst v63  }
0x11e: {  	_ =	swait.ge [sflag:s17], $0x4000  }
0x11f: {  	[sflag:s17] =	ssyncset.done $0x0  }
0x120: {  	[sflag:s17] =	ssyncadd.s32 $0xFFFFC000  }
0x121: {  	[spmem:s3] =	stream.indirect.scatter.add.f32 [tilespmem:s15], [sflag:$0x3], $0x80, s23, s14, $0xb8;
	[tilespmem:$0x1CC00] =	vst v63  }
0x122: {  	_ =	swait.ge [sflag:s12], $0x4000  }
0x123: {  	[sflag:s12] =	ssyncset.done $0x0  }
0x124: {  	[sflag:s12] =	ssyncadd.s32 $0xFFFFC000  }
0x125: {  	[tilespmem:s15], [sflag:$0x1] =	stream.indirect.gather [hbm4b:s1+s14], $0x80, s24, s14, $0xb8;
	[tilespmem:$0x1CC00] =	vst v63  }
0x126: {  	_ =	swait.ge [sflag:s18], $0x4000  }
0x127: {  	[sflag:s18] =	ssyncset.done $0x0  }
0x128: {  	[sflag:s18] =	ssyncadd.s32 $0xFFFFC000  }
0x129: {  	[spmem:s3] =	stream.indirect.scatter.add.f32 [tilespmem:s16], [sflag:$0x3], $0x80, s25, s14, $0xb8;
	[tilespmem:$0x1CC00] =	vst v63  }
0x12a: {  	_ =	swait.ge [sflag:s12], $0x4000  }
0x12b: {  	[sflag:s12] =	ssyncset.done $0x0  }
0x12c: {  	[sflag:s12] =	ssyncadd.s32 $0xFFFFC000  }
0x12d: {  	[tilespmem:s16], [sflag:$0x2] =	stream.indirect.gather [hbm4b:s1+s14], $0x80, s26, s14, $0xb8;
	[tilespmem:$0x1CC00] =	vst v63  }
0x12e: {  	_ =	swait.ge [sflag:s17], $0x4000  }
0x12f: {  	[sflag:s17] =	ssyncset.done $0x0  }
0x130: {  	[sflag:s17] =	ssyncadd.s32 $0xFFFFC000  }
0x131: {  	[spmem:s3] =	stream.indirect.scatter.add.f32 [tilespmem:s15], [sflag:$0x3], $0x80, s28, s14, $0xb8;
	[tilespmem:$0x1CC00] =	vst v63  }
0x132: {  	_ =	swait.ge [sflag:s12], $0x4000  }
0x133: {  	[sflag:s12] =	ssyncset.done $0x0  }
0x134: {  	[sflag:s12] =	ssyncadd.s32 $0xFFFFC000  }
0x135: {  	[tilespmem:s15], [sflag:$0x1] =	stream.indirect.gather [hbm4b:s1+s14], $0x80, s29, s14, $0xb8;
	[tilespmem:$0x1CC00] =	vst v63  }
0x136: {  	_ =	swait.ge [sflag:s18], $0x4000  }
0x137: {  	[sflag:s18] =	ssyncset.done $0x0  }
0x138: {  	[sflag:s18] =	ssyncadd.s32 $0xFFFFC000  }
0x139: {  	[spmem:s3] =	stream.indirect.scatter.add.f32 [tilespmem:s16], [sflag:$0x3], $0x80, s30, s14, $0xb8;
	[tilespmem:$0x1CC00] =	vst v63  }
0x13a: {  	_ =	swait.ge [sflag:s12], $0x4000  }
0x13b: {  	[sflag:s12] =	ssyncset.done $0x0  }
0x13c: {  	[sflag:s12] =	ssyncadd.s32 $0xFFFFC000  }
0x13d: {  	[tilespmem:s16], [sflag:$0x2] =	stream.indirect.gather [hbm4b:s1+s14], $0x80, s31, s14, $0xb8;
	[tilespmem:$0x1CC00] =	vst v63  }
0x13e: {  	_ =	swait.ge [sflag:s17], $0x4000  }
0x13f: {  	[sflag:s17] =	ssyncset.done $0x0  }
0x140: {  	[sflag:s17] =	ssyncadd.s32 $0xFFFFC000  }
0x141: {  	[spmem:s3] =	stream.indirect.scatter.add.f32 [tilespmem:s15], [sflag:$0x3], $0x80, s0, s14, $0xb8;
	[tilespmem:$0x1CC00] =	vst v63  }
0x142: {  	_ =	swait.ge [sflag:s12], $0x4000  }
0x143: {  	[sflag:s12] =	ssyncset.done $0x0  }
0x144: {  	[sflag:s12] =	ssyncadd.s32 $0xFFFFC000  }
0x145: {  	[tilespmem:s15], [sflag:$0x1] =	stream.indirect.gather [hbm4b:s1+s14], $0x80, s31, s14, $0xb8;
	[tilespmem:$0x1CC00] =	vst v63  }
0x146: {  	_ =	swait.ge [sflag:s18], $0x4000  }
0x147: {  	[sflag:s18] =	ssyncset.done $0x0  }
0x148: {  	[sflag:s18] =	ssyncadd.s32 $0xFFFFC000  }
0x149: {  	[spmem:s3] =	stream.indirect.scatter.add.f32 [tilespmem:s16], [sflag:$0x3], $0x80, s2, s14, $0xb8;
	[tilespmem:$0x1CC00] =	vst v63  }
0x14a: {  	_ =	swait.ge [sflag:s12], $0x4000  }
0x14b: {  	[sflag:s12] =	ssyncset.done $0x0  }
0x14c: {  	p1 =	sne.s32 s10, $0x1;
	[sflag:s12] =	ssyncadd.s32 $0xFFFFC000  }
0x14d: {  	[tilespmem:s16], [sflag:$0x2] =	stream.indirect.gather [hbm4b:s1+s14], $0x80, s31, s14, $0xb8;
	[tilespmem:$0x1CC00] =	vst v63  }
.Ltmp2:
0x14e: {  	_ =	swait.ge [sflag:s17], $0x4000;
	(pc) =	sbr.rel @p1 .LBB2_5-.Ltmp2, $4  }
0x14f: {  	[sflag:s17] =	ssyncset.done $0x0  }
0x150: {  	[sflag:s17] =	ssyncadd.s32 $0xFFFFC000  }
0x151: {  	_ =	swait.ge [sflag:s18], $0x4000  }
0x152: {  	s10 =	sadd.s32 $0xFFFFFFFF, s10;
	s7 =	rddreg [dreg:$0x4];
	[sflag:s18] =	ssyncset.done $0x0  }
0x153: {  	s11 =	rddreg [dreg:$0x19]  }
.LBB2_7:
0x154: {  	s5 =	sadd.s32 @p0 $0x800, s5;
	s10 =	smov.u32 s9  }
0x155: {  	s10 =	smov.u32 @p0 s5  }
0x156: {  	s5 =	sshrl.u32 s10, $0x3  }
0x157: {  	[sflag:s18] =	ssyncadd.s32 @p0 $0xFFFFC000;
	s7 =	sadd.s32 s7, s5  }
0x158: {  	[tilespmem:s4], [sflag:$0x3] =	stream.linear.gather [hbm4b:s7+s4], $0x800, $0x38;
	[tilespmem:$0x1CC00] =	vst v63  }
0x159: {  	_ =	swait.ge [sflag:s12], $0x800  }
0x15a: {  	s10 =	rddreg [dreg:$0x5];
	[sflag:s12] =	ssyncset.done $0x0  }
0x15b: {  	s5 =	sadd.s32 s10, s5;
	[sflag:s12] =	ssyncadd.s32 $0xFFFFF800  }
0x15c: {  	[tilespmem:s13], [sflag:$0x3] =	stream.linear.gather [hbm4b:s5+s4], $0x800, $0x38;
	[tilespmem:$0x1CC00] =	vst v63  }
0x15d: {  	_ =	swait.ge [sflag:s12], $0x800  }
0x15e: {  	[sflag:s12] =	ssyncset.done $0x0  }
0x15f: {  	[sflag:s12] =	ssyncadd.s32 $0xFFFFF800  }
0x160: {  	[tilespmem:s15], [sflag:$0x1] =	stream.indirect.gather [hbm4b:s1+s14], $0x80, s4, s14, $0xb8;
	[tilespmem:$0x1CC00] =	vst v63  }
0x161: {  	_ = 	snop  }
0x162: {  	[tilespmem:s16], [sflag:$0x2] =	stream.indirect.gather [hbm4b:s1+s14], $0x80, s14, s14, $0xb8;
	[tilespmem:$0x1CC00] =	vst v63  }
0x163: {  	_ =	swait.ge [sflag:s17], $0x4000  }
0x164: {  	[sflag:s17] =	ssyncset.done $0x0  }
0x165: {  	[sflag:s17] =	ssyncadd.s32 $0xFFFFC000  }
0x166: {  	[spmem:s3] =	stream.indirect.scatter.add.f32 [tilespmem:s15], [sflag:$0x3], $0x80, s13, s14, $0xb8;
	[tilespmem:$0x1CC00] =	vst v63  }
0x167: {  	_ =	swait.ge [sflag:s12], $0x4000  }
0x168: {  	[sflag:s12] =	ssyncset.done $0x0  }
0x169: {  	s10 =	rddreg [dreg:$0x6];
	[sflag:s12] =	ssyncadd.s32 $0xFFFFC000  }
0x16a: {  	[tilespmem:s15], [sflag:$0x1] =	stream.indirect.gather [hbm4b:s1+s14], $0x80, s10, s14, $0xb8;
	[tilespmem:$0x1CC00] =	vst v63  }
0x16b: {  	_ =	swait.ge [sflag:s18], $0x4000  }
0x16c: {  	[sflag:s18] =	ssyncset.done $0x0  }
0x16d: {  	s7 =	rddreg [dreg:$0x7];
	[sflag:s18] =	ssyncadd.s32 $0xFFFFC000  }
0x16e: {  	[spmem:s3] =	stream.indirect.scatter.add.f32 [tilespmem:s16], [sflag:$0x3], $0x80, s7, s14, $0xb8;
	[tilespmem:$0x1CC00] =	vst v63  }
0x16f: {  	_ =	swait.ge [sflag:s12], $0x4000  }
0x170: {  	[sflag:s12] =	ssyncset.done $0x0  }
0x171: {  	s10 =	rddreg [dreg:$0x8];
	[sflag:s12] =	ssyncadd.s32 $0xFFFFC000  }
0x172: {  	[tilespmem:s16], [sflag:$0x2] =	stream.indirect.gather [hbm4b:s1+s14], $0x80, s10, s14, $0xb8;
	[tilespmem:$0x1CC00] =	vst v63  }
0x173: {  	_ =	swait.ge [sflag:s17], $0x4000  }
0x174: {  	[sflag:s17] =	ssyncset.done $0x0  }
0x175: {  	s7 =	rddreg [dreg:$0x9];
	[sflag:s17] =	ssyncadd.s32 $0xFFFFC000  }
0x176: {  	[spmem:s3] =	stream.indirect.scatter.add.f32 [tilespmem:s15], [sflag:$0x3], $0x80, s7, s14, $0xb8;
	[tilespmem:$0x1CC00] =	vst v63  }
0x177: {  	_ =	swait.ge [sflag:s12], $0x4000  }
0x178: {  	[sflag:s12] =	ssyncset.done $0x0  }
0x179: {  	s10 =	rddreg [dreg:$0xa];
	[sflag:s12] =	ssyncadd.s32 $0xFFFFC000  }
0x17a: {  	[tilespmem:s15], [sflag:$0x1] =	stream.indirect.gather [hbm4b:s1+s14], $0x80, s10, s14, $0xb8;
	[tilespmem:$0x1CC00] =	vst v63  }
0x17b: {  	_ =	swait.ge [sflag:s18], $0x4000  }
0x17c: {  	[sflag:s18] =	ssyncset.done $0x0  }
0x17d: {  	s7 =	rddreg [dreg:$0xb];
	[sflag:s18] =	ssyncadd.s32 $0xFFFFC000  }
0x17e: {  	[spmem:s3] =	stream.indirect.scatter.add.f32 [tilespmem:s16], [sflag:$0x3], $0x80, s7, s14, $0xb8;
	[tilespmem:$0x1CC00] =	vst v63  }
0x17f: {  	_ =	swait.ge [sflag:s12], $0x4000  }
0x180: {  	[sflag:s12] =	ssyncset.done $0x0  }
0x181: {  	s10 =	rddreg [dreg:$0xc];
	[sflag:s12] =	ssyncadd.s32 $0xFFFFC000  }
0x182: {  	[tilespmem:s16], [sflag:$0x2] =	stream.indirect.gather [hbm4b:s1+s14], $0x80, s10, s14, $0xb8;
	[tilespmem:$0x1CC00] =	vst v63  }
0x183: {  	_ =	swait.ge [sflag:s17], $0x4000  }
0x184: {  	[sflag:s17] =	ssyncset.done $0x0  }
0x185: {  	s7 =	rddreg [dreg:$0xd];
	[sflag:s17] =	ssyncadd.s32 $0xFFFFC000  }
0x186: {  	[spmem:s3] =	stream.indirect.scatter.add.f32 [tilespmem:s15], [sflag:$0x3], $0x80, s7, s14, $0xb8;
	[tilespmem:$0x1CC00] =	vst v63  }
0x187: {  	_ =	swait.ge [sflag:s12], $0x4000  }
0x188: {  	[sflag:s12] =	ssyncset.done $0x0  }
0x189: {  	s10 =	rddreg [dreg:$0xe];
	[sflag:s12] =	ssyncadd.s32 $0xFFFFC000  }
0x18a: {  	[tilespmem:s15], [sflag:$0x1] =	stream.indirect.gather [hbm4b:s1+s14], $0x80, s10, s14, $0xb8;
	[tilespmem:$0x1CC00] =	vst v63  }
0x18b: {  	_ =	swait.ge [sflag:s18], $0x4000  }
0x18c: {  	[sflag:s18] =	ssyncset.done $0x0  }
0x18d: {  	s7 =	rddreg [dreg:$0xf];
	[sflag:s18] =	ssyncadd.s32 $0xFFFFC000  }
0x18e: {  	[spmem:s3] =	stream.indirect.scatter.add.f32 [tilespmem:s16], [sflag:$0x3], $0x80, s7, s14, $0xb8;
	[tilespmem:$0x1CC00] =	vst v63  }
0x18f: {  	_ =	swait.ge [sflag:s12], $0x4000  }
0x190: {  	[sflag:s12] =	ssyncset.done $0x0  }
0x191: {  	s10 =	rddreg [dreg:$0x10];
	[sflag:s12] =	ssyncadd.s32 $0xFFFFC000  }
0x192: {  	[tilespmem:s16], [sflag:$0x2] =	stream.indirect.gather [hbm4b:s1+s14], $0x80, s10, s14, $0xb8;
	[tilespmem:$0x1CC00] =	vst v63  }
0x193: {  	_ =	swait.ge [sflag:s17], $0x4000  }
0x194: {  	[sflag:s17] =	ssyncset.done $0x0  }
0x195: {  	s7 =	rddreg [dreg:$0x11];
	[sflag:s17] =	ssyncadd.s32 $0xFFFFC000  }
0x196: {  	[spmem:s3] =	stream.indirect.scatter.add.f32 [tilespmem:s15], [sflag:$0x3], $0x80, s7, s14, $0xb8;
	[tilespmem:$0x1CC00] =	vst v63  }
0x197: {  	_ =	swait.ge [sflag:s12], $0x4000  }
0x198: {  	[sflag:s12] =	ssyncset.done $0x0  }
0x199: {  	s10 =	rddreg [dreg:$0x12];
	[sflag:s12] =	ssyncadd.s32 $0xFFFFC000  }
0x19a: {  	[tilespmem:s15], [sflag:$0x1] =	stream.indirect.gather [hbm4b:s1+s14], $0x80, s10, s14, $0xb8;
	[tilespmem:$0x1CC00] =	vst v63  }
0x19b: {  	_ =	swait.ge [sflag:s18], $0x4000  }
0x19c: {  	[sflag:s18] =	ssyncset.done $0x0  }
0x19d: {  	s7 =	rddreg [dreg:$0x13];
	[sflag:s18] =	ssyncadd.s32 $0xFFFFC000  }
0x19e: {  	[spmem:s3] =	stream.indirect.scatter.add.f32 [tilespmem:s16], [sflag:$0x3], $0x80, s7, s14, $0xb8;
	[tilespmem:$0x1CC00] =	vst v63  }
0x19f: {  	_ =	swait.ge [sflag:s12], $0x4000  }
0x1a0: {  	[sflag:s12] =	ssyncset.done $0x0  }
0x1a1: {  	s10 =	rddreg [dreg:$0x14];
	[sflag:s12] =	ssyncadd.s32 $0xFFFFC000  }
0x1a2: {  	[tilespmem:s16], [sflag:$0x2] =	stream.indirect.gather [hbm4b:s1+s14], $0x80, s10, s14, $0xb8;
	[tilespmem:$0x1CC00] =	vst v63  }
0x1a3: {  	_ =	swait.ge [sflag:s17], $0x4000  }
0x1a4: {  	[sflag:s17] =	ssyncset.done $0x0  }
0x1a5: {  	[sflag:s17] =	ssyncadd.s32 $0xFFFFC000  }
0x1a6: {  	[spmem:s3] =	stream.indirect.scatter.add.f32 [tilespmem:s15], [sflag:$0x3], $0x80, s19, s14, $0xb8;
	[tilespmem:$0x1CC00] =	vst v63  }
0x1a7: {  	_ =	swait.ge [sflag:s12], $0x4000  }
0x1a8: {  	[sflag:s12] =	ssyncset.done $0x0  }
0x1a9: {  	[sflag:s12] =	ssyncadd.s32 $0xFFFFC000  }
0x1aa: {  	[tilespmem:s15], [sflag:$0x1] =	stream.indirect.gather [hbm4b:s1+s14], $0x80, s20, s14, $0xb8;
	[tilespmem:$0x1CC00] =	vst v63  }
0x1ab: {  	_ =	swait.ge [sflag:s18], $0x4000  }
0x1ac: {  	[sflag:s18] =	ssyncset.done $0x0  }
0x1ad: {  	[sflag:s18] =	ssyncadd.s32 $0xFFFFC000  }
0x1ae: {  	[spmem:s3] =	stream.indirect.scatter.add.f32 [tilespmem:s16], [sflag:$0x3], $0x80, s21, s14, $0xb8;
	[tilespmem:$0x1CC00] =	vst v63  }
0x1af: {  	_ =	swait.ge [sflag:s12], $0x4000  }
0x1b0: {  	[sflag:s12] =	ssyncset.done $0x0  }
0x1b1: {  	[sflag:s12] =	ssyncadd.s32 $0xFFFFC000  }
0x1b2: {  	[tilespmem:s16], [sflag:$0x2] =	stream.indirect.gather [hbm4b:s1+s14], $0x80, s22, s14, $0xb8;
	[tilespmem:$0x1CC00] =	vst v63  }
0x1b3: {  	_ =	swait.ge [sflag:s17], $0x4000  }
0x1b4: {  	[sflag:s17] =	ssyncset.done $0x0  }
0x1b5: {  	[sflag:s17] =	ssyncadd.s32 $0xFFFFC000  }
0x1b6: {  	[spmem:s3] =	stream.indirect.scatter.add.f32 [tilespmem:s15], [sflag:$0x3], $0x80, s23, s14, $0xb8;
	[tilespmem:$0x1CC00] =	vst v63  }
0x1b7: {  	_ =	swait.ge [sflag:s12], $0x4000  }
0x1b8: {  	[sflag:s12] =	ssyncset.done $0x0  }
0x1b9: {  	[sflag:s12] =	ssyncadd.s32 $0xFFFFC000  }
0x1ba: {  	[tilespmem:s15], [sflag:$0x1] =	stream.indirect.gather [hbm4b:s1+s14], $0x80, s24, s14, $0xb8;
	[tilespmem:$0x1CC00] =	vst v63  }
0x1bb: {  	_ =	swait.ge [sflag:s18], $0x4000  }
0x1bc: {  	[sflag:s18] =	ssyncset.done $0x0  }
0x1bd: {  	[sflag:s18] =	ssyncadd.s32 $0xFFFFC000  }
0x1be: {  	[spmem:s3] =	stream.indirect.scatter.add.f32 [tilespmem:s16], [sflag:$0x3], $0x80, s25, s14, $0xb8;
	[tilespmem:$0x1CC00] =	vst v63  }
0x1bf: {  	_ =	swait.ge [sflag:s12], $0x4000  }
0x1c0: {  	[sflag:s12] =	ssyncset.done $0x0  }
0x1c1: {  	[sflag:s12] =	ssyncadd.s32 $0xFFFFC000  }
0x1c2: {  	[tilespmem:s16], [sflag:$0x2] =	stream.indirect.gather [hbm4b:s1+s14], $0x80, s26, s14, $0xb8;
	[tilespmem:$0x1CC00] =	vst v63  }
0x1c3: {  	_ =	swait.ge [sflag:s17], $0x4000  }
0x1c4: {  	[sflag:s17] =	ssyncset.done $0x0  }
0x1c5: {  	[sflag:s17] =	ssyncadd.s32 $0xFFFFC000  }
0x1c6: {  	[spmem:s3] =	stream.indirect.scatter.add.f32 [tilespmem:s15], [sflag:$0x3], $0x80, s28, s14, $0xb8;
	[tilespmem:$0x1CC00] =	vst v63  }
0x1c7: {  	_ =	swait.ge [sflag:s12], $0x4000  }
0x1c8: {  	[sflag:s12] =	ssyncset.done $0x0  }
0x1c9: {  	[sflag:s12] =	ssyncadd.s32 $0xFFFFC000  }
0x1ca: {  	[tilespmem:s15], [sflag:$0x1] =	stream.indirect.gather [hbm4b:s1+s14], $0x80, s29, s14, $0xb8;
	[tilespmem:$0x1CC00] =	vst v63  }
0x1cb: {  	_ =	swait.ge [sflag:s18], $0x4000  }
0x1cc: {  	[sflag:s18] =	ssyncset.done $0x0  }
0x1cd: {  	[sflag:s18] =	ssyncadd.s32 $0xFFFFC000  }
0x1ce: {  	[spmem:s3] =	stream.indirect.scatter.add.f32 [tilespmem:s16], [sflag:$0x3], $0x80, s30, s14, $0xb8;
	[tilespmem:$0x1CC00] =	vst v63  }
0x1cf: {  	_ =	swait.ge [sflag:s12], $0x4000  }
0x1d0: {  	[sflag:s12] =	ssyncset.done $0x0  }
0x1d1: {  	[sflag:s12] =	ssyncadd.s32 $0xFFFFC000  }
0x1d2: {  	[tilespmem:s16], [sflag:$0x2] =	stream.indirect.gather [hbm4b:s1+s14], $0x80, s31, s14, $0xb8;
	[tilespmem:$0x1CC00] =	vst v63  }
0x1d3: {  	_ =	swait.ge [sflag:s17], $0x4000  }
0x1d4: {  	[sflag:s17] =	ssyncset.done $0x0  }
0x1d5: {  	[sflag:s17] =	ssyncadd.s32 $0xFFFFC000  }
0x1d6: {  	[spmem:s3] =	stream.indirect.scatter.add.f32 [tilespmem:s15], [sflag:$0x3], $0x80, s0, s14, $0xb8;
	[tilespmem:$0x1CC00] =	vst v63  }
0x1d7: {  	_ =	swait.ge [sflag:s12], $0x4000  }
0x1d8: {  	[sflag:s12] =	ssyncset.done $0x0  }
0x1d9: {  	[sflag:s12] =	ssyncadd.s32 $0xFFFFC000  }
0x1da: {  	[tilespmem:s15], [sflag:$0x1] =	stream.indirect.gather [hbm4b:s1+s14], $0x80, s31, s14, $0xb8;
	[tilespmem:$0x1CC00] =	vst v63  }
0x1db: {  	_ =	swait.ge [sflag:s18], $0x4000  }
0x1dc: {  	[sflag:s18] =	ssyncset.done $0x0  }
0x1dd: {  	[sflag:s18] =	ssyncadd.s32 $0xFFFFC000  }
0x1de: {  	[spmem:s3] =	stream.indirect.scatter.add.f32 [tilespmem:s16], [sflag:$0x3], $0x80, s2, s14, $0xb8;
	[tilespmem:$0x1CC00] =	vst v63  }
0x1df: {  	_ =	swait.ge [sflag:s12], $0x4000  }
0x1e0: {  	[sflag:s12] =	ssyncset.done $0x0  }
0x1e1: {  	[sflag:s12] =	ssyncadd.s32 $0xFFFFC000  }
0x1e2: {  	[tilespmem:s16], [sflag:$0x2] =	stream.indirect.gather [hbm4b:s1+s14], $0x80, s31, s14, $0xb8;
	[tilespmem:$0x1CC00] =	vst v63  }
0x1e3: {  	_ =	swait.ge [sflag:s17], $0x4000  }
0x1e4: {  	[sflag:s17] =	ssyncset.done $0x0  }
0x1e5: {  	[sflag:s17] =	ssyncadd.s32 $0xFFFFC000  }
0x1e6: {  	_ =	swait.ge [sflag:s18], $0x4000  }
0x1e7: {  	[sflag:s18] =	ssyncset.done $0x0  }
0x1e8: {  	[sflag:s18] =	ssyncadd.s32 $0xFFFFC000  }
0x1e9: {  	[bflag:$0x0] =	sbarrier.arrive $0xFFFF  }
0x1ea: {  	s7 =	rddreg [dreg:$0x17]  }
0x1eb: {  	[hbm:s7], [sflag:s8] =	dma.local [spmem:s11], $0x2780  }
0x1ec: {  	_ =	swait.ge [sflag:s12], $0x2780  }
0x1ed: {  	s6 =	sadd.s32 $0x1, s6;
	s10 =	rddreg [dreg:$0x18]  }
0x1ee: {  	p0 =	sne.s32 s6, s10  }
.Ltmp3:
0x1ef: {  	_ = 	snop;
	(pc) =	sbr.rel @p0 .LBB2_1-.Ltmp3, $4  }
.Ltmp4:
0x1f0: {  	_ = 	snop;
	(pc) =	sbr.rel @!p0 .LBB2_8-.Ltmp4, $4  }
0x1f1: {  	_ = 	snop  }
0x1f2: {  	[sflag:s12] =	ssyncset.done $0x0  }
0x1f3: {  	[sflag:s12] =	ssyncadd.s32 $0xFFFFD880  }
0x1f4: {  	_ = 	snop  }
.LBB2_2:
.Ltmp5:
0x1f5: {  	(pc) =	sbr.rel .LBB2_7-.Ltmp5, $2  }
0x1f6: {  	_ =	sdelay $0x2  }
0x1f7: {  	s5 =	smov.u32 s9  }
.LBB2_4:
.Ltmp6:
0x1f8: {  	(pc) =	sbr.rel .LBB2_7-.Ltmp6, $2  }
0x1f9: {  	_ =	sdelay $0x2  }
0x1fa: {  	s5 =	smov.u32 s9;
	s11 =	rddreg [dreg:$0x19]  }
.LBB2_8:
0x1fb: {  	_ =	sfence.sel $0x180000  }
0x1fc: {  	[bflag:$0x0] =	sbarrier.arrive $0xFFFF  }
0x1fd: {  	_ =	strace $0x9000004A  }
0x1fe: {  	s0 =	stileid.u32;
	[bflag:$0x2] =	sbarrier.arrive $0xFFFF  }
0x1ff: {  	p0 =	sne.s32 s0, $0x0;
	s0 =	rddreg [dreg:$0x3]  }
0x200: {  	s0 =	sadd.s32 @!p0 $0x100000, s0  }
0x201: {  	[sflag:s0] =	ssyncadd.tile.s32 @!p0 $0x1;
	_ =	shalt  }
.Lfunc_end2:
_tile_overlayer_lowered:
.L_overlay_start_2:
0x202: {  	(tag) =	ssettag $0x2  }
0x203: {  	s0 =	rddreg [dreg:$0x0];
	s2 =	stileid.u32  }
0x204: {  	s1 =	rddreg [dreg:$0x1];
	p0 =	sne.s32 s2, $0x0  }
0x205: {  	s3 =	rddreg [dreg:$0x2];
	[bflag:$0x3] =	sbarrier.arrive $0xFFFF;
	s2 =	simm.s32 @!p0 $0x1C03  }
0x206: {  	[timem:s3], [sflag:s2] =	dma.local @!p0 [hbm:s0], s1  }
0x207: {  	s0 =	simm.s32 @!p0 $0x3  }
0x208: {  	_ =	swait.ge @!p0 [sflag:s0], s1  }
0x209: {  	s1 =	ssub.s32 @!p0 $0x0, s1;
	[sflag:s0] =	ssyncset.done @!p0 $0x0  }
0x20a: {  	[sflag:s0] =	ssyncadd.s32 @!p0 s1  }
0x20b: {  	[bflag:$0x3] =	sbarrier.arrive $0xFFFF  }
0x20c: {  	_ =	shalt  }

// kernel: kernel.14.cloned.1.call-start
scs
__scs_entry_jumppad:
0x0: {  	(pc) =	sbr.rel $0x88, $3  }
0x1: {  	(tag) =	ssettag $0x0;
	lr =	simm.s32 $0x1  }
0x2: {  	[smem:$0x3F9B] =	sst lr;
	_ =	strace $0xD0000000  }
0x3: {  	_ = 	snop  }
0x4: {  	_ = 	snop  }
0x5: {  	_ = 	snop  }
0x6: {  	_ = 	snop  }
0x7: {  	_ = 	snop  }
__scs_overlays_trampoline_lowered:
0x8: {  	[smem:$0x3FAA] =	sst s0  }
0x9: {  	[smem:$0x3FAB] =	sst s1  }
0xa: {  	[smem:$0x3FAC] =	sst s2  }
0xb: {  	[smem:$0x3FAD] =	sst s3  }
0xc: {  	[smem:$0x3FAE] =	sst s4  }
0xd: {  	[smem:$0x3FAF] =	sst s5  }
0xe: {  	[smem:$0x3FB0] =	sst s6  }
0xf: {  	[smem:$0x3FB1] =	sst s7  }
0x10: {  	[smem:$0x3FB2] =	sst s8  }
0x11: {  	[smem:$0x3FB3] =	sst s9;
	s0 =	simm.s32 @!p0 $0x0  }
0x12: {  	s1 =	sld [smem:$0x3F99];
	s0 =	simm.s32 @p0 $0x1  }
0x13: {  	[smem:$0x3FB4] =	sst s0;
	s0 =	simm.s32 @!p1 $0x0  }
0x14: {  	s2 =	sld [smem:$0x3F98];
	s0 =	simm.s32 @p1 $0x1  }
0x15: {  	[smem:$0x3FB5] =	sst s0;
	s0 =	simm.s32 @!p2 $0x0  }
0x16: {  	s3 =	sld [smem:$0x3FDB];
	s0 =	simm.s32 @p2 $0x1  }
0x17: {  	s4 =	simm.s32 $0x1BF5;
	[smem:$0x3FB7] =	sst s0  }
0x18: {  	s0 =	sld [smem:$0x3F9A];
	_ =	swait.ge [sflag:s4], $0x0  }
0x19: {  	s7 =	sld [smem:$0x3F9B]  }
0x1a: {  	s8 =	sadd.s32 $0xFFFFE003, lr  }
0x1b: {  	s9 =	sadd.s32 $0xFFFFFEF7, lr;
	s5 =	simm.s32 $0xFFFFFFFF;
	p2 =	slt.u32 s8, $0xFFFFF086  }
0x1c: {  	p1 =	slt.u32 s9, $0xF7A;
	s5 =	simm.s32 @!p2 $0x0  }
0x1d: {  	s5 =	simm.s32 @p1 $0x1;
	p0 =	seq.s32 s7, s2  }
0x1e: {  	s7 =	smul.u32 @!p0 $0xF7A, s2;
	p2 =	seq.s32 @!p0 s5, $0x0  }
0x1f: {  	s9 =	smul.u32 $0xF7A, s1;
	s8 =	simm.s32 @!p0 $0x1BF5;
	p2 =	por !p2, p0  }
0x20: {  	[sflag:s8] =	ssyncset.s32 @!p0 $0xFFFFF086;
	s6 =	sadd.s32 @!p0 s3, s7;
	s7 =	simm.s32 @!p0 $0x108  }
0x21: {  	s3 =	sadd.s32 s3, s9;
	s6 =	sadd.s32 @!p0 $0x88, s6;
	s7 =	simm.s32 @p2 $0x1082  }
0x22: {  	[simem:s7], [sflag:s8] =	dma.local @!p0 [hbm:s6], $0xF7A  }
0x23: {  	s9 =	sor.u32 $0xD0000000, s2;
	s6 =	simm.s32 $0x108;
	_ =	swait.ge @!p0 [sflag:s8], $0x0  }
0x24: {  	s3 =	sadd.s32 $0x88, s3;
	s6 =	simm.s32 @!p1 $0x1082;
	[sflag:s4] =	ssyncset.s32 $0xFFFFF086  }
0x25: {  	[simem:s6], [sflag:s4] =	dma.local [hbm:s3], $0xF7A  }
0x26: {  	[smem:$0x3F9B] =	sst s1;
	(tag) =	ssettag s2;
	_ =	strace s9  }
0x27: {  	s1 =	sld [smem:$0x3FAB]  }
0x28: {  	s2 =	sld [smem:$0x3FAC]  }
0x29: {  	s4 =	sld [smem:$0x3FAE]  }
0x2a: {  	p0 =	seq.s32 s5, $0x0;
	s5 =	sld [smem:$0x3FAF]  }
0x2b: {  	s6 =	sld [smem:$0x3FB0]  }
0x2c: {  	s7 =	sld [smem:$0x3FB1]  }
0x2d: {  	s3 =	simm.s32 $0x108;
	s8 =	sld [smem:$0x3FB2]  }
0x2e: {  	s3 =	simm.s32 @!p0 $0x1082;
	s9 =	sld [smem:$0x3FB3]  }
0x2f: {  	lr =	sadd.s32 s0, s3;
	s0 =	sld [smem:$0x3FAA]  }
0x30: {  	s3 =	sld [smem:$0x3FAD]  }
0x31: {  	[smem:$0x3FB6] =	sst s10  }
0x32: {  	s10 =	sld [smem:$0x3FB4];
	_ =	sdelay $0x3  }
0x33: {  	p0 =	seq.s32 s10, $0x1;
	s10 =	sld [smem:$0x3FB6];
	_ =	sdelay $0x3  }
0x34: {  	[smem:$0x3FB6] =	sst s10  }
0x35: {  	s10 =	sld [smem:$0x3FB5];
	_ =	sdelay $0x3  }
0x36: {  	p1 =	seq.s32 s10, $0x1;
	s10 =	sld [smem:$0x3FB6];
	_ =	sdelay $0x3  }
0x37: {  	[smem:$0x3FB6] =	sst s10  }
0x38: {  	s10 =	sld [smem:$0x3FB7]  }
0x39: {  	_ = 	snop;
	(pc) =	sbr.ind lr, $3  }
0x3a: {  	_ = 	snop  }
0x3b: {  	_ = 	snop  }
0x3c: {  	p2 =	seq.s32 s10, $0x1;
	s10 =	sld [smem:$0x3FB6]  }
0x3d: {  	_ =	shalt  }
0x3e: {  	_ =	shalt  }
0x3f: {  	_ =	shalt  }
0x40: {  	_ =	shalt  }
0x41: {  	_ =	shalt  }
0x42: {  	_ =	shalt  }
0x43: {  	_ =	shalt  }
0x44: {  	_ =	shalt  }
0x45: {  	_ =	shalt  }
0x46: {  	_ =	shalt  }
0x47: {  	_ =	shalt  }
0x48: {  	_ =	shalt  }
0x49: {  	_ =	shalt  }
0x4a: {  	_ =	shalt  }
0x4b: {  	_ =	shalt  }
0x4c: {  	_ =	shalt  }
0x4d: {  	_ =	shalt  }
0x4e: {  	_ =	shalt  }
0x4f: {  	_ =	shalt  }
0x50: {  	_ =	shalt  }
0x51: {  	_ =	shalt  }
0x52: {  	_ =	shalt  }
0x53: {  	_ =	shalt  }
0x54: {  	_ =	shalt  }
0x55: {  	_ =	shalt  }
0x56: {  	_ =	shalt  }
0x57: {  	_ =	shalt  }
0x58: {  	_ =	shalt  }
0x59: {  	_ =	shalt  }
0x5a: {  	_ =	shalt  }
0x5b: {  	_ =	shalt  }
0x5c: {  	_ =	shalt  }
0x5d: {  	_ =	shalt  }
0x5e: {  	_ =	shalt  }
0x5f: {  	_ =	shalt  }
0x60: {  	_ =	shalt  }
0x61: {  	_ =	shalt  }
0x62: {  	_ =	shalt  }
0x63: {  	_ =	shalt  }
0x64: {  	_ =	shalt  }
0x65: {  	_ =	shalt  }
0x66: {  	_ =	shalt  }
0x67: {  	_ =	shalt  }
0x68: {  	_ =	shalt  }
0x69: {  	_ =	shalt  }
0x6a: {  	_ =	shalt  }
0x6b: {  	_ =	shalt  }
0x6c: {  	_ =	shalt  }
0x6d: {  	_ =	shalt  }
0x6e: {  	_ =	shalt  }
0x6f: {  	_ =	shalt  }
0x70: {  	_ =	shalt  }
0x71: {  	_ =	shalt  }
0x72: {  	_ =	shalt  }
0x73: {  	_ =	shalt  }
0x74: {  	_ =	shalt  }
0x75: {  	_ =	shalt  }
0x76: {  	_ =	shalt  }
0x77: {  	_ =	shalt  }
0x78: {  	_ =	shalt  }
0x79: {  	_ =	shalt  }
0x7a: {  	_ =	shalt  }
0x7b: {  	_ =	shalt  }
0x7c: {  	_ =	shalt  }
0x7d: {  	_ =	shalt  }
0x7e: {  	_ =	shalt  }
0x7f: {  	_ =	shalt  }
0x80: {  	_ =	shalt  }
0x81: {  	_ =	shalt  }
0x82: {  	_ =	shalt  }
0x83: {  	_ =	shalt  }
0x84: {  	_ =	shalt  }
0x85: {  	_ =	shalt  }
0x86: {  	_ =	shalt  }
0x87: {  	_ =	shalt  }
.Lfunc_end0:
.L_simem_size_0:
called_computation.2_lowered:
.L_overlay_start_0:
0x88: {  	s2 =	sld [smem:$0x3FD9]  }
0x89: {  	s3 =	sld [smem:$0x3FFE];
	_ =	sdelay $0x1  }
0x8a: {  	s1 =	srdreg.scid  }
0x8b: {  	s0 =	sand.u32 $0x1, s1  }
0x8c: {  	s17 =	sshll.u32 s0, $0xA;
	s2 =	sadd.s32 s3, s2  }
0x8d: {  	s2 =	sadd.s32 s2, s17  }
0x8e: {  	[smem:$0x3FC2] =	sst s2  }
0x8f: {  	_ = 	snop  }
0x90: {  	s2 =	sld [smem:$0x3FD0];
	(tm) =	ssettm $0x1  }
0x91: {  	s18 =	sld [smem:$0x3FFB];
	_ =	sdelay $0x3  }
0x92: {  	_ =	strace s18  }
0x93: {  	s3 =	sld [smem:$0x3FFC];
	_ =	sdelay $0x3  }
0x94: {  	_ =	strace s3  }
0x95: {  	s3 =	sld [smem:$0x3FFD];
	_ =	sdelay $0x3  }
0x96: {  	_ =	strace s3  }
0x97: {  	_ =	strace $0x8FFFFFFF  }
0x98: {  	s19 =	sld [smem:$0x3FDB];
	_ =	sdelay $0x1  }
0x99: {  	s4 =	simm.s32 $_scs_section_size  }
0x9a: {  	s5 =	simm.s32 $_size__tile_overlayer_lowered;
	s6 =	simm.s32 $_tile_overlayer_lowered  }
0x9b: {  	s22 =	simm.s32 $0x1BFF;
	s21 =	sshll.u32 s6, $0x1;
	s3 =	sadd.s32 s4, s19  }
0x9c: {  	s7 =	simm.s32 $0x0;
	s20 =	sshll.u32 s5, $0x1;
	s5 =	sadd.s32 s21, s3  }
0x9d: {  	[timem:s7], [sflag:s22] =	dma.local [hbm:s5], s20  }
0x9e: {  	_ =	swait.ge [sflag:s22], s20  }
0x9f: {  	s4 =	ssub.s32 $0x0, s20;
	[sflag:s22] =	ssyncset.done $0x0  }
0xa0: {  	[sflag:s22] =	ssyncadd.s32 s4;
	_ =	sdelay $0x1  }
0xa1: {  	s23 =	simm.s32 $0x1B8B  }
0xa2: {  	_ =	swait.ge [sflag:s23], $0x1  }
0xa3: {  	[sflag:s23] =	ssyncset.done $0x0  }
0xa4: {  	s25 =	simm.s32 $0x1B8E;
	s24 =	sld [smem:$0x3FFE];
	[sflag:s23] =	ssyncadd.s32 $0xFFFFFFFF  }
0xa5: {  	s26 =	simm.s32 $execute0_lowered;
	[smem:$0x3FD2] =	sst s25  }
0xa6: {  	s5 =	sshll.u32 s26, $0x1;
	_ =	strace $0x8000004C;
	[dreg:$0x1] =	wrdreg $0xFFFFFFFF  }
0xa7: {  	s28 =	simm.s32 $_size_execute0_lowered;
	s3 =	sadd.s32 s3, s5;
	[dreg:$0x0] =	wrdreg $0x0  }
0xa8: {  	s5 =	sshll.u32 s28, $0x1;
	[dreg:$0x2] =	wrdreg s3  }
0xa9: {  	[dreg:$0x3] =	wrdreg s5  }
0xaa: {  	[dreg:$0x4] =	wrdreg $0xC0  }
0xab: {  	_ =	task [dreg:s7], $0x5FFFF  }
0xac: {  	[dreg:$0x1] =	wrdreg $0xFFFFFFFF  }
0xad: {  	[dreg:$0x0] =	wrdreg $0x60  }
0xae: {  	[dreg:$0x2] =	wrdreg s2  }
0xaf: {  	[dreg:$0x3] =	wrdreg s24  }
0xb0: {  	[dreg:$0x4] =	wrdreg $0x90000  }
0xb1: {  	[dreg:$0x5] =	wrdreg $0x9  }
0xb2: {  	_ =	task.clear_ibuf [dreg:s7], $0x6FFFF;
	_ =	strace $0x9000004C  }
0xb3: {  	s29 =	simm.s32 $0x9;
	_ =	strace $0x8000004E  }
0xb4: {  	_ =	swait.ge [sflag:s29], $0x1  }
0xb5: {  	[sflag:s29] =	ssyncadd.s32 $0xFFFFFFFF  }
0xb6: {  	_ =	strace $0x9000004E  }
0xb7: {  	_ =	sfence  }
0xb8: {  	s30 =	sld [smem:$0x0];
	_ =	sdelay $0x2  }
0xb9: {  	s31 =	sshll.u32 s1, $0xD;
	s1 =	sshrl.u32 s1, $0x2  }
0xba: {  	s3 =	sand.u32 $0x4000, s31;
	s1 =	sadd.s32 s1, s30  }
0xbb: {  	s0 =	sor.u32 s3, s0;
	s1 =	sshll.u32 s1, $0x11  }
0xbc: {  	s0 =	sor.u32 s1, s0  }
0xbd: {  	s0 =	sadd.s32 $0x8F2B, s0  }
0xbe: {  	[sflag:s0] =	ssyncadd.remote.s32 $0x1  }
0xbf: {  	_ =	sfence.sel $0xFFFF  }
0xc0: {  	[dreg:$0x0] =	wrdreg $0xFFFFFFFF;
	(pc) =	sbr.abs _section_cstart, $3  }
0xc1: {  	[dreg:$0x1] =	wrdreg $0xFFFFFFFF  }
0xc2: {  	_ =	task.clear_ibuf [dreg:s7], $0x2FFFF;
	_ =	strace $0x9FFFFFFF  }
0xc3: {  	(tm) =	ssettm $0x7FFFFFFF  }
tec
execute0_lowered:
.L_overlay_start_1:
0x0: {  	(tag) =	ssettag $0x1  }
0x1: {  	s1 =	rddreg [dreg:$0x0]  }
0x2: {  	s0 =	rddreg [dreg:$0x1]  }
0x3: {  	s3 =	rddreg [dreg:$0x2]  }
0x4: {  	s4 =	simm.s32 $0x0;
	s10 =	stileid.u32;
	s2 =	srdreg.scid  }
0x5: {  	s11 =	simm.s32 $0x880;
	s12 =	simm.s32 $0x180;
	s14 =	simm.s32 $0x900  }
0x6: {  	s15 =	simm.s32 $0x200;
	[smem:$0x7FF] =	sst s4;
	s6 =	sadd.s32 $0x2A00, s0  }
0x7: {  	s22 =	sadd.s32 $0xCA00, s0;
	_ =	strace $0x8000004D;
	[dreg:$0x4] =	wrdreg s6  }
0x8: {  	s16 =	simm.s32 $0x980;
	s17 =	simm.s32 $0x280;
	[dreg:$0x5] =	wrdreg s22  }
0x9: {  	s18 =	simm.s32 $0xA00;
	s20 =	simm.s32 $0x300;
	[dreg:$0x7] =	wrdreg s11  }
0xa: {  	s21 =	simm.s32 $0xA80;
	s28 =	simm.s32 $0xE00;
	[dreg:$0x8] =	wrdreg s12  }
0xb: {  	s29 =	simm.s32 $0x700;
	s30 =	simm.s32 $0xE80;
	[dreg:$0x9] =	wrdreg s14  }
0xc: {  	s31 =	simm.s32 $0x780;
	s5 =	smul.u32 $0x13C00, s10;
	[dreg:$0xa] =	wrdreg s15  }
0xd: {  	s2 =	sand.u32 $0x1, s2;
	s26 =	sshll.u32 s10, $0xC;
	[dreg:$0xb] =	wrdreg s16  }
0xe: {  	s8 =	smul.u32 $0x4F000, s10;
	s13 =	sshll.u32 s10, $0x6;
	[dreg:$0xc] =	wrdreg s17  }
0xf: {  	s7 =	smul.u32 $0x13C000, s2;
	s24 =	ssub.s32 $0x2, s2;
	[dreg:$0xd] =	wrdreg s18  }
0x10: {  	p0 =	seq.s32 s2, $0x0;
	s2 =	sshll.u32 s10, $0xE;
	[dreg:$0xe] =	wrdreg s20  }
0x11: {  	s9 =	sor.u32 $0x40000, s26;
	s12 =	simm.s32 $0x3;
	[dreg:$0xf] =	wrdreg s21  }
0x12: {  	s22 =	simm.s32 $0x380;
	s14 =	simm.s32 $0x80;
	s15 =	simm.s32 $0x1000  }
0x13: {  	s16 =	simm.s32 $0x5000;
	s26 =	simm.s32 $0x480;
	s17 =	simm.s32 $0x1  }
0x14: {  	s18 =	simm.s32 $0x2;
	s20 =	simm.s32 $0x500;
	s21 =	simm.s32 $0xC80  }
0x15: {  	s25 =	sshrl.u32 s24, $0x1;
	s9 =	smov.u32 @p0 s2;
	[dreg:$0x10] =	wrdreg s22  }
0x16: {  	[dreg:$0x14] =	wrdreg s26;
	s22 =	simm.s32 $0x580;
	s26 =	simm.s32 $0x680  }
0x17: {  	s23 =	sadd.s32 s5, s7;
	s5 =	sshrl.u32 s5, $0x3;
	s7 =	sshrl.u32 s8, $0x2  }
0x18: {  	s8 =	simm.s32 $0x100;
	s6 =	sshrl.u32 s23, $0x3;
	s5 =	sadd.s32 s5, s0  }
0x19: {  	s2 =	sadd.s32 s7, s3;
	[dreg:$0x6] =	wrdreg s8;
	s8 =	sor.u32 $0x1C03, s13  }
0x1a: {  	s7 =	simm.s32 $0x8;
	s13 =	simm.s32 $0x800;
	s23 =	simm.s32 $0xB00  }
0x1b: {  	s0 =	sadd.s32 s6, s0;
	s5 =	sadd.s32 $0x16A00, s5;
	[dreg:$0x11] =	wrdreg s23  }
0x1c: {  	s6 =	ssub.s32 s24, s25;
	s7 =	simm.s32 @!p0 $0x2;
	[dreg:$0x15] =	wrdreg s5  }
0x1d: {  	s11 =	sshrl.u32 s2, $0x3;
	s24 =	simm.s32 $0x400;
	[dreg:$0x16] =	wrdreg s7  }
0x1e: {  	s25 =	simm.s32 $0xB80;
	s23 =	simm.s32 $0xD00;
	[dreg:$0x12] =	wrdreg s24  }
0x1f: {  	s2 =	simm.s32 $0xF80;
	s0 =	sadd.s32 $0x8D200, s0;
	[dreg:$0x13] =	wrdreg s25  }
0x20: {  	s19 =	smax.u32 s6, $0x1;
	s24 =	simm.s32 $0x600;
	[dreg:$0x19] =	wrdreg s11  }
0x21: {  	s25 =	simm.s32 $0xD80;
	s6 =	simm.s32 $0x0;
	[dreg:$0x17] =	wrdreg s0  }
0x22: {  	[dreg:$0x18] =	wrdreg s19;
	s19 =	simm.s32 $0xC00;
	s0 =	simm.s32 $0xF00  }
.LBB2_1:
0x23: {  	s5 =	rddreg [dreg:$0x15]  }
0x24: {  	[spmem:s11], [sflag:s8] =	dma.local [hbm:s5], $0x2780  }
0x25: {  	_ =	swait.ge [sflag:s12], $0x2780  }
0x26: {  	[sflag:s12] =	ssyncset.done $0x0  }
0x27: {  	[sflag:s12] =	ssyncadd.s32 $0xFFFFD880  }
0x28: {  	[bflag:$0x0] =	sbarrier.arrive $0xFFFF  }
0x29: {  	s10 =	rddreg [dreg:$0x16]  }
0x2a: {  	p1 =	sne.s32 s10, $0x1  }
.Ltmp0:
0x2b: {  	_ = 	snop;
	(pc) =	sbr.rel @!p1 .LBB2_2-.Ltmp0, $2  }
0x2c: {  	_ =	sdelay $0x2  }
0x2d: {  	p0 =	por $0x0, $0x0;
	s7 =	rddreg [dreg:$0x4];
	s5 =	sadd.s32 $0xFFFFFFFF, s10  }
0x2e: {  	s10 =	sshrl.u32 s9, $0x3  }
0x2f: {  	s7 =	sadd.s32 s7, s10  }
0x30: {  	[tilespmem:s4], [sflag:$0x3] =	stream.linear.gather [hbm4b:s7+s4], $0x800, $0x38;
	[tilespmem:$0x1CC00] =	vst v63  }
0x31: {  	_ =	swait.ge [sflag:s12], $0x800  }
0x32: {  	s11 =	rddreg [dreg:$0x5];
	[sflag:s12] =	ssyncset.done $0x0  }
0x33: {  	[sflag:s12] =	ssyncadd.s32 $0xFFFFF800;
	s7 =	sadd.s32 s11, s10  }
0x34: {  	[tilespmem:s13], [sflag:$0x3] =	stream.linear.gather [hbm4b:s7+s4], $0x800, $0x38;
	[tilespmem:$0x1CC00] =	vst v63  }
0x35: {  	_ =	swait.ge [sflag:s12], $0x800  }
0x36: {  	[sflag:s12] =	ssyncset.done $0x0  }
0x37: {  	[sflag:s12] =	ssyncadd.s32 $0xFFFFF800  }
0x38: {  	[tilespmem:s15], [sflag:$0x1] =	stream.indirect.gather [hbm4b:s1+s14], $0x80, s4, s14, $0xb8;
	[tilespmem:$0x1CC00] =	vst v63  }
0x39: {  	_ = 	snop  }
0x3a: {  	[tilespmem:s16], [sflag:$0x2] =	stream.indirect.gather [hbm4b:s1+s14], $0x80, s14, s14, $0xb8;
	[tilespmem:$0x1CC00] =	vst v63  }
0x3b: {  	_ =	swait.ge [sflag:s17], $0x4000  }
0x3c: {  	[sflag:s17] =	ssyncset.done $0x0  }
0x3d: {  	[sflag:s17] =	ssyncadd.s32 $0xFFFFC000  }
0x3e: {  	[spmem:s3] =	stream.indirect.scatter.add.f32 [tilespmem:s15], [sflag:$0x3], $0x80, s13, s14, $0xb8;
	[tilespmem:$0x1CC00] =	vst v63  }
0x3f: {  	_ =	swait.ge [sflag:s12], $0x4000  }
0x40: {  	[sflag:s12] =	ssyncset.done $0x0  }
0x41: {  	s11 =	rddreg [dreg:$0x6];
	[sflag:s12] =	ssyncadd.s32 $0xFFFFC000  }
0x42: {  	[tilespmem:s15], [sflag:$0x1] =	stream.indirect.gather [hbm4b:s1+s14], $0x80, s11, s14, $0xb8;
	[tilespmem:$0x1CC00] =	vst v63  }
0x43: {  	_ =	swait.ge [sflag:s18], $0x4000  }
0x44: {  	[sflag:s18] =	ssyncset.done $0x0  }
0x45: {  	s10 =	rddreg [dreg:$0x7];
	[sflag:s18] =	ssyncadd.s32 $0xFFFFC000  }
0x46: {  	[spmem:s3] =	stream.indirect.scatter.add.f32 [tilespmem:s16], [sflag:$0x3], $0x80, s10, s14, $0xb8;
	[tilespmem:$0x1CC00] =	vst v63  }
0x47: {  	_ =	swait.ge [sflag:s12], $0x4000  }
0x48: {  	[sflag:s12] =	ssyncset.done $0x0  }
0x49: {  	s11 =	rddreg [dreg:$0x8];
	[sflag:s12] =	ssyncadd.s32 $0xFFFFC000  }
0x4a: {  	[tilespmem:s16], [sflag:$0x2] =	stream.indirect.gather [hbm4b:s1+s14], $0x80, s11, s14, $0xb8;
	[tilespmem:$0x1CC00] =	vst v63  }
0x4b: {  	_ =	swait.ge [sflag:s17], $0x4000  }
0x4c: {  	[sflag:s17] =	ssyncset.done $0x0  }
0x4d: {  	s10 =	rddreg [dreg:$0x9];
	[sflag:s17] =	ssyncadd.s32 $0xFFFFC000  }
0x4e: {  	[spmem:s3] =	stream.indirect.scatter.add.f32 [tilespmem:s15], [sflag:$0x3], $0x80, s10, s14, $0xb8;
	[tilespmem:$0x1CC00] =	vst v63  }
0x4f: {  	_ =	swait.ge [sflag:s12], $0x4000  }
0x50: {  	[sflag:s12] =	ssyncset.done $0x0  }
0x51: {  	s11 =	rddreg [dreg:$0xa];
	[sflag:s12] =	ssyncadd.s32 $0xFFFFC000  }
0x52: {  	[tilespmem:s15], [sflag:$0x1] =	stream.indirect.gather [hbm4b:s1+s14], $0x80, s11, s14, $0xb8;
	[tilespmem:$0x1CC00] =	vst v63  }
0x53: {  	_ =	swait.ge [sflag:s18], $0x4000  }
0x54: {  	[sflag:s18] =	ssyncset.done $0x0  }
0x55: {  	s10 =	rddreg [dreg:$0xb];
	[sflag:s18] =	ssyncadd.s32 $0xFFFFC000  }
0x56: {  	[spmem:s3] =	stream.indirect.scatter.add.f32 [tilespmem:s16], [sflag:$0x3], $0x80, s10, s14, $0xb8;
	[tilespmem:$0x1CC00] =	vst v63  }
0x57: {  	_ =	swait.ge [sflag:s12], $0x4000  }
0x58: {  	[sflag:s12] =	ssyncset.done $0x0  }
0x59: {  	s11 =	rddreg [dreg:$0xc];
	[sflag:s12] =	ssyncadd.s32 $0xFFFFC000  }
0x5a: {  	[tilespmem:s16], [sflag:$0x2] =	stream.indirect.gather [hbm4b:s1+s14], $0x80, s11, s14, $0xb8;
	[tilespmem:$0x1CC00] =	vst v63  }
0x5b: {  	_ =	swait.ge [sflag:s17], $0x4000  }
0x5c: {  	[sflag:s17] =	ssyncset.done $0x0  }
0x5d: {  	s10 =	rddreg [dreg:$0xd];
	[sflag:s17] =	ssyncadd.s32 $0xFFFFC000  }
0x5e: {  	[spmem:s3] =	stream.indirect.scatter.add.f32 [tilespmem:s15], [sflag:$0x3], $0x80, s10, s14, $0xb8;
	[tilespmem:$0x1CC00] =	vst v63  }
0x5f: {  	_ =	swait.ge [sflag:s12], $0x4000  }
0x60: {  	[sflag:s12] =	ssyncset.done $0x0  }
0x61: {  	s11 =	rddreg [dreg:$0xe];
	[sflag:s12] =	ssyncadd.s32 $0xFFFFC000  }
0x62: {  	[tilespmem:s15], [sflag:$0x1] =	stream.indirect.gather [hbm4b:s1+s14], $0x80, s11, s14, $0xb8;
	[tilespmem:$0x1CC00] =	vst v63  }
0x63: {  	_ =	swait.ge [sflag:s18], $0x4000  }
0x64: {  	[sflag:s18] =	ssyncset.done $0x0  }
0x65: {  	s10 =	rddreg [dreg:$0xf];
	[sflag:s18] =	ssyncadd.s32 $0xFFFFC000  }
0x66: {  	[spmem:s3] =	stream.indirect.scatter.add.f32 [tilespmem:s16], [sflag:$0x3], $0x80, s10, s14, $0xb8;
	[tilespmem:$0x1CC00] =	vst v63  }
0x67: {  	_ =	swait.ge [sflag:s12], $0x4000  }
0x68: {  	[sflag:s12] =	ssyncset.done $0x0  }
0x69: {  	s11 =	rddreg [dreg:$0x10];
	[sflag:s12] =	ssyncadd.s32 $0xFFFFC000  }
0x6a: {  	[tilespmem:s16], [sflag:$0x2] =	stream.indirect.gather [hbm4b:s1+s14], $0x80, s11, s14, $0xb8;
	[tilespmem:$0x1CC00] =	vst v63  }
0x6b: {  	_ =	swait.ge [sflag:s17], $0x4000  }
0x6c: {  	[sflag:s17] =	ssyncset.done $0x0  }
0x6d: {  	s10 =	rddreg [dreg:$0x11];
	[sflag:s17] =	ssyncadd.s32 $0xFFFFC000  }
0x6e: {  	[spmem:s3] =	stream.indirect.scatter.add.f32 [tilespmem:s15], [sflag:$0x3], $0x80, s10, s14, $0xb8;
	[tilespmem:$0x1CC00] =	vst v63  }
0x6f: {  	_ =	swait.ge [sflag:s12], $0x4000  }
0x70: {  	[sflag:s12] =	ssyncset.done $0x0  }
0x71: {  	s11 =	rddreg [dreg:$0x12];
	[sflag:s12] =	ssyncadd.s32 $0xFFFFC000  }
0x72: {  	[tilespmem:s15], [sflag:$0x1] =	stream.indirect.gather [hbm4b:s1+s14], $0x80, s11, s14, $0xb8;
	[tilespmem:$0x1CC00] =	vst v63  }
0x73: {  	_ =	swait.ge [sflag:s18], $0x4000  }
0x74: {  	[sflag:s18] =	ssyncset.done $0x0  }
0x75: {  	s10 =	rddreg [dreg:$0x13];
	[sflag:s18] =	ssyncadd.s32 $0xFFFFC000  }
0x76: {  	[spmem:s3] =	stream.indirect.scatter.add.f32 [tilespmem:s16], [sflag:$0x3], $0x80, s10, s14, $0xb8;
	[tilespmem:$0x1CC00] =	vst v63  }
0x77: {  	_ =	swait.ge [sflag:s12], $0x4000  }
0x78: {  	[sflag:s12] =	ssyncset.done $0x0  }
0x79: {  	s11 =	rddreg [dreg:$0x14];
	[sflag:s12] =	ssyncadd.s32 $0xFFFFC000  }
0x7a: {  	[tilespmem:s16], [sflag:$0x2] =	stream.indirect.gather [hbm4b:s1+s14], $0x80, s11, s14, $0xb8;
	[tilespmem:$0x1CC00] =	vst v63  }
0x7b: {  	_ =	swait.ge [sflag:s17], $0x4000  }
0x7c: {  	[sflag:s17] =	ssyncset.done $0x0  }
0x7d: {  	[sflag:s17] =	ssyncadd.s32 $0xFFFFC000  }
0x7e: {  	[spmem:s3] =	stream.indirect.scatter.add.f32 [tilespmem:s15], [sflag:$0x3], $0x80, s19, s14, $0xb8;
	[tilespmem:$0x1CC00] =	vst v63  }
0x7f: {  	_ =	swait.ge [sflag:s12], $0x4000  }
0x80: {  	[sflag:s12] =	ssyncset.done $0x0  }
0x81: {  	[sflag:s12] =	ssyncadd.s32 $0xFFFFC000  }
0x82: {  	[tilespmem:s15], [sflag:$0x1] =	stream.indirect.gather [hbm4b:s1+s14], $0x80, s20, s14, $0xb8;
	[tilespmem:$0x1CC00] =	vst v63  }
0x83: {  	_ =	swait.ge [sflag:s18], $0x4000  }
0x84: {  	[sflag:s18] =	ssyncset.done $0x0  }
0x85: {  	[sflag:s18] =	ssyncadd.s32 $0xFFFFC000  }
0x86: {  	[spmem:s3] =	stream.indirect.scatter.add.f32 [tilespmem:s16], [sflag:$0x3], $0x80, s21, s14, $0xb8;
	[tilespmem:$0x1CC00] =	vst v63  }
0x87: {  	_ =	swait.ge [sflag:s12], $0x4000  }
0x88: {  	[sflag:s12] =	ssyncset.done $0x0  }
0x89: {  	[sflag:s12] =	ssyncadd.s32 $0xFFFFC000  }
0x8a: {  	[tilespmem:s16], [sflag:$0x2] =	stream.indirect.gather [hbm4b:s1+s14], $0x80, s22, s14, $0xb8;
	[tilespmem:$0x1CC00] =	vst v63  }
0x8b: {  	_ =	swait.ge [sflag:s17], $0x4000  }
0x8c: {  	[sflag:s17] =	ssyncset.done $0x0  }
0x8d: {  	[sflag:s17] =	ssyncadd.s32 $0xFFFFC000  }
0x8e: {  	[spmem:s3] =	stream.indirect.scatter.add.f32 [tilespmem:s15], [sflag:$0x3], $0x80, s23, s14, $0xb8;
	[tilespmem:$0x1CC00] =	vst v63  }
0x8f: {  	_ =	swait.ge [sflag:s12], $0x4000  }
0x90: {  	[sflag:s12] =	ssyncset.done $0x0  }
0x91: {  	[sflag:s12] =	ssyncadd.s32 $0xFFFFC000  }
0x92: {  	[tilespmem:s15], [sflag:$0x1] =	stream.indirect.gather [hbm4b:s1+s14], $0x80, s24, s14, $0xb8;
	[tilespmem:$0x1CC00] =	vst v63  }
0x93: {  	_ =	swait.ge [sflag:s18], $0x4000  }
0x94: {  	[sflag:s18] =	ssyncset.done $0x0  }
0x95: {  	[sflag:s18] =	ssyncadd.s32 $0xFFFFC000  }
0x96: {  	[spmem:s3] =	stream.indirect.scatter.add.f32 [tilespmem:s16], [sflag:$0x3], $0x80, s25, s14, $0xb8;
	[tilespmem:$0x1CC00] =	vst v63  }
0x97: {  	_ =	swait.ge [sflag:s12], $0x4000  }
0x98: {  	[sflag:s12] =	ssyncset.done $0x0  }
0x99: {  	[sflag:s12] =	ssyncadd.s32 $0xFFFFC000  }
0x9a: {  	[tilespmem:s16], [sflag:$0x2] =	stream.indirect.gather [hbm4b:s1+s14], $0x80, s26, s14, $0xb8;
	[tilespmem:$0x1CC00] =	vst v63  }
0x9b: {  	_ =	swait.ge [sflag:s17], $0x4000  }
0x9c: {  	[sflag:s17] =	ssyncset.done $0x0  }
0x9d: {  	[sflag:s17] =	ssyncadd.s32 $0xFFFFC000  }
0x9e: {  	[spmem:s3] =	stream.indirect.scatter.add.f32 [tilespmem:s15], [sflag:$0x3], $0x80, s28, s14, $0xb8;
	[tilespmem:$0x1CC00] =	vst v63  }
0x9f: {  	_ =	swait.ge [sflag:s12], $0x4000  }
0xa0: {  	[sflag:s12] =	ssyncset.done $0x0  }
0xa1: {  	[sflag:s12] =	ssyncadd.s32 $0xFFFFC000  }
0xa2: {  	[tilespmem:s15], [sflag:$0x1] =	stream.indirect.gather [hbm4b:s1+s14], $0x80, s29, s14, $0xb8;
	[tilespmem:$0x1CC00] =	vst v63  }
0xa3: {  	_ =	swait.ge [sflag:s18], $0x4000  }
0xa4: {  	[sflag:s18] =	ssyncset.done $0x0  }
0xa5: {  	[sflag:s18] =	ssyncadd.s32 $0xFFFFC000  }
0xa6: {  	[spmem:s3] =	stream.indirect.scatter.add.f32 [tilespmem:s16], [sflag:$0x3], $0x80, s30, s14, $0xb8;
	[tilespmem:$0x1CC00] =	vst v63  }
0xa7: {  	_ =	swait.ge [sflag:s12], $0x4000  }
0xa8: {  	[sflag:s12] =	ssyncset.done $0x0  }
0xa9: {  	[sflag:s12] =	ssyncadd.s32 $0xFFFFC000  }
0xaa: {  	[tilespmem:s16], [sflag:$0x2] =	stream.indirect.gather [hbm4b:s1+s14], $0x80, s31, s14, $0xb8;
	[tilespmem:$0x1CC00] =	vst v63  }
0xab: {  	_ =	swait.ge [sflag:s17], $0x4000  }
0xac: {  	[sflag:s17] =	ssyncset.done $0x0  }
0xad: {  	[sflag:s17] =	ssyncadd.s32 $0xFFFFC000  }
0xae: {  	[spmem:s3] =	stream.indirect.scatter.add.f32 [tilespmem:s15], [sflag:$0x3], $0x80, s0, s14, $0xb8;
	[tilespmem:$0x1CC00] =	vst v63  }
0xaf: {  	_ =	swait.ge [sflag:s12], $0x4000  }
0xb0: {  	[sflag:s12] =	ssyncset.done $0x0  }
0xb1: {  	[sflag:s12] =	ssyncadd.s32 $0xFFFFC000  }
0xb2: {  	[tilespmem:s15], [sflag:$0x1] =	stream.indirect.gather [hbm4b:s1+s14], $0x80, s31, s14, $0xb8;
	[tilespmem:$0x1CC00] =	vst v63  }
0xb3: {  	_ =	swait.ge [sflag:s18], $0x4000  }
0xb4: {  	[sflag:s18] =	ssyncset.done $0x0  }
0xb5: {  	[sflag:s18] =	ssyncadd.s32 $0xFFFFC000  }
0xb6: {  	[spmem:s3] =	stream.indirect.scatter.add.f32 [tilespmem:s16], [sflag:$0x3], $0x80, s2, s14, $0xb8;
	[tilespmem:$0x1CC00] =	vst v63  }
0xb7: {  	_ =	swait.ge [sflag:s12], $0x4000  }
0xb8: {  	[sflag:s12] =	ssyncset.done $0x0  }
0xb9: {  	p1 =	sne.s32 s5, $0x1;
	[sflag:s12] =	ssyncadd.s32 $0xFFFFC000  }
0xba: {  	[tilespmem:s16], [sflag:$0x2] =	stream.indirect.gather [hbm4b:s1+s14], $0x80, s31, s14, $0xb8;
	[tilespmem:$0x1CC00] =	vst v63  }
.Ltmp1:
0xbb: {  	_ =	swait.ge [sflag:s17], $0x4000;
	(pc) =	sbr.rel @!p1 .LBB2_4-.Ltmp1, $4  }
0xbc: {  	[sflag:s17] =	ssyncset.done $0x0  }
0xbd: {  	[sflag:s17] =	ssyncadd.s32 $0xFFFFC000  }
0xbe: {  	p0 =	por $0x1, $0x1;
	s10 =	sadd.s32 $0xFFFFFFFF, s5;
	_ =	swait.ge [sflag:s18], $0x4000  }
0xbf: {  	s5 =	smov.u32 s9;
	s7 =	rddreg [dreg:$0x4];
	[sflag:s18] =	ssyncset.done $0x0  }
.LBB2_5:
0xc0: {  	s5 =	sadd.s32 $0x800, s5  }
0xc1: {  	s11 =	sshrl.u32 s5, $0x3  }
0xc2: {  	[sflag:s18] =	ssyncadd.s32 $0xFFFFC000;
	s7 =	sadd.s32 s7, s11  }
0xc3: {  	[tilespmem:s4], [sflag:$0x3] =	stream.linear.gather [hbm4b:s7+s4], $0x800, $0x38;
	[tilespmem:$0x1CC00] =	vst v63  }
0xc4: {  	_ =	swait.ge [sflag:s12], $0x800  }
0xc5: {  	s7 =	rddreg [dreg:$0x5];
	[sflag:s12] =	ssyncset.done $0x0  }
0xc6: {  	[sflag:s12] =	ssyncadd.s32 $0xFFFFF800;
	s7 =	sadd.s32 s7, s11  }
0xc7: {  	[tilespmem:s13], [sflag:$0x3] =	stream.linear.gather [hbm4b:s7+s4], $0x800, $0x38;
	[tilespmem:$0x1CC00] =	vst v63  }
0xc8: {  	_ =	swait.ge [sflag:s12], $0x800  }
0xc9: {  	[sflag:s12] =	ssyncset.done $0x0  }
0xca: {  	[sflag:s12] =	ssyncadd.s32 $0xFFFFF800  }
0xcb: {  	[tilespmem:s15], [sflag:$0x1] =	stream.indirect.gather [hbm4b:s1+s14], $0x80, s4, s14, $0xb8;
	[tilespmem:$0x1CC00] =	vst v63  }
0xcc: {  	_ = 	snop  }
0xcd: {  	[tilespmem:s16], [sflag:$0x2] =	stream.indirect.gather [hbm4b:s1+s14], $0x80, s14, s14, $0xb8;
	[tilespmem:$0x1CC00] =	vst v63  }
0xce: {  	_ =	swait.ge [sflag:s17], $0x4000  }
0xcf: {  	[sflag:s17] =	ssyncset.done $0x0  }
0xd0: {  	[sflag:s17] =	ssyncadd.s32 $0xFFFFC000  }
0xd1: {  	[spmem:s3] =	stream.indirect.scatter.add.f32 [tilespmem:s15], [sflag:$0x3], $0x80, s13, s14, $0xb8;
	[tilespmem:$0x1CC00] =	vst v63  }
0xd2: {  	_ =	swait.ge [sflag:s12], $0x4000  }
0xd3: {  	[sflag:s12] =	ssyncset.done $0x0  }
0xd4: {  	s11 =	rddreg [dreg:$0x6];
	[sflag:s12] =	ssyncadd.s32 $0xFFFFC000  }
0xd5: {  	[tilespmem:s15], [sflag:$0x1] =	stream.indirect.gather [hbm4b:s1+s14], $0x80, s11, s14, $0xb8;
	[tilespmem:$0x1CC00] =	vst v63  }
0xd6: {  	_ =	swait.ge [sflag:s18], $0x4000  }
0xd7: {  	[sflag:s18] =	ssyncset.done $0x0  }
0xd8: {  	s11 =	rddreg [dreg:$0x7];
	[sflag:s18] =	ssyncadd.s32 $0xFFFFC000  }
0xd9: {  	[spmem:s3] =	stream.indirect.scatter.add.f32 [tilespmem:s16], [sflag:$0x3], $0x80, s11, s14, $0xb8;
	[tilespmem:$0x1CC00] =	vst v63  }
0xda: {  	_ =	swait.ge [sflag:s12], $0x4000  }
0xdb: {  	[sflag:s12] =	ssyncset.done $0x0  }
0xdc: {  	s11 =	rddreg [dreg:$0x8];
	[sflag:s12] =	ssyncadd.s32 $0xFFFFC000  }
0xdd: {  	[tilespmem:s16], [sflag:$0x2] =	stream.indirect.gather [hbm4b:s1+s14], $0x80, s11, s14, $0xb8;
	[tilespmem:$0x1CC00] =	vst v63  }
0xde: {  	_ =	swait.ge [sflag:s17], $0x4000  }
0xdf: {  	[sflag:s17] =	ssyncset.done $0x0  }
0xe0: {  	s11 =	rddreg [dreg:$0x9];
	[sflag:s17] =	ssyncadd.s32 $0xFFFFC000  }
0xe1: {  	[spmem:s3] =	stream.indirect.scatter.add.f32 [tilespmem:s15], [sflag:$0x3], $0x80, s11, s14, $0xb8;
	[tilespmem:$0x1CC00] =	vst v63  }
0xe2: {  	_ =	swait.ge [sflag:s12], $0x4000  }
0xe3: {  	[sflag:s12] =	ssyncset.done $0x0  }
0xe4: {  	s11 =	rddreg [dreg:$0xa];
	[sflag:s12] =	ssyncadd.s32 $0xFFFFC000  }
0xe5: {  	[tilespmem:s15], [sflag:$0x1] =	stream.indirect.gather [hbm4b:s1+s14], $0x80, s11, s14, $0xb8;
	[tilespmem:$0x1CC00] =	vst v63  }
0xe6: {  	_ =	swait.ge [sflag:s18], $0x4000  }
0xe7: {  	[sflag:s18] =	ssyncset.done $0x0  }
0xe8: {  	s11 =	rddreg [dreg:$0xb];
	[sflag:s18] =	ssyncadd.s32 $0xFFFFC000  }
0xe9: {  	[spmem:s3] =	stream.indirect.scatter.add.f32 [tilespmem:s16], [sflag:$0x3], $0x80, s11, s14, $0xb8;
	[tilespmem:$0x1CC00] =	vst v63  }
0xea: {  	_ =	swait.ge [sflag:s12], $0x4000  }
0xeb: {  	[sflag:s12] =	ssyncset.done $0x0  }
0xec: {  	s11 =	rddreg [dreg:$0xc];
	[sflag:s12] =	ssyncadd.s32 $0xFFFFC000  }
0xed: {  	[tilespmem:s16], [sflag:$0x2] =	stream.indirect.gather [hbm4b:s1+s14], $0x80, s11, s14, $0xb8;
	[tilespmem:$0x1CC00] =	vst v63  }
0xee: {  	_ =	swait.ge [sflag:s17], $0x4000  }
0xef: {  	[sflag:s17] =	ssyncset.done $0x0  }
0xf0: {  	s11 =	rddreg [dreg:$0xd];
	[sflag:s17] =	ssyncadd.s32 $0xFFFFC000  }
0xf1: {  	[spmem:s3] =	stream.indirect.scatter.add.f32 [tilespmem:s15], [sflag:$0x3], $0x80, s11, s14, $0xb8;
	[tilespmem:$0x1CC00] =	vst v63  }
0xf2: {  	_ =	swait.ge [sflag:s12], $0x4000  }
0xf3: {  	[sflag:s12] =	ssyncset.done $0x0  }
0xf4: {  	s11 =	rddreg [dreg:$0xe];
	[sflag:s12] =	ssyncadd.s32 $0xFFFFC000  }
0xf5: {  	[tilespmem:s15], [sflag:$0x1] =	stream.indirect.gather [hbm4b:s1+s14], $0x80, s11, s14, $0xb8;
	[tilespmem:$0x1CC00] =	vst v63  }
0xf6: {  	_ =	swait.ge [sflag:s18], $0x4000  }
0xf7: {  	[sflag:s18] =	ssyncset.done $0x0  }
0xf8: {  	s11 =	rddreg [dreg:$0xf];
	[sflag:s18] =	ssyncadd.s32 $0xFFFFC000  }
0xf9: {  	[spmem:s3] =	stream.indirect.scatter.add.f32 [tilespmem:s16], [sflag:$0x3], $0x80, s11, s14, $0xb8;
	[tilespmem:$0x1CC00] =	vst v63  }
0xfa: {  	_ =	swait.ge [sflag:s12], $0x4000  }
0xfb: {  	[sflag:s12] =	ssyncset.done $0x0  }
0xfc: {  	s11 =	rddreg [dreg:$0x10];
	[sflag:s12] =	ssyncadd.s32 $0xFFFFC000  }
0xfd: {  	[tilespmem:s16], [sflag:$0x2] =	stream.indirect.gather [hbm4b:s1+s14], $0x80, s11, s14, $0xb8;
	[tilespmem:$0x1CC00] =	vst v63  }
0xfe: {  	_ =	swait.ge [sflag:s17], $0x4000  }
0xff: {  	[sflag:s17] =	ssyncset.done $0x0  }
0x100: {  	s11 =	rddreg [dreg:$0x11];
	[sflag:s17] =	ssyncadd.s32 $0xFFFFC000  }
0x101: {  	[spmem:s3] =	stream.indirect.scatter.add.f32 [tilespmem:s15], [sflag:$0x3], $0x80, s11, s14, $0xb8;
	[tilespmem:$0x1CC00] =	vst v63  }
0x102: {  	_ =	swait.ge [sflag:s12], $0x4000  }
0x103: {  	[sflag:s12] =	ssyncset.done $0x0  }
0x104: {  	s11 =	rddreg [dreg:$0x12];
	[sflag:s12] =	ssyncadd.s32 $0xFFFFC000  }
0x105: {  	[tilespmem:s15], [sflag:$0x1] =	stream.indirect.gather [hbm4b:s1+s14], $0x80, s11, s14, $0xb8;
	[tilespmem:$0x1CC00] =	vst v63  }
0x106: {  	_ =	swait.ge [sflag:s18], $0x4000  }
0x107: {  	[sflag:s18] =	ssyncset.done $0x0  }
0x108: {  	s11 =	rddreg [dreg:$0x13];
	[sflag:s18] =	ssyncadd.s32 $0xFFFFC000  }
0x109: {  	[spmem:s3] =	stream.indirect.scatter.add.f32 [tilespmem:s16], [sflag:$0x3], $0x80, s11, s14, $0xb8;
	[tilespmem:$0x1CC00] =	vst v63  }
0x10a: {  	_ =	swait.ge [sflag:s12], $0x4000  }
0x10b: {  	[sflag:s12] =	ssyncset.done $0x0  }
0x10c: {  	s11 =	rddreg [dreg:$0x14];
	[sflag:s12] =	ssyncadd.s32 $0xFFFFC000  }
0x10d: {  	[tilespmem:s16], [sflag:$0x2] =	stream.indirect.gather [hbm4b:s1+s14], $0x80, s11, s14, $0xb8;
	[tilespmem:$0x1CC00] =	vst v63  }
0x10e: {  	_ =	swait.ge [sflag:s17], $0x4000  }
0x10f: {  	[sflag:s17] =	ssyncset.done $0x0  }
0x110: {  	[sflag:s17] =	ssyncadd.s32 $0xFFFFC000  }
0x111: {  	[spmem:s3] =	stream.indirect.scatter.add.f32 [tilespmem:s15], [sflag:$0x3], $0x80, s19, s14, $0xb8;
	[tilespmem:$0x1CC00] =	vst v63  }
0x112: {  	_ =	swait.ge [sflag:s12], $0x4000  }
0x113: {  	[sflag:s12] =	ssyncset.done $0x0  }
0x114: {  	[sflag:s12] =	ssyncadd.s32 $0xFFFFC000  }
0x115: {  	[tilespmem:s15], [sflag:$0x1] =	stream.indirect.gather [hbm4b:s1+s14], $0x80, s20, s14, $0xb8;
	[tilespmem:$0x1CC00] =	vst v63  }
0x116: {  	_ =	swait.ge [sflag:s18], $0x4000  }
0x117: {  	[sflag:s18] =	ssyncset.done $0x0  }
0x118: {  	[sflag:s18] =	ssyncadd.s32 $0xFFFFC000  }
0x119: {  	[spmem:s3] =	stream.indirect.scatter.add.f32 [tilespmem:s16], [sflag:$0x3], $0x80, s21, s14, $0xb8;
	[tilespmem:$0x1CC00] =	vst v63  }
0x11a: {  	_ =	swait.ge [sflag:s12], $0x4000  }
0x11b: {  	[sflag:s12] =	ssyncset.done $0x0  }
0x11c: {  	[sflag:s12] =	ssyncadd.s32 $0xFFFFC000  }
0x11d: {  	[tilespmem:s16], [sflag:$0x2] =	stream.indirect.gather [hbm4b:s1+s14], $0x80, s22, s14, $0xb8;
	[tilespmem:$0x1CC00] =	vst v63  }
0x11e: {  	_ =	swait.ge [sflag:s17], $0x4000  }
0x11f: {  	[sflag:s17] =	ssyncset.done $0x0  }
0x120: {  	[sflag:s17] =	ssyncadd.s32 $0xFFFFC000  }
0x121: {  	[spmem:s3] =	stream.indirect.scatter.add.f32 [tilespmem:s15], [sflag:$0x3], $0x80, s23, s14, $0xb8;
	[tilespmem:$0x1CC00] =	vst v63  }
0x122: {  	_ =	swait.ge [sflag:s12], $0x4000  }
0x123: {  	[sflag:s12] =	ssyncset.done $0x0  }
0x124: {  	[sflag:s12] =	ssyncadd.s32 $0xFFFFC000  }
0x125: {  	[tilespmem:s15], [sflag:$0x1] =	stream.indirect.gather [hbm4b:s1+s14], $0x80, s24, s14, $0xb8;
	[tilespmem:$0x1CC00] =	vst v63  }
0x126: {  	_ =	swait.ge [sflag:s18], $0x4000  }
0x127: {  	[sflag:s18] =	ssyncset.done $0x0  }
0x128: {  	[sflag:s18] =	ssyncadd.s32 $0xFFFFC000  }
0x129: {  	[spmem:s3] =	stream.indirect.scatter.add.f32 [tilespmem:s16], [sflag:$0x3], $0x80, s25, s14, $0xb8;
	[tilespmem:$0x1CC00] =	vst v63  }
0x12a: {  	_ =	swait.ge [sflag:s12], $0x4000  }
0x12b: {  	[sflag:s12] =	ssyncset.done $0x0  }
0x12c: {  	[sflag:s12] =	ssyncadd.s32 $0xFFFFC000  }
0x12d: {  	[tilespmem:s16], [sflag:$0x2] =	stream.indirect.gather [hbm4b:s1+s14], $0x80, s26, s14, $0xb8;
	[tilespmem:$0x1CC00] =	vst v63  }
0x12e: {  	_ =	swait.ge [sflag:s17], $0x4000  }
0x12f: {  	[sflag:s17] =	ssyncset.done $0x0  }
0x130: {  	[sflag:s17] =	ssyncadd.s32 $0xFFFFC000  }
0x131: {  	[spmem:s3] =	stream.indirect.scatter.add.f32 [tilespmem:s15], [sflag:$0x3], $0x80, s28, s14, $0xb8;
	[tilespmem:$0x1CC00] =	vst v63  }
0x132: {  	_ =	swait.ge [sflag:s12], $0x4000  }
0x133: {  	[sflag:s12] =	ssyncset.done $0x0  }
0x134: {  	[sflag:s12] =	ssyncadd.s32 $0xFFFFC000  }
0x135: {  	[tilespmem:s15], [sflag:$0x1] =	stream.indirect.gather [hbm4b:s1+s14], $0x80, s29, s14, $0xb8;
	[tilespmem:$0x1CC00] =	vst v63  }
0x136: {  	_ =	swait.ge [sflag:s18], $0x4000  }
0x137: {  	[sflag:s18] =	ssyncset.done $0x0  }
0x138: {  	[sflag:s18] =	ssyncadd.s32 $0xFFFFC000  }
0x139: {  	[spmem:s3] =	stream.indirect.scatter.add.f32 [tilespmem:s16], [sflag:$0x3], $0x80, s30, s14, $0xb8;
	[tilespmem:$0x1CC00] =	vst v63  }
0x13a: {  	_ =	swait.ge [sflag:s12], $0x4000  }
0x13b: {  	[sflag:s12] =	ssyncset.done $0x0  }
0x13c: {  	[sflag:s12] =	ssyncadd.s32 $0xFFFFC000  }
0x13d: {  	[tilespmem:s16], [sflag:$0x2] =	stream.indirect.gather [hbm4b:s1+s14], $0x80, s31, s14, $0xb8;
	[tilespmem:$0x1CC00] =	vst v63  }
0x13e: {  	_ =	swait.ge [sflag:s17], $0x4000  }
0x13f: {  	[sflag:s17] =	ssyncset.done $0x0  }
0x140: {  	[sflag:s17] =	ssyncadd.s32 $0xFFFFC000  }
0x141: {  	[spmem:s3] =	stream.indirect.scatter.add.f32 [tilespmem:s15], [sflag:$0x3], $0x80, s0, s14, $0xb8;
	[tilespmem:$0x1CC00] =	vst v63  }
0x142: {  	_ =	swait.ge [sflag:s12], $0x4000  }
0x143: {  	[sflag:s12] =	ssyncset.done $0x0  }
0x144: {  	[sflag:s12] =	ssyncadd.s32 $0xFFFFC000  }
0x145: {  	[tilespmem:s15], [sflag:$0x1] =	stream.indirect.gather [hbm4b:s1+s14], $0x80, s31, s14, $0xb8;
	[tilespmem:$0x1CC00] =	vst v63  }
0x146: {  	_ =	swait.ge [sflag:s18], $0x4000  }
0x147: {  	[sflag:s18] =	ssyncset.done $0x0  }
0x148: {  	[sflag:s18] =	ssyncadd.s32 $0xFFFFC000  }
0x149: {  	[spmem:s3] =	stream.indirect.scatter.add.f32 [tilespmem:s16], [sflag:$0x3], $0x80, s2, s14, $0xb8;
	[tilespmem:$0x1CC00] =	vst v63  }
0x14a: {  	_ =	swait.ge [sflag:s12], $0x4000  }
0x14b: {  	[sflag:s12] =	ssyncset.done $0x0  }
0x14c: {  	p1 =	sne.s32 s10, $0x1;
	[sflag:s12] =	ssyncadd.s32 $0xFFFFC000  }
0x14d: {  	[tilespmem:s16], [sflag:$0x2] =	stream.indirect.gather [hbm4b:s1+s14], $0x80, s31, s14, $0xb8;
	[tilespmem:$0x1CC00] =	vst v63  }
.Ltmp2:
0x14e: {  	_ =	swait.ge [sflag:s17], $0x4000;
	(pc) =	sbr.rel @p1 .LBB2_5-.Ltmp2, $4  }
0x14f: {  	[sflag:s17] =	ssyncset.done $0x0  }
0x150: {  	[sflag:s17] =	ssyncadd.s32 $0xFFFFC000  }
0x151: {  	_ =	swait.ge [sflag:s18], $0x4000  }
0x152: {  	s10 =	sadd.s32 $0xFFFFFFFF, s10;
	s7 =	rddreg [dreg:$0x4];
	[sflag:s18] =	ssyncset.done $0x0  }
0x153: {  	s11 =	rddreg [dreg:$0x19]  }
.LBB2_7:
0x154: {  	s5 =	sadd.s32 @p0 $0x800, s5;
	s10 =	smov.u32 s9  }
0x155: {  	s10 =	smov.u32 @p0 s5  }
0x156: {  	s5 =	sshrl.u32 s10, $0x3  }
0x157: {  	[sflag:s18] =	ssyncadd.s32 @p0 $0xFFFFC000;
	s7 =	sadd.s32 s7, s5  }
0x158: {  	[tilespmem:s4], [sflag:$0x3] =	stream.linear.gather [hbm4b:s7+s4], $0x800, $0x38;
	[tilespmem:$0x1CC00] =	vst v63  }
0x159: {  	_ =	swait.ge [sflag:s12], $0x800  }
0x15a: {  	s10 =	rddreg [dreg:$0x5];
	[sflag:s12] =	ssyncset.done $0x0  }
0x15b: {  	s5 =	sadd.s32 s10, s5;
	[sflag:s12] =	ssyncadd.s32 $0xFFFFF800  }
0x15c: {  	[tilespmem:s13], [sflag:$0x3] =	stream.linear.gather [hbm4b:s5+s4], $0x800, $0x38;
	[tilespmem:$0x1CC00] =	vst v63  }
0x15d: {  	_ =	swait.ge [sflag:s12], $0x800  }
0x15e: {  	[sflag:s12] =	ssyncset.done $0x0  }
0x15f: {  	[sflag:s12] =	ssyncadd.s32 $0xFFFFF800  }
0x160: {  	[tilespmem:s15], [sflag:$0x1] =	stream.indirect.gather [hbm4b:s1+s14], $0x80, s4, s14, $0xb8;
	[tilespmem:$0x1CC00] =	vst v63  }
0x161: {  	_ = 	snop  }
0x162: {  	[tilespmem:s16], [sflag:$0x2] =	stream.indirect.gather [hbm4b:s1+s14], $0x80, s14, s14, $0xb8;
	[tilespmem:$0x1CC00] =	vst v63  }
0x163: {  	_ =	swait.ge [sflag:s17], $0x4000  }
0x164: {  	[sflag:s17] =	ssyncset.done $0x0  }
0x165: {  	[sflag:s17] =	ssyncadd.s32 $0xFFFFC000  }
0x166: {  	[spmem:s3] =	stream.indirect.scatter.add.f32 [tilespmem:s15], [sflag:$0x3], $0x80, s13, s14, $0xb8;
	[tilespmem:$0x1CC00] =	vst v63  }
0x167: {  	_ =	swait.ge [sflag:s12], $0x4000  }
0x168: {  	[sflag:s12] =	ssyncset.done $0x0  }
0x169: {  	s10 =	rddreg [dreg:$0x6];
	[sflag:s12] =	ssyncadd.s32 $0xFFFFC000  }
0x16a: {  	[tilespmem:s15], [sflag:$0x1] =	stream.indirect.gather [hbm4b:s1+s14], $0x80, s10, s14, $0xb8;
	[tilespmem:$0x1CC00] =	vst v63  }
0x16b: {  	_ =	swait.ge [sflag:s18], $0x4000  }
0x16c: {  	[sflag:s18] =	ssyncset.done $0x0  }
0x16d: {  	s7 =	rddreg [dreg:$0x7];
	[sflag:s18] =	ssyncadd.s32 $0xFFFFC000  }
0x16e: {  	[spmem:s3] =	stream.indirect.scatter.add.f32 [tilespmem:s16], [sflag:$0x3], $0x80, s7, s14, $0xb8;
	[tilespmem:$0x1CC00] =	vst v63  }
0x16f: {  	_ =	swait.ge [sflag:s12], $0x4000  }
0x170: {  	[sflag:s12] =	ssyncset.done $0x0  }
0x171: {  	s10 =	rddreg [dreg:$0x8];
	[sflag:s12] =	ssyncadd.s32 $0xFFFFC000  }
0x172: {  	[tilespmem:s16], [sflag:$0x2] =	stream.indirect.gather [hbm4b:s1+s14], $0x80, s10, s14, $0xb8;
	[tilespmem:$0x1CC00] =	vst v63  }
0x173: {  	_ =	swait.ge [sflag:s17], $0x4000  }
0x174: {  	[sflag:s17] =	ssyncset.done $0x0  }
0x175: {  	s7 =	rddreg [dreg:$0x9];
	[sflag:s17] =	ssyncadd.s32 $0xFFFFC000  }
0x176: {  	[spmem:s3] =	stream.indirect.scatter.add.f32 [tilespmem:s15], [sflag:$0x3], $0x80, s7, s14, $0xb8;
	[tilespmem:$0x1CC00] =	vst v63  }
0x177: {  	_ =	swait.ge [sflag:s12], $0x4000  }
0x178: {  	[sflag:s12] =	ssyncset.done $0x0  }
0x179: {  	s10 =	rddreg [dreg:$0xa];
	[sflag:s12] =	ssyncadd.s32 $0xFFFFC000  }
0x17a: {  	[tilespmem:s15], [sflag:$0x1] =	stream.indirect.gather [hbm4b:s1+s14], $0x80, s10, s14, $0xb8;
	[tilespmem:$0x1CC00] =	vst v63  }
0x17b: {  	_ =	swait.ge [sflag:s18], $0x4000  }
0x17c: {  	[sflag:s18] =	ssyncset.done $0x0  }
0x17d: {  	s7 =	rddreg [dreg:$0xb];
	[sflag:s18] =	ssyncadd.s32 $0xFFFFC000  }
0x17e: {  	[spmem:s3] =	stream.indirect.scatter.add.f32 [tilespmem:s16], [sflag:$0x3], $0x80, s7, s14, $0xb8;
	[tilespmem:$0x1CC00] =	vst v63  }
0x17f: {  	_ =	swait.ge [sflag:s12], $0x4000  }
0x180: {  	[sflag:s12] =	ssyncset.done $0x0  }
0x181: {  	s10 =	rddreg [dreg:$0xc];
	[sflag:s12] =	ssyncadd.s32 $0xFFFFC000  }
0x182: {  	[tilespmem:s16], [sflag:$0x2] =	stream.indirect.gather [hbm4b:s1+s14], $0x80, s10, s14, $0xb8;
	[tilespmem:$0x1CC00] =	vst v63  }
0x183: {  	_ =	swait.ge [sflag:s17], $0x4000  }
0x184: {  	[sflag:s17] =	ssyncset.done $0x0  }
0x185: {  	s7 =	rddreg [dreg:$0xd];
	[sflag:s17] =	ssyncadd.s32 $0xFFFFC000  }
0x186: {  	[spmem:s3] =	stream.indirect.scatter.add.f32 [tilespmem:s15], [sflag:$0x3], $0x80, s7, s14, $0xb8;
	[tilespmem:$0x1CC00] =	vst v63  }
0x187: {  	_ =	swait.ge [sflag:s12], $0x4000  }
0x188: {  	[sflag:s12] =	ssyncset.done $0x0  }
0x189: {  	s10 =	rddreg [dreg:$0xe];
	[sflag:s12] =	ssyncadd.s32 $0xFFFFC000  }
0x18a: {  	[tilespmem:s15], [sflag:$0x1] =	stream.indirect.gather [hbm4b:s1+s14], $0x80, s10, s14, $0xb8;
	[tilespmem:$0x1CC00] =	vst v63  }
0x18b: {  	_ =	swait.ge [sflag:s18], $0x4000  }
0x18c: {  	[sflag:s18] =	ssyncset.done $0x0  }
0x18d: {  	s7 =	rddreg [dreg:$0xf];
	[sflag:s18] =	ssyncadd.s32 $0xFFFFC000  }
0x18e: {  	[spmem:s3] =	stream.indirect.scatter.add.f32 [tilespmem:s16], [sflag:$0x3], $0x80, s7, s14, $0xb8;
	[tilespmem:$0x1CC00] =	vst v63  }
0x18f: {  	_ =	swait.ge [sflag:s12], $0x4000  }
0x190: {  	[sflag:s12] =	ssyncset.done $0x0  }
0x191: {  	s10 =	rddreg [dreg:$0x10];
	[sflag:s12] =	ssyncadd.s32 $0xFFFFC000  }
0x192: {  	[tilespmem:s16], [sflag:$0x2] =	stream.indirect.gather [hbm4b:s1+s14], $0x80, s10, s14, $0xb8;
	[tilespmem:$0x1CC00] =	vst v63  }
0x193: {  	_ =	swait.ge [sflag:s17], $0x4000  }
0x194: {  	[sflag:s17] =	ssyncset.done $0x0  }
0x195: {  	s7 =	rddreg [dreg:$0x11];
	[sflag:s17] =	ssyncadd.s32 $0xFFFFC000  }
0x196: {  	[spmem:s3] =	stream.indirect.scatter.add.f32 [tilespmem:s15], [sflag:$0x3], $0x80, s7, s14, $0xb8;
	[tilespmem:$0x1CC00] =	vst v63  }
0x197: {  	_ =	swait.ge [sflag:s12], $0x4000  }
0x198: {  	[sflag:s12] =	ssyncset.done $0x0  }
0x199: {  	s10 =	rddreg [dreg:$0x12];
	[sflag:s12] =	ssyncadd.s32 $0xFFFFC000  }
0x19a: {  	[tilespmem:s15], [sflag:$0x1] =	stream.indirect.gather [hbm4b:s1+s14], $0x80, s10, s14, $0xb8;
	[tilespmem:$0x1CC00] =	vst v63  }
0x19b: {  	_ =	swait.ge [sflag:s18], $0x4000  }
0x19c: {  	[sflag:s18] =	ssyncset.done $0x0  }
0x19d: {  	s7 =	rddreg [dreg:$0x13];
	[sflag:s18] =	ssyncadd.s32 $0xFFFFC000  }
0x19e: {  	[spmem:s3] =	stream.indirect.scatter.add.f32 [tilespmem:s16], [sflag:$0x3], $0x80, s7, s14, $0xb8;
	[tilespmem:$0x1CC00] =	vst v63  }
0x19f: {  	_ =	swait.ge [sflag:s12], $0x4000  }
0x1a0: {  	[sflag:s12] =	ssyncset.done $0x0  }
0x1a1: {  	s10 =	rddreg [dreg:$0x14];
	[sflag:s12] =	ssyncadd.s32 $0xFFFFC000  }
0x1a2: {  	[tilespmem:s16], [sflag:$0x2] =	stream.indirect.gather [hbm4b:s1+s14], $0x80, s10, s14, $0xb8;
	[tilespmem:$0x1CC00] =	vst v63  }
0x1a3: {  	_ =	swait.ge [sflag:s17], $0x4000  }
0x1a4: {  	[sflag:s17] =	ssyncset.done $0x0  }
0x1a5: {  	[sflag:s17] =	ssyncadd.s32 $0xFFFFC000  }
0x1a6: {  	[spmem:s3] =	stream.indirect.scatter.add.f32 [tilespmem:s15], [sflag:$0x3], $0x80, s19, s14, $0xb8;
	[tilespmem:$0x1CC00] =	vst v63  }
0x1a7: {  	_ =	swait.ge [sflag:s12], $0x4000  }
0x1a8: {  	[sflag:s12] =	ssyncset.done $0x0  }
0x1a9: {  	[sflag:s12] =	ssyncadd.s32 $0xFFFFC000  }
0x1aa: {  	[tilespmem:s15], [sflag:$0x1] =	stream.indirect.gather [hbm4b:s1+s14], $0x80, s20, s14, $0xb8;
	[tilespmem:$0x1CC00] =	vst v63  }
0x1ab: {  	_ =	swait.ge [sflag:s18], $0x4000  }
0x1ac: {  	[sflag:s18] =	ssyncset.done $0x0  }
0x1ad: {  	[sflag:s18] =	ssyncadd.s32 $0xFFFFC000  }
0x1ae: {  	[spmem:s3] =	stream.indirect.scatter.add.f32 [tilespmem:s16], [sflag:$0x3], $0x80, s21, s14, $0xb8;
	[tilespmem:$0x1CC00] =	vst v63  }
0x1af: {  	_ =	swait.ge [sflag:s12], $0x4000  }
0x1b0: {  	[sflag:s12] =	ssyncset.done $0x0  }
0x1b1: {  	[sflag:s12] =	ssyncadd.s32 $0xFFFFC000  }
0x1b2: {  	[tilespmem:s16], [sflag:$0x2] =	stream.indirect.gather [hbm4b:s1+s14], $0x80, s22, s14, $0xb8;
	[tilespmem:$0x1CC00] =	vst v63  }
0x1b3: {  	_ =	swait.ge [sflag:s17], $0x4000  }
0x1b4: {  	[sflag:s17] =	ssyncset.done $0x0  }
0x1b5: {  	[sflag:s17] =	ssyncadd.s32 $0xFFFFC000  }
0x1b6: {  	[spmem:s3] =	stream.indirect.scatter.add.f32 [tilespmem:s15], [sflag:$0x3], $0x80, s23, s14, $0xb8;
	[tilespmem:$0x1CC00] =	vst v63  }
0x1b7: {  	_ =	swait.ge [sflag:s12], $0x4000  }
0x1b8: {  	[sflag:s12] =	ssyncset.done $0x0  }
0x1b9: {  	[sflag:s12] =	ssyncadd.s32 $0xFFFFC000  }
0x1ba: {  	[tilespmem:s15], [sflag:$0x1] =	stream.indirect.gather [hbm4b:s1+s14], $0x80, s24, s14, $0xb8;
	[tilespmem:$0x1CC00] =	vst v63  }
0x1bb: {  	_ =	swait.ge [sflag:s18], $0x4000  }
0x1bc: {  	[sflag:s18] =	ssyncset.done $0x0  }
0x1bd: {  	[sflag:s18] =	ssyncadd.s32 $0xFFFFC000  }
0x1be: {  	[spmem:s3] =	stream.indirect.scatter.add.f32 [tilespmem:s16], [sflag:$0x3], $0x80, s25, s14, $0xb8;
	[tilespmem:$0x1CC00] =	vst v63  }
0x1bf: {  	_ =	swait.ge [sflag:s12], $0x4000  }
0x1c0: {  	[sflag:s12] =	ssyncset.done $0x0  }
0x1c1: {  	[sflag:s12] =	ssyncadd.s32 $0xFFFFC000  }
0x1c2: {  	[tilespmem:s16], [sflag:$0x2] =	stream.indirect.gather [hbm4b:s1+s14], $0x80, s26, s14, $0xb8;
	[tilespmem:$0x1CC00] =	vst v63  }
0x1c3: {  	_ =	swait.ge [sflag:s17], $0x4000  }
0x1c4: {  	[sflag:s17] =	ssyncset.done $0x0  }
0x1c5: {  	[sflag:s17] =	ssyncadd.s32 $0xFFFFC000  }
0x1c6: {  	[spmem:s3] =	stream.indirect.scatter.add.f32 [tilespmem:s15], [sflag:$0x3], $0x80, s28, s14, $0xb8;
	[tilespmem:$0x1CC00] =	vst v63  }
0x1c7: {  	_ =	swait.ge [sflag:s12], $0x4000  }
0x1c8: {  	[sflag:s12] =	ssyncset.done $0x0  }
0x1c9: {  	[sflag:s12] =	ssyncadd.s32 $0xFFFFC000  }
0x1ca: {  	[tilespmem:s15], [sflag:$0x1] =	stream.indirect.gather [hbm4b:s1+s14], $0x80, s29, s14, $0xb8;
	[tilespmem:$0x1CC00] =	vst v63  }
0x1cb: {  	_ =	swait.ge [sflag:s18], $0x4000  }
0x1cc: {  	[sflag:s18] =	ssyncset.done $0x0  }
0x1cd: {  	[sflag:s18] =	ssyncadd.s32 $0xFFFFC000  }
0x1ce: {  	[spmem:s3] =	stream.indirect.scatter.add.f32 [tilespmem:s16], [sflag:$0x3], $0x80, s30, s14, $0xb8;
	[tilespmem:$0x1CC00] =	vst v63  }
0x1cf: {  	_ =	swait.ge [sflag:s12], $0x4000  }
0x1d0: {  	[sflag:s12] =	ssyncset.done $0x0  }
0x1d1: {  	[sflag:s12] =	ssyncadd.s32 $0xFFFFC000  }
0x1d2: {  	[tilespmem:s16], [sflag:$0x2] =	stream.indirect.gather [hbm4b:s1+s14], $0x80, s31, s14, $0xb8;
	[tilespmem:$0x1CC00] =	vst v63  }
0x1d3: {  	_ =	swait.ge [sflag:s17], $0x4000  }
0x1d4: {  	[sflag:s17] =	ssyncset.done $0x0  }
0x1d5: {  	[sflag:s17] =	ssyncadd.s32 $0xFFFFC000  }
0x1d6: {  	[spmem:s3] =	stream.indirect.scatter.add.f32 [tilespmem:s15], [sflag:$0x3], $0x80, s0, s14, $0xb8;
	[tilespmem:$0x1CC00] =	vst v63  }
0x1d7: {  	_ =	swait.ge [sflag:s12], $0x4000  }
0x1d8: {  	[sflag:s12] =	ssyncset.done $0x0  }
0x1d9: {  	[sflag:s12] =	ssyncadd.s32 $0xFFFFC000  }
0x1da: {  	[tilespmem:s15], [sflag:$0x1] =	stream.indirect.gather [hbm4b:s1+s14], $0x80, s31, s14, $0xb8;
	[tilespmem:$0x1CC00] =	vst v63  }
0x1db: {  	_ =	swait.ge [sflag:s18], $0x4000  }
0x1dc: {  	[sflag:s18] =	ssyncset.done $0x0  }
0x1dd: {  	[sflag:s18] =	ssyncadd.s32 $0xFFFFC000  }
0x1de: {  	[spmem:s3] =	stream.indirect.scatter.add.f32 [tilespmem:s16], [sflag:$0x3], $0x80, s2, s14, $0xb8;
	[tilespmem:$0x1CC00] =	vst v63  }
0x1df: {  	_ =	swait.ge [sflag:s12], $0x4000  }
0x1e0: {  	[sflag:s12] =	ssyncset.done $0x0  }
0x1e1: {  	[sflag:s12] =	ssyncadd.s32 $0xFFFFC000  }
0x1e2: {  	[tilespmem:s16], [sflag:$0x2] =	stream.indirect.gather [hbm4b:s1+s14], $0x80, s31, s14, $0xb8;
	[tilespmem:$0x1CC00] =	vst v63  }
0x1e3: {  	_ =	swait.ge [sflag:s17], $0x4000  }
0x1e4: {  	[sflag:s17] =	ssyncset.done $0x0  }
0x1e5: {  	[sflag:s17] =	ssyncadd.s32 $0xFFFFC000  }
0x1e6: {  	_ =	swait.ge [sflag:s18], $0x4000  }
0x1e7: {  	[sflag:s18] =	ssyncset.done $0x0  }
0x1e8: {  	[sflag:s18] =	ssyncadd.s32 $0xFFFFC000  }
0x1e9: {  	[bflag:$0x0] =	sbarrier.arrive $0xFFFF  }
0x1ea: {  	s7 =	rddreg [dreg:$0x17]  }
0x1eb: {  	[hbm:s7], [sflag:s8] =	dma.local [spmem:s11], $0x2780  }
0x1ec: {  	_ =	swait.ge [sflag:s12], $0x2780  }
0x1ed: {  	s6 =	sadd.s32 $0x1, s6;
	s10 =	rddreg [dreg:$0x18]  }
0x1ee: {  	p0 =	sne.s32 s6, s10  }
.Ltmp3:
0x1ef: {  	_ = 	snop;
	(pc) =	sbr.rel @p0 .LBB2_1-.Ltmp3, $4  }
.Ltmp4:
0x1f0: {  	_ = 	snop;
	(pc) =	sbr.rel @!p0 .LBB2_8-.Ltmp4, $4  }
0x1f1: {  	_ = 	snop  }
0x1f2: {  	[sflag:s12] =	ssyncset.done $0x0  }
0x1f3: {  	[sflag:s12] =	ssyncadd.s32 $0xFFFFD880  }
0x1f4: {  	_ = 	snop  }
.LBB2_2:
.Ltmp5:
0x1f5: {  	(pc) =	sbr.rel .LBB2_7-.Ltmp5, $2  }
0x1f6: {  	_ =	sdelay $0x2  }
0x1f7: {  	s5 =	smov.u32 s9  }
.LBB2_4:
.Ltmp6:
0x1f8: {  	(pc) =	sbr.rel .LBB2_7-.Ltmp6, $2  }
0x1f9: {  	_ =	sdelay $0x2  }
0x1fa: {  	s5 =	smov.u32 s9;
	s11 =	rddreg [dreg:$0x19]  }
.LBB2_8:
0x1fb: {  	_ =	sfence.sel $0x180000  }
0x1fc: {  	[bflag:$0x0] =	sbarrier.arrive $0xFFFF  }
0x1fd: {  	_ =	strace $0x9000004D  }
0x1fe: {  	s0 =	stileid.u32;
	[bflag:$0x2] =	sbarrier.arrive $0xFFFF  }
0x1ff: {  	p0 =	sne.s32 s0, $0x0;
	s0 =	rddreg [dreg:$0x3]  }
0x200: {  	s0 =	sadd.s32 @!p0 $0x100000, s0  }
0x201: {  	[sflag:s0] =	ssyncadd.tile.s32 @!p0 $0x1;
	_ =	shalt  }
.Lfunc_end2:
_tile_overlayer_lowered:
.L_overlay_start_2:
0x202: {  	(tag) =	ssettag $0x2  }
0x203: {  	s0 =	rddreg [dreg:$0x0];
	s2 =	stileid.u32  }
0x204: {  	s1 =	rddreg [dreg:$0x1];
	p0 =	sne.s32 s2, $0x0  }
0x205: {  	s3 =	rddreg [dreg:$0x2];
	[bflag:$0x3] =	sbarrier.arrive $0xFFFF;
	s2 =	simm.s32 @!p0 $0x1C03  }
0x206: {  	[timem:s3], [sflag:s2] =	dma.local @!p0 [hbm:s0], s1  }
0x207: {  	s0 =	simm.s32 @!p0 $0x3  }
0x208: {  	_ =	swait.ge @!p0 [sflag:s0], s1  }
0x209: {  	s1 =	ssub.s32 @!p0 $0x0, s1;
	[sflag:s0] =	ssyncset.done @!p0 $0x0  }
0x20a: {  	[sflag:s0] =	ssyncadd.s32 @!p0 s1  }
0x20b: {  	[bflag:$0x3] =	sbarrier.arrive $0xFFFF  }
0x20c: {  	_ =	shalt  }

// kernel: kernel.8.cloned.1.call-start
scs
__scs_entry_jumppad:
0x0: {  	(pc) =	sbr.rel $0x88, $3  }
0x1: {  	(tag) =	ssettag $0x0;
	lr =	simm.s32 $0x1  }
0x2: {  	[smem:$0x3F9B] =	sst lr;
	_ =	strace $0xD0000000  }
0x3: {  	_ = 	snop  }
0x4: {  	_ = 	snop  }
0x5: {  	_ = 	snop  }
0x6: {  	_ = 	snop  }
0x7: {  	_ = 	snop  }
__scs_overlays_trampoline_lowered:
0x8: {  	[smem:$0x3FAA] =	sst s0  }
0x9: {  	[smem:$0x3FAB] =	sst s1  }
0xa: {  	[smem:$0x3FAC] =	sst s2  }
0xb: {  	[smem:$0x3FAD] =	sst s3  }
0xc: {  	[smem:$0x3FAE] =	sst s4  }
0xd: {  	[smem:$0x3FAF] =	sst s5  }
0xe: {  	[smem:$0x3FB0] =	sst s6  }
0xf: {  	[smem:$0x3FB1] =	sst s7  }
0x10: {  	[smem:$0x3FB2] =	sst s8  }
0x11: {  	[smem:$0x3FB3] =	sst s9;
	s0 =	simm.s32 @!p0 $0x0  }
0x12: {  	s1 =	sld [smem:$0x3F99];
	s0 =	simm.s32 @p0 $0x1  }
0x13: {  	[smem:$0x3FB4] =	sst s0;
	s0 =	simm.s32 @!p1 $0x0  }
0x14: {  	s2 =	sld [smem:$0x3F98];
	s0 =	simm.s32 @p1 $0x1  }
0x15: {  	[smem:$0x3FB5] =	sst s0;
	s0 =	simm.s32 @!p2 $0x0  }
0x16: {  	s3 =	sld [smem:$0x3FDB];
	s0 =	simm.s32 @p2 $0x1  }
0x17: {  	s4 =	simm.s32 $0x1BF5;
	[smem:$0x3FB7] =	sst s0  }
0x18: {  	s0 =	sld [smem:$0x3F9A];
	_ =	swait.ge [sflag:s4], $0x0  }
0x19: {  	s7 =	sld [smem:$0x3F9B]  }
0x1a: {  	s8 =	sadd.s32 $0xFFFFE003, lr  }
0x1b: {  	s9 =	sadd.s32 $0xFFFFFEF7, lr;
	s5 =	simm.s32 $0xFFFFFFFF;
	p2 =	slt.u32 s8, $0xFFFFF086  }
0x1c: {  	p1 =	slt.u32 s9, $0xF7A;
	s5 =	simm.s32 @!p2 $0x0  }
0x1d: {  	s5 =	simm.s32 @p1 $0x1;
	p0 =	seq.s32 s7, s2  }
0x1e: {  	s7 =	smul.u32 @!p0 $0xF7A, s2;
	p2 =	seq.s32 @!p0 s5, $0x0  }
0x1f: {  	s9 =	smul.u32 $0xF7A, s1;
	s8 =	simm.s32 @!p0 $0x1BF5;
	p2 =	por !p2, p0  }
0x20: {  	[sflag:s8] =	ssyncset.s32 @!p0 $0xFFFFF086;
	s6 =	sadd.s32 @!p0 s3, s7;
	s7 =	simm.s32 @!p0 $0x108  }
0x21: {  	s3 =	sadd.s32 s3, s9;
	s6 =	sadd.s32 @!p0 $0x88, s6;
	s7 =	simm.s32 @p2 $0x1082  }
0x22: {  	[simem:s7], [sflag:s8] =	dma.local @!p0 [hbm:s6], $0xF7A  }
0x23: {  	s9 =	sor.u32 $0xD0000000, s2;
	s6 =	simm.s32 $0x108;
	_ =	swait.ge @!p0 [sflag:s8], $0x0  }
0x24: {  	s3 =	sadd.s32 $0x88, s3;
	s6 =	simm.s32 @!p1 $0x1082;
	[sflag:s4] =	ssyncset.s32 $0xFFFFF086  }
0x25: {  	[simem:s6], [sflag:s4] =	dma.local [hbm:s3], $0xF7A  }
0x26: {  	[smem:$0x3F9B] =	sst s1;
	(tag) =	ssettag s2;
	_ =	strace s9  }
0x27: {  	s1 =	sld [smem:$0x3FAB]  }
0x28: {  	s2 =	sld [smem:$0x3FAC]  }
0x29: {  	s4 =	sld [smem:$0x3FAE]  }
0x2a: {  	p0 =	seq.s32 s5, $0x0;
	s5 =	sld [smem:$0x3FAF]  }
0x2b: {  	s6 =	sld [smem:$0x3FB0]  }
0x2c: {  	s7 =	sld [smem:$0x3FB1]  }
0x2d: {  	s3 =	simm.s32 $0x108;
	s8 =	sld [smem:$0x3FB2]  }
0x2e: {  	s3 =	simm.s32 @!p0 $0x1082;
	s9 =	sld [smem:$0x3FB3]  }
0x2f: {  	lr =	sadd.s32 s0, s3;
	s0 =	sld [smem:$0x3FAA]  }
0x30: {  	s3 =	sld [smem:$0x3FAD]  }
0x31: {  	[smem:$0x3FB6] =	sst s10  }
0x32: {  	s10 =	sld [smem:$0x3FB4];
	_ =	sdelay $0x3  }
0x33: {  	p0 =	seq.s32 s10, $0x1;
	s10 =	sld [smem:$0x3FB6];
	_ =	sdelay $0x3  }
0x34: {  	[smem:$0x3FB6] =	sst s10  }
0x35: {  	s10 =	sld [smem:$0x3FB5];
	_ =	sdelay $0x3  }
0x36: {  	p1 =	seq.s32 s10, $0x1;
	s10 =	sld [smem:$0x3FB6];
	_ =	sdelay $0x3  }
0x37: {  	[smem:$0x3FB6] =	sst s10  }
0x38: {  	s10 =	sld [smem:$0x3FB7]  }
0x39: {  	_ = 	snop;
	(pc) =	sbr.ind lr, $3  }
0x3a: {  	_ = 	snop  }
0x3b: {  	_ = 	snop  }
0x3c: {  	p2 =	seq.s32 s10, $0x1;
	s10 =	sld [smem:$0x3FB6]  }
0x3d: {  	_ =	shalt  }
0x3e: {  	_ =	shalt  }
0x3f: {  	_ =	shalt  }
0x40: {  	_ =	shalt  }
0x41: {  	_ =	shalt  }
0x42: {  	_ =	shalt  }
0x43: {  	_ =	shalt  }
0x44: {  	_ =	shalt  }
0x45: {  	_ =	shalt  }
0x46: {  	_ =	shalt  }
0x47: {  	_ =	shalt  }
0x48: {  	_ =	shalt  }
0x49: {  	_ =	shalt  }
0x4a: {  	_ =	shalt  }
0x4b: {  	_ =	shalt  }
0x4c: {  	_ =	shalt  }
0x4d: {  	_ =	shalt  }
0x4e: {  	_ =	shalt  }
0x4f: {  	_ =	shalt  }
0x50: {  	_ =	shalt  }
0x51: {  	_ =	shalt  }
0x52: {  	_ =	shalt  }
0x53: {  	_ =	shalt  }
0x54: {  	_ =	shalt  }
0x55: {  	_ =	shalt  }
0x56: {  	_ =	shalt  }
0x57: {  	_ =	shalt  }
0x58: {  	_ =	shalt  }
0x59: {  	_ =	shalt  }
0x5a: {  	_ =	shalt  }
0x5b: {  	_ =	shalt  }
0x5c: {  	_ =	shalt  }
0x5d: {  	_ =	shalt  }
0x5e: {  	_ =	shalt  }
0x5f: {  	_ =	shalt  }
0x60: {  	_ =	shalt  }
0x61: {  	_ =	shalt  }
0x62: {  	_ =	shalt  }
0x63: {  	_ =	shalt  }
0x64: {  	_ =	shalt  }
0x65: {  	_ =	shalt  }
0x66: {  	_ =	shalt  }
0x67: {  	_ =	shalt  }
0x68: {  	_ =	shalt  }
0x69: {  	_ =	shalt  }
0x6a: {  	_ =	shalt  }
0x6b: {  	_ =	shalt  }
0x6c: {  	_ =	shalt  }
0x6d: {  	_ =	shalt  }
0x6e: {  	_ =	shalt  }
0x6f: {  	_ =	shalt  }
0x70: {  	_ =	shalt  }
0x71: {  	_ =	shalt  }
0x72: {  	_ =	shalt  }
0x73: {  	_ =	shalt  }
0x74: {  	_ =	shalt  }
0x75: {  	_ =	shalt  }
0x76: {  	_ =	shalt  }
0x77: {  	_ =	shalt  }
0x78: {  	_ =	shalt  }
0x79: {  	_ =	shalt  }
0x7a: {  	_ =	shalt  }
0x7b: {  	_ =	shalt  }
0x7c: {  	_ =	shalt  }
0x7d: {  	_ =	shalt  }
0x7e: {  	_ =	shalt  }
0x7f: {  	_ =	shalt  }
0x80: {  	_ =	shalt  }
0x81: {  	_ =	shalt  }
0x82: {  	_ =	shalt  }
0x83: {  	_ =	shalt  }
0x84: {  	_ =	shalt  }
0x85: {  	_ =	shalt  }
0x86: {  	_ =	shalt  }
0x87: {  	_ =	shalt  }
.Lfunc_end0:
.L_simem_size_0:
called_computation_lowered:
.L_overlay_start_0:
0x88: {  	s2 =	sld [smem:$0x3FD9]  }
0x89: {  	s3 =	sld [smem:$0x3FFE];
	_ =	sdelay $0x1  }
0x8a: {  	s1 =	srdreg.scid  }
0x8b: {  	s0 =	sand.u32 $0x1, s1  }
0x8c: {  	s17 =	sshll.u32 s0, $0xA;
	s2 =	sadd.s32 s3, s2  }
0x8d: {  	s2 =	sadd.s32 s2, s17  }
0x8e: {  	[smem:$0x3FC2] =	sst s2  }
0x8f: {  	_ = 	snop  }
0x90: {  	s2 =	sld [smem:$0x3FD0];
	(tm) =	ssettm $0x1  }
0x91: {  	s18 =	sld [smem:$0x3FFB];
	_ =	sdelay $0x3  }
0x92: {  	_ =	strace s18  }
0x93: {  	s3 =	sld [smem:$0x3FFC];
	_ =	sdelay $0x3  }
0x94: {  	_ =	strace s3  }
0x95: {  	s3 =	sld [smem:$0x3FFD];
	_ =	sdelay $0x3  }
0x96: {  	_ =	strace s3  }
0x97: {  	_ =	strace $0x8FFFFFFF  }
0x98: {  	s19 =	sld [smem:$0x3FDB];
	_ =	sdelay $0x1  }
0x99: {  	s4 =	simm.s32 $_scs_section_size  }
0x9a: {  	s5 =	simm.s32 $_size__tile_overlayer_lowered;
	s6 =	simm.s32 $_tile_overlayer_lowered  }
0x9b: {  	s22 =	simm.s32 $0x1BFF;
	s21 =	sshll.u32 s6, $0x1;
	s3 =	sadd.s32 s4, s19  }
0x9c: {  	s7 =	simm.s32 $0x0;
	s20 =	sshll.u32 s5, $0x1;
	s5 =	sadd.s32 s21, s3  }
0x9d: {  	[timem:s7], [sflag:s22] =	dma.local [hbm:s5], s20  }
0x9e: {  	_ =	swait.ge [sflag:s22], s20  }
0x9f: {  	s4 =	ssub.s32 $0x0, s20;
	[sflag:s22] =	ssyncset.done $0x0  }
0xa0: {  	[sflag:s22] =	ssyncadd.s32 s4;
	_ =	sdelay $0x1  }
0xa1: {  	s23 =	simm.s32 $0x1B8B  }
0xa2: {  	_ =	swait.ge [sflag:s23], $0x1  }
0xa3: {  	[sflag:s23] =	ssyncset.done $0x0  }
0xa4: {  	s25 =	simm.s32 $0x1B8E;
	s24 =	sld [smem:$0x3FFE];
	[sflag:s23] =	ssyncadd.s32 $0xFFFFFFFF  }
0xa5: {  	s26 =	simm.s32 $execute0_lowered;
	[smem:$0x3FD2] =	sst s25  }
0xa6: {  	s5 =	sshll.u32 s26, $0x1;
	_ =	strace $0x80000046;
	[dreg:$0x1] =	wrdreg $0xFFFFFFFF  }
0xa7: {  	s28 =	simm.s32 $_size_execute0_lowered;
	s3 =	sadd.s32 s3, s5;
	[dreg:$0x0] =	wrdreg $0x0  }
0xa8: {  	s5 =	sshll.u32 s28, $0x1;
	[dreg:$0x2] =	wrdreg s3  }
0xa9: {  	[dreg:$0x3] =	wrdreg s5  }
0xaa: {  	[dreg:$0x4] =	wrdreg $0xC0  }
0xab: {  	_ =	task [dreg:s7], $0x5FFFF  }
0xac: {  	[dreg:$0x1] =	wrdreg $0xFFFFFFFF  }
0xad: {  	[dreg:$0x0] =	wrdreg $0x60  }
0xae: {  	[dreg:$0x2] =	wrdreg s24  }
0xaf: {  	[dreg:$0x3] =	wrdreg s2  }
0xb0: {  	[dreg:$0x4] =	wrdreg $0x68000  }
0xb1: {  	[dreg:$0x5] =	wrdreg $0x9  }
0xb2: {  	_ =	task.clear_ibuf [dreg:s7], $0x6FFFF;
	_ =	strace $0x90000046  }
0xb3: {  	s29 =	simm.s32 $0x9;
	_ =	strace $0x80000048  }
0xb4: {  	_ =	swait.ge [sflag:s29], $0x1  }
0xb5: {  	[sflag:s29] =	ssyncadd.s32 $0xFFFFFFFF  }
0xb6: {  	_ =	strace $0x90000048  }
0xb7: {  	_ =	sfence  }
0xb8: {  	s30 =	sld [smem:$0x0];
	_ =	sdelay $0x2  }
0xb9: {  	s31 =	sshll.u32 s1, $0xD;
	s1 =	sshrl.u32 s1, $0x2  }
0xba: {  	s3 =	sand.u32 $0x4000, s31;
	s1 =	sadd.s32 s1, s30  }
0xbb: {  	s0 =	sor.u32 s3, s0;
	s1 =	sshll.u32 s1, $0x11  }
0xbc: {  	s0 =	sor.u32 s1, s0  }
0xbd: {  	s0 =	sadd.s32 $0x8F2B, s0  }
0xbe: {  	[sflag:s0] =	ssyncadd.remote.s32 $0x1  }
0xbf: {  	_ =	sfence.sel $0xFFFF  }
0xc0: {  	[dreg:$0x0] =	wrdreg $0xFFFFFFFF;
	(pc) =	sbr.abs _section_cstart, $3  }
0xc1: {  	[dreg:$0x1] =	wrdreg $0xFFFFFFFF  }
0xc2: {  	_ =	task.clear_ibuf [dreg:s7], $0x2FFFF;
	_ =	strace $0x9FFFFFFF  }
0xc3: {  	(tm) =	ssettm $0x7FFFFFFF  }
tec
execute0_lowered:
.L_overlay_start_1:
0x0: {  	(tag) =	ssettag $0x1  }
0x1: {  	s5 =	rddreg [dreg:$0x0]  }
0x2: {  	s1 =	srdreg.scid;
	s2 =	rddreg [dreg:$0x1]  }
0x3: {  	s0 =	stileid.u32;
	s3 =	rddreg [dreg:$0x2]  }
0x4: {  	s4 =	simm.s32 $0x0;
	s13 =	simm.s32 $0x80;
	s14 =	simm.s32 $0x0  }
0x5: {  	s6 =	sand.u32 $0x1, s1;
	s28 =	sshll.u32 s0, $0x1;
	s8 =	smul.u32 $0x13C00, s0  }
0x6: {  	[smem:$0x7FF] =	sst s4;
	s29 =	smul.u32 $0x4F000, s0;
	s31 =	sshll.u32 s0, $0x6  }
0x7: {  	s1 =	sor.u32 s6, s28;
	s9 =	smul.u32 $0x13C000, s6;
	s6 =	ssub.s32 $0x2, s6  }
0x8: {  	s7 =	smul.u32 $0x500, s1;
	s1 =	rddreg [dreg:$0x3];
	_ =	strace $0x80000047  }
0x9: {  	s10 =	sshrl.u32 s8, $0x3;
	s11 =	sshrl.u32 s6, $0x1;
	s30 =	sshrl.u32 s29, $0x2  }
0xa: {  	s8 =	sadd.s32 s8, s9;
	s10 =	sadd.s32 s10, s5;
	s11 =	ssub.s32 s6, s11  }
0xb: {  	s12 =	sadd.s32 s30, s3;
	s9 =	simm.s32 $0x1;
	s7 =	sadd.s32 s7, s5  }
0xc: {  	s8 =	sshrl.u32 s8, $0x3;
	s6 =	sadd.s32 $0x16A00, s10;
	s10 =	simm.s32 $0x2800  }
0xd: {  	s12 =	sshrl.u32 s12, $0x3;
	s8 =	sadd.s32 s8, s5;
	s5 =	sadd.s32 $0xCA00, s7  }
0xe: {  	s7 =	sadd.s32 $0x3E200, s8;
	s8 =	smax.u32 s11, $0x1;
	s11 =	sor.u32 $0x1C01, s31  }
.LBB2_1:
0xf: {  	[tilespmem:s4], [sflag:$0x1] =	stream.linear.gather [hbm4b:s5+s4], $0x2800, $0x38;
	[tilespmem:$0x1A400] =	vst v63  }
0x10: {  	_ =	swait.ge [sflag:s9], $0x2800  }
0x11: {  	[sflag:s9] =	ssyncset.done $0x0  }
0x12: {  	[sflag:s9] =	ssyncadd.s32 $0xFFFFD800  }
0x13: {  	[tilespmem:s10], [sflag:$0x1] =	stream.linear.gather [hbm4b:s2+s4], $0x4000, $0x38;
	[tilespmem:$0x1A400] =	vst v63  }
0x14: {  	_ =	swait.ge [sflag:s9], $0x4000  }
0x15: {  	[sflag:s9] =	ssyncset.done $0x0  }
0x16: {  	[sflag:s9] =	ssyncadd.s32 $0xFFFFC000  }
0x17: {  	[spmem:s12], [sflag:s11] =	dma.local [hbm:s6], $0x2780  }
0x18: {  	_ =	swait.ge [sflag:s9], $0x2780  }
0x19: {  	[sflag:s9] =	ssyncset.done $0x0  }
0x1a: {  	[sflag:s9] =	ssyncadd.s32 $0xFFFFD880  }
0x1b: {  	s15 =	simm.s32 $0x0;
	[bflag:$0x0] =	sbarrier.arrive $0xFFFF  }
0x1c: {  	[spmem:s3] =	stream.indirect.scatter.add.f32 [tilespmem:s10], [sflag:$0x1], $0x80, s15, s13, $0xb8;
	[tilespmem:$0x1A400] =	vst v63  }
0x1d: {  	_ =	swait.ge [sflag:s9], $0x4000  }
0x1e: {  	s15 =	simm.s32 $0x200;
	[sflag:s9] =	ssyncset.done $0x0  }
.LBB2_2:
0x1f: {  	s16 =	sshra.s32 s15, $0x2;
	[sflag:s9] =	ssyncadd.s32 $0xFFFFC000;
	p0 =	sne.s32 s15, $0x9E00  }
0x20: {  	[spmem:s3] =	stream.indirect.scatter.add.f32 [tilespmem:s10], [sflag:$0x1], $0x80, s16, s13, $0xb8;
	[tilespmem:$0x1A400] =	vst v63  }
.Ltmp0:
0x21: {  	_ = 	snop;
	(pc) =	sbr.rel @p0 .LBB2_2-.Ltmp0, $4  }
0x22: {  	_ = 	snop  }
0x23: {  	s15 =	sadd.s32 $0x200, s15  }
0x24: {  	_ =	swait.ge [sflag:s9], $0x4000  }
0x25: {  	[sflag:s9] =	ssyncset.done $0x0  }
0x26: {  	s14 =	sadd.s32 $0x1, s14  }
0x27: {  	[sflag:s9] =	ssyncadd.s32 $0xFFFFC000;
	p0 =	sne.s32 s14, s8  }
.Ltmp1:
0x28: {  	[bflag:$0x0] =	sbarrier.arrive $0xFFFF;
	(pc) =	sbr.rel @p0 .LBB2_1-.Ltmp1, $4  }
0x29: {  	[hbm:s7], [sflag:s11] =	dma.local [spmem:s12], $0x2780  }
0x2a: {  	_ =	swait.ge [sflag:s9], $0x2780  }
0x2b: {  	[sflag:s9] =	ssyncset.done $0x0  }
0x2c: {  	[sflag:s9] =	ssyncadd.s32 $0xFFFFD880  }
0x2d: {  	_ =	sfence.sel $0x180000  }
0x2e: {  	[bflag:$0x0] =	sbarrier.arrive $0xFFFF  }
0x2f: {  	p0 =	sne.s32 s0, $0x0;
	_ =	strace $0x90000047  }
0x30: {  	s0 =	sadd.s32 @!p0 $0x100000, s1;
	[bflag:$0x2] =	sbarrier.arrive $0xFFFF  }
0x31: {  	[sflag:s0] =	ssyncadd.tile.s32 @!p0 $0x1;
	_ =	shalt  }
.Lfunc_end2:
_tile_overlayer_lowered:
.L_overlay_start_2:
0x32: {  	(tag) =	ssettag $0x2  }
0x33: {  	s0 =	rddreg [dreg:$0x0];
	s2 =	stileid.u32  }
0x34: {  	s1 =	rddreg [dreg:$0x1];
	p0 =	sne.s32 s2, $0x0  }
0x35: {  	s3 =	rddreg [dreg:$0x2];
	[bflag:$0x3] =	sbarrier.arrive $0xFFFF;
	s2 =	simm.s32 @!p0 $0x1C01  }
0x36: {  	[timem:s3], [sflag:s2] =	dma.local @!p0 [hbm:s0], s1  }
0x37: {  	s0 =	simm.s32 @!p0 $0x1  }
0x38: {  	_ =	swait.ge @!p0 [sflag:s0], s1  }
0x39: {  	s1 =	ssub.s32 @!p0 $0x0, s1;
	[sflag:s0] =	ssyncset.done @!p0 $0x0  }
0x3a: {  	[sflag:s0] =	ssyncadd.s32 @!p0 s1  }
0x3b: {  	[bflag:$0x3] =	sbarrier.arrive $0xFFFF  }
0x3c: {  	_ =	shalt  }

</sc_bundles>
